<compile_context>
chip_gen: v7x
topology: tpu7x:2x2x1
jax: 0.10.2.dev20260603
libtpu: 0.0.44.dev20260713+nightly
codegen_flags: <defaults>
</compile_context>

<pallas_src>
import functools

import jax
import jax.numpy as jnp
from jax import lax
from jax.experimental import pallas as pl
from jax.experimental.pallas import tpu as pltpu
from jax.experimental.pallas import tpu_sc as plsc

N = 10000
E = 320000
D = 128
G = 16
NC = 2
NS = 16
NW = NC * NS
CH = 128
NWAVE = 156
HALF = N // 2


def _sc_agg_body(h_hbm, src_hbm, dst0_hbm, dst1_hbm, srcp_hbm, dstp0_hbm,
                 dstp1_hbm, zero_hbm, out_hbm, src_v, dst_v, rows_a, rows_b,
                 rows_c, acc, sem_a, sem_b, sem_c):
    c = lax.axis_index("c")
    s = lax.axis_index("s")
    base = c * HALF
    lo = s * 312 + jnp.where(s > 0, 8, 0)
    lo = pl.multiple_of(lo, 8)

    @pl.when(s == 0)
    def _():
        pltpu.sync_copy(zero_hbm, acc.at[pl.ds(0, 320)])

    @pl.when(s > 0)
    def _():
        pltpu.sync_copy(zero_hbm.at[pl.ds(0, 312)], acc.at[pl.ds(lo, 312)])

    pltpu.sync_copy(src_hbm.at[s], src_v)

    @pl.when(c == 0)
    def _():
        pltpu.sync_copy(dst0_hbm.at[s], dst_v)

    @pl.when(c == 1)
    def _():
        pltpu.sync_copy(dst1_hbm.at[s], dst_v)

    plsc.subcore_barrier()

    pltpu.async_copy(h_hbm.at[src_v.at[0]], rows_a, sem_a)
    pltpu.async_copy(h_hbm.at[src_v.at[1]], rows_b, sem_b)
    pltpu.async_copy(h_hbm.at[src_v.at[2]], rows_c, sem_c)

    def wave(t, buf, sem):
        pltpu.make_async_copy(h_hbm.at[src_v.at[t]], buf, sem).wait()
        pltpu.sync_copy(buf, acc.at[dst_v.at[t]], add=True)
        plsc.subcore_barrier()

        @pl.when(t + 3 < NWAVE)
        def _():
            pltpu.async_copy(h_hbm.at[src_v.at[t + 3]], buf, sem)

    def triple(i, carry):
        wave(3 * i, rows_a, sem_a)
        wave(3 * i + 1, rows_b, sem_b)
        wave(3 * i + 2, rows_c, sem_c)
        return carry

    lax.fori_loop(0, NWAVE // 3, triple, 0)

    pltpu.sync_copy(srcp_hbm.at[pl.ds(s * 32, 32)], src_v.at[0, pl.ds(0, 32)])

    @pl.when(c == 0)
    def _():
        pltpu.sync_copy(dstp0_hbm.at[pl.ds(s * 32, 32)],
                        dst_v.at[0, pl.ds(0, 32)])

    @pl.when(c == 1)
    def _():
        pltpu.sync_copy(dstp1_hbm.at[pl.ds(s * 32, 32)],
                        dst_v.at[0, pl.ds(0, 32)])
    pltpu.async_copy(h_hbm.at[src_v.at[0, pl.ds(0, 32)]],
                     rows_a.at[pl.ds(0, 32)], sem_a).wait()
    pltpu.sync_copy(rows_a.at[pl.ds(0, 32)],
                    acc.at[dst_v.at[0, pl.ds(0, 32)]], add=True)
    plsc.subcore_barrier()

    @pl.when(s == 0)
    def _():
        pltpu.sync_copy(acc.at[pl.ds(0, 320)],
                        out_hbm.at[pl.ds(pl.multiple_of(base, 8), 320)])

    @pl.when(s > 0)
    def _():
        pltpu.sync_copy(acc.at[pl.ds(lo, 312)],
                        out_hbm.at[pl.ds(pl.multiple_of(base + lo, 8), 312)])


@functools.cache
def _get_sc_agg():
    mesh = plsc.VectorSubcoreMesh(
        core_axis_name="c", subcore_axis_name="s",
        num_cores=NC, num_subcores=NS)
    return pl.kernel(
        _sc_agg_body,
        out_type=jax.ShapeDtypeStruct((N, D), jnp.float32),
        mesh=mesh,
        scratch_types=[
            pltpu.VMEM((NWAVE, CH), jnp.int32),
            pltpu.VMEM((NWAVE, CH), jnp.int32),
            pltpu.VMEM((CH, D), jnp.float32),
            pltpu.VMEM((CH, D), jnp.float32),
            pltpu.VMEM((CH, D), jnp.float32),
            pltpu.VMEM_SHARED((HALF + 16, D), jnp.float32),
            pltpu.SemaphoreType.DMA,
            pltpu.SemaphoreType.DMA,
            pltpu.SemaphoreType.DMA,
        ],
    )


def _dense_body(h_ref, a_ref, w1_ref, b1_ref, w2_ref, b2_ref, g_ref, bb_ref,
                o_ref, *, leaky):
    z = h_ref[:] + a_ref[:]
    z = jnp.dot(z, w1_ref[:], preferred_element_type=jnp.float32) + b1_ref[:]
    z = jnp.maximum(z, 0.0)
    z = jnp.dot(z, w2_ref[:], preferred_element_type=jnp.float32) + b2_ref[:]
    mu = jnp.mean(z, axis=0, keepdims=True)
    zc = z - mu
    var = jnp.mean(zc * zc, axis=0, keepdims=True)
    z = zc / jnp.sqrt(var + 1e-5) * g_ref[:] + bb_ref[:]
    if leaky:
        z = jnp.where(z >= 0.0, z, 0.01 * z)
    o_ref[:] = z


_tc_layer = pl.pallas_call(
    functools.partial(_dense_body, leaky=True),
    out_shape=jax.ShapeDtypeStruct((N, D), jnp.float32),
)


def _final_body(h_ref, a_ref, w1_ref, b1_ref, w2_ref, b2_ref, g_ref, bb_ref,
                batch_ref, wc_ref, bc_ref, o_ref):
    z = h_ref[:] + a_ref[:]
    z = jnp.dot(z, w1_ref[:], preferred_element_type=jnp.float32) + b1_ref[:]
    z = jnp.maximum(z, 0.0)
    z = jnp.dot(z, w2_ref[:], preferred_element_type=jnp.float32) + b2_ref[:]
    mu = jnp.mean(z, axis=0, keepdims=True)
    zc = z - mu
    var = jnp.mean(zc * zc, axis=0, keepdims=True)
    z = zc / jnp.sqrt(var + 1e-5) * g_ref[:] + bb_ref[:]
    onehot = (batch_ref[:] == lax.broadcasted_iota(jnp.int32, (N, G), 1)
              ).astype(jnp.float32)
    cnt = lax.dot_general(onehot, jnp.ones((N, 1), jnp.float32),
                          (((0,), (0,)), ((), ())),
                          preferred_element_type=jnp.float32,
                          precision=lax.Precision.HIGHEST)
    seg = lax.dot_general(onehot, z, (((0,), (0,)), ((), ())),
                          preferred_element_type=jnp.float32,
                          precision=lax.Precision.HIGHEST)
    pooled = seg / jnp.maximum(cnt, 1.0)
    o_ref[:] = jnp.dot(pooled, wc_ref[:],
                       preferred_element_type=jnp.float32) + bc_ref[:]


def kernel(x, edge_index, batch, params):
    nmain = NWAVE * NS * CH
    src_r = edge_index[0][:nmain].reshape(NWAVE, NS, CH).transpose(1, 0, 2)
    dst_r = edge_index[1][:nmain].reshape(NWAVE, NS, CH).transpose(1, 0, 2)
    dst0 = jnp.where(dst_r < HALF, dst_r, HALF)
    dst1 = jnp.where(dst_r >= HALF, dst_r - HALF, HALF)
    src_p = edge_index[0][nmain:]
    dst_p = edge_index[1][nmain:]
    dst_p0 = jnp.where(dst_p < HALF, dst_p, HALF)
    dst_p1 = jnp.where(dst_p >= HALF, dst_p - HALF, HALF)
    zeros = jnp.zeros((320, D), jnp.float32)
    batch2d = batch.reshape(N, 1)
    n_out3 = params['bc'].shape[0]

    tc_final = pl.pallas_call(
        _final_body,
        out_shape=jax.ShapeDtypeStruct((G, n_out3), jnp.float32),
    )

    sc_agg = _get_sc_agg()
    h = x
    for l in range(3):
        p = params[f'gin{l}']
        agg = sc_agg(h, src_r, dst0, dst1, src_p, dst_p0, dst_p1, zeros)
        args = (h, agg, p['W1'], p['b1'].reshape(1, D), p['W2'],
                p['b2'].reshape(1, D), params[f'bn{l}_g'].reshape(1, D),
                params[f'bn{l}_b'].reshape(1, D))
        if l < 2:
            h = _tc_layer(*args)
        else:
            coords = tc_final(*args, batch2d, params['Wc'],
                              params['bc'].reshape(1, n_out3))
    return coords.reshape(-1, 3)

# --- scband reference (transcript-rebuilt; emitter-appended) ---
"""Pipeline reference for scband-c-ignr-79499844649422 (READ-ONLY COPY).

The authoritative reference and input builder live on the scoring server;
editing this copy changes nothing except your own understanding.
"""

import jax, jax.numpy as jnp
import numpy as np

N_NODES = 10000
N_EDGES = 320000
D = 128
NUM_GRAPHS = 16
NUM_LAYER = 3
N_OUT = 273


def setup_inputs(seed: int = 0) -> dict:
    key = jax.random.key(seed)
    ks = jax.random.split(key, 32)
    x = jax.random.normal(ks[0], (N_NODES, D), dtype=jnp.float32)
    edge_index = jax.random.randint(ks[1], (2, N_EDGES), 0, N_NODES, dtype=jnp.int32)
    batch = jnp.sort(jax.random.randint(ks[2], (N_NODES,), 0, NUM_GRAPHS, dtype=jnp.int32))
    params = {}
    ki = 3
    for l in range(NUM_LAYER):
        params[f'gin{l}'] = {
            'W1': jax.random.normal(ks[ki + 0], (D, D), dtype=jnp.float32) * 0.05,
            'b1': jnp.zeros((D,), dtype=jnp.float32),
            'W2': jax.random.normal(ks[ki + 1], (D, D), dtype=jnp.float32) * 0.05,
            'b2': jnp.zeros((D,), dtype=jnp.float32),
        }
        params[f'bn{l}_g'] = jnp.ones((D,), dtype=jnp.float32)
        params[f'bn{l}_b'] = jnp.zeros((D,), dtype=jnp.float32)
        ki += 2
    params['Wc'] = jax.random.normal(ks[ki], (D, N_OUT * 3), dtype=jnp.float32) * 0.05
    params['bc'] = jnp.zeros((N_OUT * 3,), dtype=jnp.float32)
    return {'x': x, 'edge_index': edge_index, 'batch': batch, 'params': params}


def _forward(x, params, edge_index, batch):
    src = edge_index[0]
    dst = edge_index[1]
    h = x
    for l in range(NUM_LAYER):
        p = params[f'gin{l}']
        # GIN conv: sum-aggregate neighbor messages via scatter-add, then 2-layer MLP
        agg = jnp.zeros_like(h).at[dst].add(h[src])
        z = h + agg  # eps = 0
        z = z @ p['W1'] + p['b1']
        z = jax.nn.relu(z)
        z = z @ p['W2'] + p['b2']
        # BatchNorm1d (training-mode batch statistics)
        mu = jnp.mean(z, axis=0)
        var = jnp.var(z, axis=0)
        z = (z - mu) / jnp.sqrt(var + 1e-5)
        z = z * params[f'bn{l}_g'] + params[f'bn{l}_b']
        if l == NUM_LAYER - 1:
            h = z  # dropout p=0.0 is identity
        else:
            h = jax.nn.leaky_relu(z, negative_slope=0.01)
    # global mean pool via segment sum
    ones = jnp.ones((h.shape[0],), dtype=h.dtype)
    counts = jax.ops.segment_sum(ones, batch, num_segments=NUM_GRAPHS)
    graph_rep = jax.ops.segment_sum(h, batch, num_segments=NUM_GRAPHS) / jnp.maximum(counts, 1.0)[:, None]
    # node_representation = F.normalize(h) is computed in encode but unused by forward output
    coords_pred = graph_rep @ params['Wc'] + params['bc']
    return coords_pred.reshape(-1, 3)


def reference(x, edge_index, batch, params):
    return _forward(x, params, edge_index, batch)

if __name__ == "__main__":
    import jax
    _d = setup_inputs()
    print(jax.jit(kernel)(*tuple(_d.values())))

</pallas_src>

<mosaic_0001>
#map = affine_map<(d0, d1) -> (0, 0)>
#map1 = affine_map<(d0, d1) -> (0, 0, 0)>
#map2 = affine_map<(d0, d1) -> (0)>
module attributes {stable_mosaic.version = 14 : i64} {
  func.func @_sc_agg_body(%arg0: i32, %arg1: i32, %arg2: memref<10000x128xf32, #tpu.memory_space<hbm>>, %arg3: memref<16x156x128xi32, #tpu.memory_space<hbm>>, %arg4: memref<16x156x128xi32, #tpu.memory_space<hbm>>, %arg5: memref<16x156x128xi32, #tpu.memory_space<hbm>>, %arg6: memref<512xi32, #tpu.memory_space<hbm>>, %arg7: memref<512xi32, #tpu.memory_space<hbm>>, %arg8: memref<512xi32, #tpu.memory_space<hbm>>, %arg9: memref<320x128xf32, #tpu.memory_space<hbm>>, %arg10: memref<10000x128xf32, #tpu.memory_space<hbm>>, %arg11: memref<156x128xi32, #tpu.memory_space<vmem>>, %arg12: memref<156x128xi32, #tpu.memory_space<vmem>>, %arg13: memref<128x128xf32, #tpu.memory_space<vmem>>, %arg14: memref<128x128xf32, #tpu.memory_space<vmem>>, %arg15: memref<128x128xf32, #tpu.memory_space<vmem>>, %arg16: memref<5016x128xf32, #tpu.memory_space<vmem_shared>>, %arg17: memref<!tpu.dma_semaphore, #tpu.memory_space<semaphore_mem>>, %arg18: memref<!tpu.dma_semaphore, #tpu.memory_space<semaphore_mem>>, %arg19: memref<!tpu.dma_semaphore, #tpu.memory_space<semaphore_mem>>) attributes {dimension_semantics = [#tpu.dimension_semantics<core_parallel>, #tpu.dimension_semantics<subcore_parallel>], iteration_bounds = array<i64: 2, 16>, scalar_prefetch = 0 : i64, scratch_operands = 9 : i64, tpu.core_type = #tpu.core_type<sc_vector_subcore>, window_params = [{transform_indices = #map}, {transform_indices = #map1}, {transform_indices = #map1}, {transform_indices = #map1}, {transform_indices = #map2}, {transform_indices = #map2}, {transform_indices = #map2}, {transform_indices = #map}, {transform_indices = #map}]} {
    %mul3A = arith.constant 5000 : i32
    %mul3A_0 = arith.muli %arg0, %mul3A : i32
    %mul3A_1 = arith.constant 312 : i32
    %mul3A_2 = arith.muli %arg1, %mul3A_1 : i32
    %gt3A = arith.constant 0 : i32
    %gt3A_3 = arith.cmpi sgt, %arg1, %gt3A : i32
    %jit3A = arith.constant 8 : i32
    %jit3A_4 = arith.constant 0 : i32
    %select_n3A = arith.select %gt3A_3, %jit3A, %jit3A_4 : i32
    %add3A = arith.addi %mul3A_2, %select_n3A : i32
    %multiple_of3A = tpu.assume_multiple %add3A, 8 : i32
    %eq3A = arith.constant 0 : i32
    %eq3A_5 = arith.cmpi eq, %arg1, %eq3A : i32
    %convert_element_type3A = arith.extui %eq3A_5 : i1 to i32
    %cond3A = arith.constant 0 : i32
    %cond3A_6 = arith.cmpi ne, %convert_element_type3A, %cond3A : i32
    scf.if %cond3A_6 {
      "tpu.region"() ({
        %run_scoped3A_90 = tpu.sem_alloc : memref<!tpu.dma_semaphore, #tpu.memory_space<semaphore_mem>>
        %dma_start3A_91 = arith.constant 0 : i32
        %dma_start3A_92 = arith.constant 0 : i32
        %dma_start3A_93 = tpu.memref_slice %arg16[%dma_start3A_91, %dma_start3A_92] : memref<5016x128xf32, #tpu.memory_space<vmem_shared>> -> memref<320x128xf32, #tpu.memory_space<vmem_shared>>
        tpu.enqueue_dma source(%arg9 : memref<320x128xf32, #tpu.memory_space<hbm>>) target(%dma_start3A_93 : memref<320x128xf32, #tpu.memory_space<vmem_shared>>) target_semaphore(%run_scoped3A_90 : memref<!tpu.dma_semaphore, #tpu.memory_space<semaphore_mem>>)
        %dma_wait3A_94 = arith.constant 0 : i32
        %dma_wait3A_95 = arith.constant 0 : i32
        %dma_wait3A_96 = tpu.memref_slice %arg16[%dma_wait3A_94, %dma_wait3A_95] : memref<5016x128xf32, #tpu.memory_space<vmem_shared>> -> memref<320x128xf32, #tpu.memory_space<vmem_shared>>
        tpu.wait_dma2 semaphore(%run_scoped3A_90 : memref<!tpu.dma_semaphore, #tpu.memory_space<semaphore_mem>>) src(%arg9 : memref<320x128xf32, #tpu.memory_space<hbm>>) dst(%dma_wait3A_96 : memref<320x128xf32, #tpu.memory_space<vmem_shared>>)
        tpu.yield
      }) : () -> ()
    } else {
    }
    %gt3A_7 = arith.constant 0 : i32
    %gt3A_8 = arith.cmpi sgt, %arg1, %gt3A_7 : i32
    %convert_element_type3A_9 = arith.extui %gt3A_8 : i1 to i32
    %cond3A_10 = arith.constant 0 : i32
    %cond3A_11 = arith.cmpi ne, %convert_element_type3A_9, %cond3A_10 : i32
    scf.if %cond3A_11 {
      "tpu.region"() ({
        %run_scoped3A_90 = tpu.sem_alloc : memref<!tpu.dma_semaphore, #tpu.memory_space<semaphore_mem>>
        %dma_start3A_91 = arith.constant 0 : i32
        %dma_start3A_92 = tpu.memref_slice %arg16[%multiple_of3A, %dma_start3A_91] : memref<5016x128xf32, #tpu.memory_space<vmem_shared>> -> memref<312x128xf32, #tpu.memory_space<vmem_shared>>
        %dma_start3A_93 = arith.constant 0 : i32
        %dma_start3A_94 = arith.constant 0 : i32
        %dma_start3A_95 = tpu.memref_slice %arg9[%dma_start3A_93, %dma_start3A_94] : memref<320x128xf32, #tpu.memory_space<hbm>> -> memref<312x128xf32, #tpu.memory_space<hbm>>
        tpu.enqueue_dma source(%dma_start3A_95 : memref<312x128xf32, #tpu.memory_space<hbm>>) target(%dma_start3A_92 : memref<312x128xf32, #tpu.memory_space<vmem_shared>>) target_semaphore(%run_scoped3A_90 : memref<!tpu.dma_semaphore, #tpu.memory_space<semaphore_mem>>)
        %dma_wait3A_96 = arith.constant 0 : i32
        %dma_wait3A_97 = tpu.memref_slice %arg16[%multiple_of3A, %dma_wait3A_96] : memref<5016x128xf32, #tpu.memory_space<vmem_shared>> -> memref<312x128xf32, #tpu.memory_space<vmem_shared>>
        %dma_wait3A_98 = arith.constant 0 : i32
        %dma_wait3A_99 = arith.constant 0 : i32
        %dma_wait3A_100 = tpu.memref_slice %arg9[%dma_wait3A_98, %dma_wait3A_99] : memref<320x128xf32, #tpu.memory_space<hbm>> -> memref<312x128xf32, #tpu.memory_space<hbm>>
        tpu.wait_dma2 semaphore(%run_scoped3A_90 : memref<!tpu.dma_semaphore, #tpu.memory_space<semaphore_mem>>) src(%dma_wait3A_100 : memref<312x128xf32, #tpu.memory_space<hbm>>) dst(%dma_wait3A_97 : memref<312x128xf32, #tpu.memory_space<vmem_shared>>)
        tpu.yield
      }) : () -> ()
    } else {
    }
    "tpu.region"() ({
      %run_scoped3A_90 = tpu.sem_alloc : memref<!tpu.dma_semaphore, #tpu.memory_space<semaphore_mem>>
      %dma_start3A_91 = arith.constant 0 : i32
      %dma_start3A_92 = arith.constant 0 : i32
      %dma_start3A_93 = tpu.memref_slice %arg3[%arg1, %dma_start3A_91, %dma_start3A_92] : memref<16x156x128xi32, #tpu.memory_space<hbm>> -> memref<1x156x128xi32, #tpu.memory_space<hbm>>
      %dma_start3A_94 = tpu.memref_squeeze %dma_start3A_93 : memref<1x156x128xi32, #tpu.memory_space<hbm>> -> memref<156x128xi32, #tpu.memory_space<hbm>>
      %dma_start3A_95 = arith.constant 0 : i32
      %dma_start3A_96 = arith.constant 0 : i32
      %dma_start3A_97 = tpu.memref_slice %arg3[%arg1, %dma_start3A_95, %dma_start3A_96] : memref<16x156x128xi32, #tpu.memory_space<hbm>> -> memref<1x156x128xi32, #tpu.memory_space<hbm>>
      %dma_start3A_98 = tpu.memref_squeeze %dma_start3A_97 : memref<1x156x128xi32, #tpu.memory_space<hbm>> -> memref<156x128xi32, #tpu.memory_space<hbm>>
      tpu.enqueue_dma source(%dma_start3A_98 : memref<156x128xi32, #tpu.memory_space<hbm>>) target(%arg11 : memref<156x128xi32, #tpu.memory_space<vmem>>) target_semaphore(%run_scoped3A_90 : memref<!tpu.dma_semaphore, #tpu.memory_space<semaphore_mem>>)
      %dma_wait3A_99 = arith.constant 0 : i32
      %dma_wait3A_100 = arith.constant 0 : i32
      %dma_wait3A_101 = tpu.memref_slice %arg3[%arg1, %dma_wait3A_99, %dma_wait3A_100] : memref<16x156x128xi32, #tpu.memory_space<hbm>> -> memref<1x156x128xi32, #tpu.memory_space<hbm>>
      %dma_wait3A_102 = tpu.memref_squeeze %dma_wait3A_101 : memref<1x156x128xi32, #tpu.memory_space<hbm>> -> memref<156x128xi32, #tpu.memory_space<hbm>>
      %dma_wait3A_103 = arith.constant 0 : i32
      %dma_wait3A_104 = arith.constant 0 : i32
      %dma_wait3A_105 = tpu.memref_slice %arg3[%arg1, %dma_wait3A_103, %dma_wait3A_104] : memref<16x156x128xi32, #tpu.memory_space<hbm>> -> memref<1x156x128xi32, #tpu.memory_space<hbm>>
      %dma_wait3A_106 = tpu.memref_squeeze %dma_wait3A_105 : memref<1x156x128xi32, #tpu.memory_space<hbm>> -> memref<156x128xi32, #tpu.memory_space<hbm>>
      tpu.wait_dma2 semaphore(%run_scoped3A_90 : memref<!tpu.dma_semaphore, #tpu.memory_space<semaphore_mem>>) src(%dma_wait3A_106 : memref<156x128xi32, #tpu.memory_space<hbm>>) dst(%arg11 : memref<156x128xi32, #tpu.memory_space<vmem>>)
      tpu.yield
    }) : () -> ()
    %eq3A_12 = arith.constant 0 : i32
    %eq3A_13 = arith.cmpi eq, %arg0, %eq3A_12 : i32
    %convert_element_type3A_14 = arith.extui %eq3A_13 : i1 to i32
    %cond3A_15 = arith.constant 0 : i32
    %cond3A_16 = arith.cmpi ne, %convert_element_type3A_14, %cond3A_15 : i32
    scf.if %cond3A_16 {
      "tpu.region"() ({
        %run_scoped3A_90 = tpu.sem_alloc : memref<!tpu.dma_semaphore, #tpu.memory_space<semaphore_mem>>
        %dma_start3A_91 = arith.constant 0 : i32
        %dma_start3A_92 = arith.constant 0 : i32
        %dma_start3A_93 = tpu.memref_slice %arg4[%arg1, %dma_start3A_91, %dma_start3A_92] : memref<16x156x128xi32, #tpu.memory_space<hbm>> -> memref<1x156x128xi32, #tpu.memory_space<hbm>>
        %dma_start3A_94 = tpu.memref_squeeze %dma_start3A_93 : memref<1x156x128xi32, #tpu.memory_space<hbm>> -> memref<156x128xi32, #tpu.memory_space<hbm>>
        %dma_start3A_95 = arith.constant 0 : i32
        %dma_start3A_96 = arith.constant 0 : i32
        %dma_start3A_97 = tpu.memref_slice %arg4[%arg1, %dma_start3A_95, %dma_start3A_96] : memref<16x156x128xi32, #tpu.memory_space<hbm>> -> memref<1x156x128xi32, #tpu.memory_space<hbm>>
        %dma_start3A_98 = tpu.memref_squeeze %dma_start3A_97 : memref<1x156x128xi32, #tpu.memory_space<hbm>> -> memref<156x128xi32, #tpu.memory_space<hbm>>
        tpu.enqueue_dma source(%dma_start3A_98 : memref<156x128xi32, #tpu.memory_space<hbm>>) target(%arg12 : memref<156x128xi32, #tpu.memory_space<vmem>>) target_semaphore(%run_scoped3A_90 : memref<!tpu.dma_semaphore, #tpu.memory_space<semaphore_mem>>)
        %dma_wait3A_99 = arith.constant 0 : i32
        %dma_wait3A_100 = arith.constant 0 : i32
        %dma_wait3A_101 = tpu.memref_slice %arg4[%arg1, %dma_wait3A_99, %dma_wait3A_100] : memref<16x156x128xi32, #tpu.memory_space<hbm>> -> memref<1x156x128xi32, #tpu.memory_space<hbm>>
        %dma_wait3A_102 = tpu.memref_squeeze %dma_wait3A_101 : memref<1x156x128xi32, #tpu.memory_space<hbm>> -> memref<156x128xi32, #tpu.memory_space<hbm>>
        %dma_wait3A_103 = arith.constant 0 : i32
        %dma_wait3A_104 = arith.constant 0 : i32
        %dma_wait3A_105 = tpu.memref_slice %arg4[%arg1, %dma_wait3A_103, %dma_wait3A_104] : memref<16x156x128xi32, #tpu.memory_space<hbm>> -> memref<1x156x128xi32, #tpu.memory_space<hbm>>
        %dma_wait3A_106 = tpu.memref_squeeze %dma_wait3A_105 : memref<1x156x128xi32, #tpu.memory_space<hbm>> -> memref<156x128xi32, #tpu.memory_space<hbm>>
        tpu.wait_dma2 semaphore(%run_scoped3A_90 : memref<!tpu.dma_semaphore, #tpu.memory_space<semaphore_mem>>) src(%dma_wait3A_106 : memref<156x128xi32, #tpu.memory_space<hbm>>) dst(%arg12 : memref<156x128xi32, #tpu.memory_space<vmem>>)
        tpu.yield
      }) : () -> ()
    } else {
    }
    %eq3A_17 = arith.constant 1 : i32
    %eq3A_18 = arith.cmpi eq, %arg0, %eq3A_17 : i32
    %convert_element_type3A_19 = arith.extui %eq3A_18 : i1 to i32
    %cond3A_20 = arith.constant 0 : i32
    %cond3A_21 = arith.cmpi ne, %convert_element_type3A_19, %cond3A_20 : i32
    scf.if %cond3A_21 {
      "tpu.region"() ({
        %run_scoped3A_90 = tpu.sem_alloc : memref<!tpu.dma_semaphore, #tpu.memory_space<semaphore_mem>>
        %dma_start3A_91 = arith.constant 0 : i32
        %dma_start3A_92 = arith.constant 0 : i32
        %dma_start3A_93 = tpu.memref_slice %arg5[%arg1, %dma_start3A_91, %dma_start3A_92] : memref<16x156x128xi32, #tpu.memory_space<hbm>> -> memref<1x156x128xi32, #tpu.memory_space<hbm>>
        %dma_start3A_94 = tpu.memref_squeeze %dma_start3A_93 : memref<1x156x128xi32, #tpu.memory_space<hbm>> -> memref<156x128xi32, #tpu.memory_space<hbm>>
        %dma_start3A_95 = arith.constant 0 : i32
        %dma_start3A_96 = arith.constant 0 : i32
        %dma_start3A_97 = tpu.memref_slice %arg5[%arg1, %dma_start3A_95, %dma_start3A_96] : memref<16x156x128xi32, #tpu.memory_space<hbm>> -> memref<1x156x128xi32, #tpu.memory_space<hbm>>
        %dma_start3A_98 = tpu.memref_squeeze %dma_start3A_97 : memref<1x156x128xi32, #tpu.memory_space<hbm>> -> memref<156x128xi32, #tpu.memory_space<hbm>>
        tpu.enqueue_dma source(%dma_start3A_98 : memref<156x128xi32, #tpu.memory_space<hbm>>) target(%arg12 : memref<156x128xi32, #tpu.memory_space<vmem>>) target_semaphore(%run_scoped3A_90 : memref<!tpu.dma_semaphore, #tpu.memory_space<semaphore_mem>>)
        %dma_wait3A_99 = arith.constant 0 : i32
        %dma_wait3A_100 = arith.constant 0 : i32
        %dma_wait3A_101 = tpu.memref_slice %arg5[%arg1, %dma_wait3A_99, %dma_wait3A_100] : memref<16x156x128xi32, #tpu.memory_space<hbm>> -> memref<1x156x128xi32, #tpu.memory_space<hbm>>
        %dma_wait3A_102 = tpu.memref_squeeze %dma_wait3A_101 : memref<1x156x128xi32, #tpu.memory_space<hbm>> -> memref<156x128xi32, #tpu.memory_space<hbm>>
        %dma_wait3A_103 = arith.constant 0 : i32
        %dma_wait3A_104 = arith.constant 0 : i32
        %dma_wait3A_105 = tpu.memref_slice %arg5[%arg1, %dma_wait3A_103, %dma_wait3A_104] : memref<16x156x128xi32, #tpu.memory_space<hbm>> -> memref<1x156x128xi32, #tpu.memory_space<hbm>>
        %dma_wait3A_106 = tpu.memref_squeeze %dma_wait3A_105 : memref<1x156x128xi32, #tpu.memory_space<hbm>> -> memref<156x128xi32, #tpu.memory_space<hbm>>
        tpu.wait_dma2 semaphore(%run_scoped3A_90 : memref<!tpu.dma_semaphore, #tpu.memory_space<semaphore_mem>>) src(%dma_wait3A_106 : memref<156x128xi32, #tpu.memory_space<hbm>>) dst(%arg12 : memref<156x128xi32, #tpu.memory_space<vmem>>)
        tpu.yield
      }) : () -> ()
    } else {
    }
    %barrier3A = arith.constant 0 : index
    tpu.barrier barrier_id(%barrier3A)
    %dma_start3A = arith.constant 0 : i32
    %dma_start3A_22 = arith.constant 0 : i32
    %dma_start3A_23 = tpu.memref_slice %arg11[%dma_start3A, %dma_start3A_22] : memref<156x128xi32, #tpu.memory_space<vmem>> -> memref<1x128xi32, #tpu.memory_space<vmem>>
    %dma_start3A_24 = tpu.memref_squeeze %dma_start3A_23 : memref<1x128xi32, #tpu.memory_space<vmem>> -> memref<128xi32, #tpu.memory_space<vmem>>
    %dma_start3A_25 = arith.constant 0 : i32
    %dma_start3A_26 = arith.constant 0 : i32
    %dma_start3A_27 = tpu.memref_slice %arg2[%dma_start3A_25, %dma_start3A_26] : memref<10000x128xf32, #tpu.memory_space<hbm>> -> memref<10000x128xf32, #tpu.memory_space<hbm>>
    tpu.enqueue_indirect_dma source(%dma_start3A_27 : memref<10000x128xf32, #tpu.memory_space<hbm>>) target(%arg13 : memref<128x128xf32, #tpu.memory_space<vmem>>) offsets(%dma_start3A_24 : memref<128xi32, #tpu.memory_space<vmem>>) semaphore(%arg17 : memref<!tpu.dma_semaphore, #tpu.memory_space<semaphore_mem>>)
    %dma_start3A_28 = arith.constant 1 : i32
    %dma_start3A_29 = arith.constant 0 : i32
    %dma_start3A_30 = tpu.memref_slice %arg11[%dma_start3A_28, %dma_start3A_29] : memref<156x128xi32, #tpu.memory_space<vmem>> -> memref<1x128xi32, #tpu.memory_space<vmem>>
    %dma_start3A_31 = tpu.memref_squeeze %dma_start3A_30 : memref<1x128xi32, #tpu.memory_space<vmem>> -> memref<128xi32, #tpu.memory_space<vmem>>
    %dma_start3A_32 = arith.constant 0 : i32
    %dma_start3A_33 = arith.constant 0 : i32
    %dma_start3A_34 = tpu.memref_slice %arg2[%dma_start3A_32, %dma_start3A_33] : memref<10000x128xf32, #tpu.memory_space<hbm>> -> memref<10000x128xf32, #tpu.memory_space<hbm>>
    tpu.enqueue_indirect_dma source(%dma_start3A_34 : memref<10000x128xf32, #tpu.memory_space<hbm>>) target(%arg14 : memref<128x128xf32, #tpu.memory_space<vmem>>) offsets(%dma_start3A_31 : memref<128xi32, #tpu.memory_space<vmem>>) semaphore(%arg18 : memref<!tpu.dma_semaphore, #tpu.memory_space<semaphore_mem>>)
    %dma_start3A_35 = arith.constant 2 : i32
    %dma_start3A_36 = arith.constant 0 : i32
    %dma_start3A_37 = tpu.memref_slice %arg11[%dma_start3A_35, %dma_start3A_36] : memref<156x128xi32, #tpu.memory_space<vmem>> -> memref<1x128xi32, #tpu.memory_space<vmem>>
    %dma_start3A_38 = tpu.memref_squeeze %dma_start3A_37 : memref<1x128xi32, #tpu.memory_space<vmem>> -> memref<128xi32, #tpu.memory_space<vmem>>
    %dma_start3A_39 = arith.constant 0 : i32
    %dma_start3A_40 = arith.constant 0 : i32
    %dma_start3A_41 = tpu.memref_slice %arg2[%dma_start3A_39, %dma_start3A_40] : memref<10000x128xf32, #tpu.memory_space<hbm>> -> memref<10000x128xf32, #tpu.memory_space<hbm>>
    tpu.enqueue_indirect_dma source(%dma_start3A_41 : memref<10000x128xf32, #tpu.memory_space<hbm>>) target(%arg15 : memref<128x128xf32, #tpu.memory_space<vmem>>) offsets(%dma_start3A_38 : memref<128xi32, #tpu.memory_space<vmem>>) semaphore(%arg19 : memref<!tpu.dma_semaphore, #tpu.memory_space<semaphore_mem>>)
    %scan3A = arith.constant 0 : i32
    %scan3A_42 = arith.constant 0 : i32
    %scan3A_43 = arith.constant 52 : i32
    %scan3A_44 = arith.addi %scan3A_42, %scan3A_43 : i32
    %scan3A_45 = arith.constant 1 : i32
    scf.for %scan3A_90 = %scan3A_42 to %scan3A_44 step %scan3A_45  : i32 {
      %mul3A_91 = arith.constant 3 : i32
      %mul3A_92 = arith.muli %mul3A_91, %scan3A_90 : i32
      %dma_wait3A_93 = arith.constant 0 : i32
      %dma_wait3A_94 = tpu.memref_slice %arg11[%mul3A_92, %dma_wait3A_93] : memref<156x128xi32, #tpu.memory_space<vmem>> -> memref<1x128xi32, #tpu.memory_space<vmem>>
      %dma_wait3A_95 = tpu.memref_squeeze %dma_wait3A_94 : memref<1x128xi32, #tpu.memory_space<vmem>> -> memref<128xi32, #tpu.memory_space<vmem>>
      %dma_wait3A_96 = arith.constant 0 : i32
      %dma_wait3A_97 = arith.constant 0 : i32
      %dma_wait3A_98 = tpu.memref_slice %arg2[%dma_wait3A_96, %dma_wait3A_97] : memref<10000x128xf32, #tpu.memory_space<hbm>> -> memref<10000x128xf32, #tpu.memory_space<hbm>>
      tpu.wait_indirect_dma semaphore(%arg17 : memref<!tpu.dma_semaphore, #tpu.memory_space<semaphore_mem>>) src(%dma_wait3A_98 : memref<10000x128xf32, #tpu.memory_space<hbm>>) dst(%arg13 : memref<128x128xf32, #tpu.memory_space<vmem>>)
      "tpu.region"() ({
        %run_scoped3A_142 = tpu.sem_alloc : memref<!tpu.dma_semaphore, #tpu.memory_space<semaphore_mem>>
        %dma_start3A_143 = arith.constant 0 : i32
        %dma_start3A_144 = tpu.memref_slice %arg12[%mul3A_92, %dma_start3A_143] : memref<156x128xi32, #tpu.memory_space<vmem>> -> memref<1x128xi32, #tpu.memory_space<vmem>>
        %dma_start3A_145 = tpu.memref_squeeze %dma_start3A_144 : memref<1x128xi32, #tpu.memory_space<vmem>> -> memref<128xi32, #tpu.memory_space<vmem>>
        %dma_start3A_146 = arith.constant 0 : i32
        %dma_start3A_147 = arith.constant 0 : i32
        %dma_start3A_148 = tpu.memref_slice %arg16[%dma_start3A_146, %dma_start3A_147] : memref<5016x128xf32, #tpu.memory_space<vmem_shared>> -> memref<5016x128xf32, #tpu.memory_space<vmem_shared>>
        tpu.enqueue_indirect_dma source(%arg13 : memref<128x128xf32, #tpu.memory_space<vmem>>) target(%dma_start3A_148 : memref<5016x128xf32, #tpu.memory_space<vmem_shared>>) offsets(%dma_start3A_145 : memref<128xi32, #tpu.memory_space<vmem>>) semaphore(%run_scoped3A_142 : memref<!tpu.dma_semaphore, #tpu.memory_space<semaphore_mem>>) {add = true}
        %dma_wait3A_149 = arith.constant 0 : i32
        %dma_wait3A_150 = tpu.memref_slice %arg12[%mul3A_92, %dma_wait3A_149] : memref<156x128xi32, #tpu.memory_space<vmem>> -> memref<1x128xi32, #tpu.memory_space<vmem>>
        %dma_wait3A_151 = tpu.memref_squeeze %dma_wait3A_150 : memref<1x128xi32, #tpu.memory_space<vmem>> -> memref<128xi32, #tpu.memory_space<vmem>>
        %dma_wait3A_152 = arith.constant 0 : i32
        %dma_wait3A_153 = arith.constant 0 : i32
        %dma_wait3A_154 = tpu.memref_slice %arg16[%dma_wait3A_152, %dma_wait3A_153] : memref<5016x128xf32, #tpu.memory_space<vmem_shared>> -> memref<5016x128xf32, #tpu.memory_space<vmem_shared>>
        tpu.wait_indirect_dma semaphore(%run_scoped3A_142 : memref<!tpu.dma_semaphore, #tpu.memory_space<semaphore_mem>>) src(%arg13 : memref<128x128xf32, #tpu.memory_space<vmem>>) dst(%dma_wait3A_154 : memref<5016x128xf32, #tpu.memory_space<vmem_shared>>)
        tpu.yield
      }) : () -> ()
      %barrier3A_99 = arith.constant 0 : index
      tpu.barrier barrier_id(%barrier3A_99)
      %add3A_100 = arith.constant 3 : i32
      %add3A_101 = arith.addi %mul3A_92, %add3A_100 : i32
      %lt3A = arith.constant 156 : i32
      %lt3A_102 = arith.cmpi slt, %add3A_101, %lt3A : i32
      %convert_element_type3A_103 = arith.extui %lt3A_102 : i1 to i32
      %cond3A_104 = arith.constant 0 : i32
      %cond3A_105 = arith.cmpi ne, %convert_element_type3A_103, %cond3A_104 : i32
      scf.if %cond3A_105 {
        %add3A_142 = arith.constant 3 : i32
        %add3A_143 = arith.addi %mul3A_92, %add3A_142 : i32
        %dma_start3A_144 = arith.constant 0 : i32
        %dma_start3A_145 = tpu.memref_slice %arg11[%add3A_143, %dma_start3A_144] : memref<156x128xi32, #tpu.memory_space<vmem>> -> memref<1x128xi32, #tpu.memory_space<vmem>>
        %dma_start3A_146 = tpu.memref_squeeze %dma_start3A_145 : memref<1x128xi32, #tpu.memory_space<vmem>> -> memref<128xi32, #tpu.memory_space<vmem>>
        %dma_start3A_147 = arith.constant 0 : i32
        %dma_start3A_148 = arith.constant 0 : i32
        %dma_start3A_149 = tpu.memref_slice %arg2[%dma_start3A_147, %dma_start3A_148] : memref<10000x128xf32, #tpu.memory_space<hbm>> -> memref<10000x128xf32, #tpu.memory_space<hbm>>
        tpu.enqueue_indirect_dma source(%dma_start3A_149 : memref<10000x128xf32, #tpu.memory_space<hbm>>) target(%arg13 : memref<128x128xf32, #tpu.memory_space<vmem>>) offsets(%dma_start3A_146 : memref<128xi32, #tpu.memory_space<vmem>>) semaphore(%arg17 : memref<!tpu.dma_semaphore, #tpu.memory_space<semaphore_mem>>)
      } else {
      }
      %mul3A_106 = arith.constant 3 : i32
      %mul3A_107 = arith.muli %mul3A_106, %scan3A_90 : i32
      %add3A_108 = arith.constant 1 : i32
      %add3A_109 = arith.addi %mul3A_107, %add3A_108 : i32
      %dma_wait3A_110 = arith.constant 0 : i32
      %dma_wait3A_111 = tpu.memref_slice %arg11[%add3A_109, %dma_wait3A_110] : memref<156x128xi32, #tpu.memory_space<vmem>> -> memref<1x128xi32, #tpu.memory_space<vmem>>
      %dma_wait3A_112 = tpu.memref_squeeze %dma_wait3A_111 : memref<1x128xi32, #tpu.memory_space<vmem>> -> memref<128xi32, #tpu.memory_space<vmem>>
      %dma_wait3A_113 = arith.constant 0 : i32
      %dma_wait3A_114 = arith.constant 0 : i32
      %dma_wait3A_115 = tpu.memref_slice %arg2[%dma_wait3A_113, %dma_wait3A_114] : memref<10000x128xf32, #tpu.memory_space<hbm>> -> memref<10000x128xf32, #tpu.memory_space<hbm>>
      tpu.wait_indirect_dma semaphore(%arg18 : memref<!tpu.dma_semaphore, #tpu.memory_space<semaphore_mem>>) src(%dma_wait3A_115 : memref<10000x128xf32, #tpu.memory_space<hbm>>) dst(%arg14 : memref<128x128xf32, #tpu.memory_space<vmem>>)
      "tpu.region"() ({
        %run_scoped3A_142 = tpu.sem_alloc : memref<!tpu.dma_semaphore, #tpu.memory_space<semaphore_mem>>
        %dma_start3A_143 = arith.constant 0 : i32
        %dma_start3A_144 = tpu.memref_slice %arg12[%add3A_109, %dma_start3A_143] : memref<156x128xi32, #tpu.memory_space<vmem>> -> memref<1x128xi32, #tpu.memory_space<vmem>>
        %dma_start3A_145 = tpu.memref_squeeze %dma_start3A_144 : memref<1x128xi32, #tpu.memory_space<vmem>> -> memref<128xi32, #tpu.memory_space<vmem>>
        %dma_start3A_146 = arith.constant 0 : i32
        %dma_start3A_147 = arith.constant 0 : i32
        %dma_start3A_148 = tpu.memref_slice %arg16[%dma_start3A_146, %dma_start3A_147] : memref<5016x128xf32, #tpu.memory_space<vmem_shared>> -> memref<5016x128xf32, #tpu.memory_space<vmem_shared>>
        tpu.enqueue_indirect_dma source(%arg14 : memref<128x128xf32, #tpu.memory_space<vmem>>) target(%dma_start3A_148 : memref<5016x128xf32, #tpu.memory_space<vmem_shared>>) offsets(%dma_start3A_145 : memref<128xi32, #tpu.memory_space<vmem>>) semaphore(%run_scoped3A_142 : memref<!tpu.dma_semaphore, #tpu.memory_space<semaphore_mem>>) {add = true}
        %dma_wait3A_149 = arith.constant 0 : i32
        %dma_wait3A_150 = tpu.memref_slice %arg12[%add3A_109, %dma_wait3A_149] : memref<156x128xi32, #tpu.memory_space<vmem>> -> memref<1x128xi32, #tpu.memory_space<vmem>>
        %dma_wait3A_151 = tpu.memref_squeeze %dma_wait3A_150 : memref<1x128xi32, #tpu.memory_space<vmem>> -> memref<128xi32, #tpu.memory_space<vmem>>
        %dma_wait3A_152 = arith.constant 0 : i32
        %dma_wait3A_153 = arith.constant 0 : i32
        %dma_wait3A_154 = tpu.memref_slice %arg16[%dma_wait3A_152, %dma_wait3A_153] : memref<5016x128xf32, #tpu.memory_space<vmem_shared>> -> memref<5016x128xf32, #tpu.memory_space<vmem_shared>>
        tpu.wait_indirect_dma semaphore(%run_scoped3A_142 : memref<!tpu.dma_semaphore, #tpu.memory_space<semaphore_mem>>) src(%arg14 : memref<128x128xf32, #tpu.memory_space<vmem>>) dst(%dma_wait3A_154 : memref<5016x128xf32, #tpu.memory_space<vmem_shared>>)
        tpu.yield
      }) : () -> ()
      %barrier3A_116 = arith.constant 0 : index
      tpu.barrier barrier_id(%barrier3A_116)
      %add3A_117 = arith.constant 3 : i32
      %add3A_118 = arith.addi %add3A_109, %add3A_117 : i32
      %lt3A_119 = arith.constant 156 : i32
      %lt3A_120 = arith.cmpi slt, %add3A_118, %lt3A_119 : i32
      %convert_element_type3A_121 = arith.extui %lt3A_120 : i1 to i32
      %cond3A_122 = arith.constant 0 : i32
      %cond3A_123 = arith.cmpi ne, %convert_element_type3A_121, %cond3A_122 : i32
      scf.if %cond3A_123 {
        %add3A_142 = arith.constant 3 : i32
        %add3A_143 = arith.addi %add3A_109, %add3A_142 : i32
        %dma_start3A_144 = arith.constant 0 : i32
        %dma_start3A_145 = tpu.memref_slice %arg11[%add3A_143, %dma_start3A_144] : memref<156x128xi32, #tpu.memory_space<vmem>> -> memref<1x128xi32, #tpu.memory_space<vmem>>
        %dma_start3A_146 = tpu.memref_squeeze %dma_start3A_145 : memref<1x128xi32, #tpu.memory_space<vmem>> -> memref<128xi32, #tpu.memory_space<vmem>>
        %dma_start3A_147 = arith.constant 0 : i32
        %dma_start3A_148 = arith.constant 0 : i32
        %dma_start3A_149 = tpu.memref_slice %arg2[%dma_start3A_147, %dma_start3A_148] : memref<10000x128xf32, #tpu.memory_space<hbm>> -> memref<10000x128xf32, #tpu.memory_space<hbm>>
        tpu.enqueue_indirect_dma source(%dma_start3A_149 : memref<10000x128xf32, #tpu.memory_space<hbm>>) target(%arg14 : memref<128x128xf32, #tpu.memory_space<vmem>>) offsets(%dma_start3A_146 : memref<128xi32, #tpu.memory_space<vmem>>) semaphore(%arg18 : memref<!tpu.dma_semaphore, #tpu.memory_space<semaphore_mem>>)
      } else {
      }
      %mul3A_124 = arith.constant 3 : i32
      %mul3A_125 = arith.muli %mul3A_124, %scan3A_90 : i32
      %add3A_126 = arith.constant 2 : i32
      %add3A_127 = arith.addi %mul3A_125, %add3A_126 : i32
      %dma_wait3A_128 = arith.constant 0 : i32
      %dma_wait3A_129 = tpu.memref_slice %arg11[%add3A_127, %dma_wait3A_128] : memref<156x128xi32, #tpu.memory_space<vmem>> -> memref<1x128xi32, #tpu.memory_space<vmem>>
      %dma_wait3A_130 = tpu.memref_squeeze %dma_wait3A_129 : memref<1x128xi32, #tpu.memory_space<vmem>> -> memref<128xi32, #tpu.memory_space<vmem>>
      %dma_wait3A_131 = arith.constant 0 : i32
      %dma_wait3A_132 = arith.constant 0 : i32
      %dma_wait3A_133 = tpu.memref_slice %arg2[%dma_wait3A_131, %dma_wait3A_132] : memref<10000x128xf32, #tpu.memory_space<hbm>> -> memref<10000x128xf32, #tpu.memory_space<hbm>>
      tpu.wait_indirect_dma semaphore(%arg19 : memref<!tpu.dma_semaphore, #tpu.memory_space<semaphore_mem>>) src(%dma_wait3A_133 : memref<10000x128xf32, #tpu.memory_space<hbm>>) dst(%arg15 : memref<128x128xf32, #tpu.memory_space<vmem>>)
      "tpu.region"() ({
        %run_scoped3A_142 = tpu.sem_alloc : memref<!tpu.dma_semaphore, #tpu.memory_space<semaphore_mem>>
        %dma_start3A_143 = arith.constant 0 : i32
        %dma_start3A_144 = tpu.memref_slice %arg12[%add3A_127, %dma_start3A_143] : memref<156x128xi32, #tpu.memory_space<vmem>> -> memref<1x128xi32, #tpu.memory_space<vmem>>
        %dma_start3A_145 = tpu.memref_squeeze %dma_start3A_144 : memref<1x128xi32, #tpu.memory_space<vmem>> -> memref<128xi32, #tpu.memory_space<vmem>>
        %dma_start3A_146 = arith.constant 0 : i32
        %dma_start3A_147 = arith.constant 0 : i32
        %dma_start3A_148 = tpu.memref_slice %arg16[%dma_start3A_146, %dma_start3A_147] : memref<5016x128xf32, #tpu.memory_space<vmem_shared>> -> memref<5016x128xf32, #tpu.memory_space<vmem_shared>>
        tpu.enqueue_indirect_dma source(%arg15 : memref<128x128xf32, #tpu.memory_space<vmem>>) target(%dma_start3A_148 : memref<5016x128xf32, #tpu.memory_space<vmem_shared>>) offsets(%dma_start3A_145 : memref<128xi32, #tpu.memory_space<vmem>>) semaphore(%run_scoped3A_142 : memref<!tpu.dma_semaphore, #tpu.memory_space<semaphore_mem>>) {add = true}
        %dma_wait3A_149 = arith.constant 0 : i32
        %dma_wait3A_150 = tpu.memref_slice %arg12[%add3A_127, %dma_wait3A_149] : memref<156x128xi32, #tpu.memory_space<vmem>> -> memref<1x128xi32, #tpu.memory_space<vmem>>
        %dma_wait3A_151 = tpu.memref_squeeze %dma_wait3A_150 : memref<1x128xi32, #tpu.memory_space<vmem>> -> memref<128xi32, #tpu.memory_space<vmem>>
        %dma_wait3A_152 = arith.constant 0 : i32
        %dma_wait3A_153 = arith.constant 0 : i32
        %dma_wait3A_154 = tpu.memref_slice %arg16[%dma_wait3A_152, %dma_wait3A_153] : memref<5016x128xf32, #tpu.memory_space<vmem_shared>> -> memref<5016x128xf32, #tpu.memory_space<vmem_shared>>
        tpu.wait_indirect_dma semaphore(%run_scoped3A_142 : memref<!tpu.dma_semaphore, #tpu.memory_space<semaphore_mem>>) src(%arg15 : memref<128x128xf32, #tpu.memory_space<vmem>>) dst(%dma_wait3A_154 : memref<5016x128xf32, #tpu.memory_space<vmem_shared>>)
        tpu.yield
      }) : () -> ()
      %barrier3A_134 = arith.constant 0 : index
      tpu.barrier barrier_id(%barrier3A_134)
      %add3A_135 = arith.constant 3 : i32
      %add3A_136 = arith.addi %add3A_127, %add3A_135 : i32
      %lt3A_137 = arith.constant 156 : i32
      %lt3A_138 = arith.cmpi slt, %add3A_136, %lt3A_137 : i32
      %convert_element_type3A_139 = arith.extui %lt3A_138 : i1 to i32
      %cond3A_140 = arith.constant 0 : i32
      %cond3A_141 = arith.cmpi ne, %convert_element_type3A_139, %cond3A_140 : i32
      scf.if %cond3A_141 {
        %add3A_142 = arith.constant 3 : i32
        %add3A_143 = arith.addi %add3A_127, %add3A_142 : i32
        %dma_start3A_144 = arith.constant 0 : i32
        %dma_start3A_145 = tpu.memref_slice %arg11[%add3A_143, %dma_start3A_144] : memref<156x128xi32, #tpu.memory_space<vmem>> -> memref<1x128xi32, #tpu.memory_space<vmem>>
        %dma_start3A_146 = tpu.memref_squeeze %dma_start3A_145 : memref<1x128xi32, #tpu.memory_space<vmem>> -> memref<128xi32, #tpu.memory_space<vmem>>
        %dma_start3A_147 = arith.constant 0 : i32
        %dma_start3A_148 = arith.constant 0 : i32
        %dma_start3A_149 = tpu.memref_slice %arg2[%dma_start3A_147, %dma_start3A_148] : memref<10000x128xf32, #tpu.memory_space<hbm>> -> memref<10000x128xf32, #tpu.memory_space<hbm>>
        tpu.enqueue_indirect_dma source(%dma_start3A_149 : memref<10000x128xf32, #tpu.memory_space<hbm>>) target(%arg15 : memref<128x128xf32, #tpu.memory_space<vmem>>) offsets(%dma_start3A_146 : memref<128xi32, #tpu.memory_space<vmem>>) semaphore(%arg19 : memref<!tpu.dma_semaphore, #tpu.memory_space<semaphore_mem>>)
      } else {
      }
    }
    %scan3A_46 = arith.constant 52 : i32
    %mul3A_47 = arith.constant 32 : i32
    %mul3A_48 = arith.muli %arg1, %mul3A_47 : i32
    %run_scoped3A = arith.constant 0 : i32
    "tpu.region"() ({
      %run_scoped3A_90 = tpu.sem_alloc : memref<!tpu.dma_semaphore, #tpu.memory_space<semaphore_mem>>
      %dma_start3A_91 = arith.constant 0 : i32
      %dma_start3A_92 = tpu.memref_slice %arg11[%run_scoped3A, %dma_start3A_91] : memref<156x128xi32, #tpu.memory_space<vmem>> -> memref<1x32xi32, #tpu.memory_space<vmem>>
      %dma_start3A_93 = tpu.memref_squeeze %dma_start3A_92 : memref<1x32xi32, #tpu.memory_space<vmem>> -> memref<32xi32, #tpu.memory_space<vmem>>
      %dma_start3A_94 = tpu.memref_slice %arg6[%mul3A_48] : memref<512xi32, #tpu.memory_space<hbm>> -> memref<32xi32, #tpu.memory_space<hbm>>
      %dma_start3A_95 = arith.constant 0 : i32
      %dma_start3A_96 = tpu.memref_slice %arg11[%run_scoped3A, %dma_start3A_95] : memref<156x128xi32, #tpu.memory_space<vmem>> -> memref<1x32xi32, #tpu.memory_space<vmem>>
      %dma_start3A_97 = tpu.memref_squeeze %dma_start3A_96 : memref<1x32xi32, #tpu.memory_space<vmem>> -> memref<32xi32, #tpu.memory_space<vmem>>
      %dma_start3A_98 = tpu.memref_slice %arg6[%mul3A_48] : memref<512xi32, #tpu.memory_space<hbm>> -> memref<32xi32, #tpu.memory_space<hbm>>
      tpu.enqueue_dma source(%dma_start3A_98 : memref<32xi32, #tpu.memory_space<hbm>>) target(%dma_start3A_97 : memref<32xi32, #tpu.memory_space<vmem>>) target_semaphore(%run_scoped3A_90 : memref<!tpu.dma_semaphore, #tpu.memory_space<semaphore_mem>>)
      %dma_wait3A_99 = arith.constant 0 : i32
      %dma_wait3A_100 = tpu.memref_slice %arg11[%run_scoped3A, %dma_wait3A_99] : memref<156x128xi32, #tpu.memory_space<vmem>> -> memref<1x32xi32, #tpu.memory_space<vmem>>
      %dma_wait3A_101 = tpu.memref_squeeze %dma_wait3A_100 : memref<1x32xi32, #tpu.memory_space<vmem>> -> memref<32xi32, #tpu.memory_space<vmem>>
      %dma_wait3A_102 = tpu.memref_slice %arg6[%mul3A_48] : memref<512xi32, #tpu.memory_space<hbm>> -> memref<32xi32, #tpu.memory_space<hbm>>
      %dma_wait3A_103 = arith.constant 0 : i32
      %dma_wait3A_104 = tpu.memref_slice %arg11[%run_scoped3A, %dma_wait3A_103] : memref<156x128xi32, #tpu.memory_space<vmem>> -> memref<1x32xi32, #tpu.memory_space<vmem>>
      %dma_wait3A_105 = tpu.memref_squeeze %dma_wait3A_104 : memref<1x32xi32, #tpu.memory_space<vmem>> -> memref<32xi32, #tpu.memory_space<vmem>>
      %dma_wait3A_106 = tpu.memref_slice %arg6[%mul3A_48] : memref<512xi32, #tpu.memory_space<hbm>> -> memref<32xi32, #tpu.memory_space<hbm>>
      tpu.wait_dma2 semaphore(%run_scoped3A_90 : memref<!tpu.dma_semaphore, #tpu.memory_space<semaphore_mem>>) src(%dma_wait3A_106 : memref<32xi32, #tpu.memory_space<hbm>>) dst(%dma_wait3A_105 : memref<32xi32, #tpu.memory_space<vmem>>)
      tpu.yield
    }) : () -> ()
    %eq3A_49 = arith.constant 0 : i32
    %eq3A_50 = arith.cmpi eq, %arg0, %eq3A_49 : i32
    %convert_element_type3A_51 = arith.extui %eq3A_50 : i1 to i32
    %cond3A_52 = arith.constant 0 : i32
    %cond3A_53 = arith.cmpi ne, %convert_element_type3A_51, %cond3A_52 : i32
    scf.if %cond3A_53 {
      %mul3A_90 = arith.constant 32 : i32
      %mul3A_91 = arith.muli %arg1, %mul3A_90 : i32
      %run_scoped3A_92 = arith.constant 0 : i32
      "tpu.region"() ({
        %run_scoped3A_93 = tpu.sem_alloc : memref<!tpu.dma_semaphore, #tpu.memory_space<semaphore_mem>>
        %dma_start3A_94 = arith.constant 0 : i32
        %dma_start3A_95 = tpu.memref_slice %arg12[%run_scoped3A_92, %dma_start3A_94] : memref<156x128xi32, #tpu.memory_space<vmem>> -> memref<1x32xi32, #tpu.memory_space<vmem>>
        %dma_start3A_96 = tpu.memref_squeeze %dma_start3A_95 : memref<1x32xi32, #tpu.memory_space<vmem>> -> memref<32xi32, #tpu.memory_space<vmem>>
        %dma_start3A_97 = tpu.memref_slice %arg7[%mul3A_91] : memref<512xi32, #tpu.memory_space<hbm>> -> memref<32xi32, #tpu.memory_space<hbm>>
        %dma_start3A_98 = arith.constant 0 : i32
        %dma_start3A_99 = tpu.memref_slice %arg12[%run_scoped3A_92, %dma_start3A_98] : memref<156x128xi32, #tpu.memory_space<vmem>> -> memref<1x32xi32, #tpu.memory_space<vmem>>
        %dma_start3A_100 = tpu.memref_squeeze %dma_start3A_99 : memref<1x32xi32, #tpu.memory_space<vmem>> -> memref<32xi32, #tpu.memory_space<vmem>>
        %dma_start3A_101 = tpu.memref_slice %arg7[%mul3A_91] : memref<512xi32, #tpu.memory_space<hbm>> -> memref<32xi32, #tpu.memory_space<hbm>>
        tpu.enqueue_dma source(%dma_start3A_101 : memref<32xi32, #tpu.memory_space<hbm>>) target(%dma_start3A_100 : memref<32xi32, #tpu.memory_space<vmem>>) target_semaphore(%run_scoped3A_93 : memref<!tpu.dma_semaphore, #tpu.memory_space<semaphore_mem>>)
        %dma_wait3A_102 = arith.constant 0 : i32
        %dma_wait3A_103 = tpu.memref_slice %arg12[%run_scoped3A_92, %dma_wait3A_102] : memref<156x128xi32, #tpu.memory_space<vmem>> -> memref<1x32xi32, #tpu.memory_space<vmem>>
        %dma_wait3A_104 = tpu.memref_squeeze %dma_wait3A_103 : memref<1x32xi32, #tpu.memory_space<vmem>> -> memref<32xi32, #tpu.memory_space<vmem>>
        %dma_wait3A_105 = tpu.memref_slice %arg7[%mul3A_91] : memref<512xi32, #tpu.memory_space<hbm>> -> memref<32xi32, #tpu.memory_space<hbm>>
        %dma_wait3A_106 = arith.constant 0 : i32
        %dma_wait3A_107 = tpu.memref_slice %arg12[%run_scoped3A_92, %dma_wait3A_106] : memref<156x128xi32, #tpu.memory_space<vmem>> -> memref<1x32xi32, #tpu.memory_space<vmem>>
        %dma_wait3A_108 = tpu.memref_squeeze %dma_wait3A_107 : memref<1x32xi32, #tpu.memory_space<vmem>> -> memref<32xi32, #tpu.memory_space<vmem>>
        %dma_wait3A_109 = tpu.memref_slice %arg7[%mul3A_91] : memref<512xi32, #tpu.memory_space<hbm>> -> memref<32xi32, #tpu.memory_space<hbm>>
        tpu.wait_dma2 semaphore(%run_scoped3A_93 : memref<!tpu.dma_semaphore, #tpu.memory_space<semaphore_mem>>) src(%dma_wait3A_109 : memref<32xi32, #tpu.memory_space<hbm>>) dst(%dma_wait3A_108 : memref<32xi32, #tpu.memory_space<vmem>>)
        tpu.yield
      }) : () -> ()
    } else {
    }
    %eq3A_54 = arith.constant 1 : i32
    %eq3A_55 = arith.cmpi eq, %arg0, %eq3A_54 : i32
    %convert_element_type3A_56 = arith.extui %eq3A_55 : i1 to i32
    %cond3A_57 = arith.constant 0 : i32
    %cond3A_58 = arith.cmpi ne, %convert_element_type3A_56, %cond3A_57 : i32
    scf.if %cond3A_58 {
      %mul3A_90 = arith.constant 32 : i32
      %mul3A_91 = arith.muli %arg1, %mul3A_90 : i32
      %run_scoped3A_92 = arith.constant 0 : i32
      "tpu.region"() ({
        %run_scoped3A_93 = tpu.sem_alloc : memref<!tpu.dma_semaphore, #tpu.memory_space<semaphore_mem>>
        %dma_start3A_94 = arith.constant 0 : i32
        %dma_start3A_95 = tpu.memref_slice %arg12[%run_scoped3A_92, %dma_start3A_94] : memref<156x128xi32, #tpu.memory_space<vmem>> -> memref<1x32xi32, #tpu.memory_space<vmem>>
        %dma_start3A_96 = tpu.memref_squeeze %dma_start3A_95 : memref<1x32xi32, #tpu.memory_space<vmem>> -> memref<32xi32, #tpu.memory_space<vmem>>
        %dma_start3A_97 = tpu.memref_slice %arg8[%mul3A_91] : memref<512xi32, #tpu.memory_space<hbm>> -> memref<32xi32, #tpu.memory_space<hbm>>
        %dma_start3A_98 = arith.constant 0 : i32
        %dma_start3A_99 = tpu.memref_slice %arg12[%run_scoped3A_92, %dma_start3A_98] : memref<156x128xi32, #tpu.memory_space<vmem>> -> memref<1x32xi32, #tpu.memory_space<vmem>>
        %dma_start3A_100 = tpu.memref_squeeze %dma_start3A_99 : memref<1x32xi32, #tpu.memory_space<vmem>> -> memref<32xi32, #tpu.memory_space<vmem>>
        %dma_start3A_101 = tpu.memref_slice %arg8[%mul3A_91] : memref<512xi32, #tpu.memory_space<hbm>> -> memref<32xi32, #tpu.memory_space<hbm>>
        tpu.enqueue_dma source(%dma_start3A_101 : memref<32xi32, #tpu.memory_space<hbm>>) target(%dma_start3A_100 : memref<32xi32, #tpu.memory_space<vmem>>) target_semaphore(%run_scoped3A_93 : memref<!tpu.dma_semaphore, #tpu.memory_space<semaphore_mem>>)
        %dma_wait3A_102 = arith.constant 0 : i32
        %dma_wait3A_103 = tpu.memref_slice %arg12[%run_scoped3A_92, %dma_wait3A_102] : memref<156x128xi32, #tpu.memory_space<vmem>> -> memref<1x32xi32, #tpu.memory_space<vmem>>
        %dma_wait3A_104 = tpu.memref_squeeze %dma_wait3A_103 : memref<1x32xi32, #tpu.memory_space<vmem>> -> memref<32xi32, #tpu.memory_space<vmem>>
        %dma_wait3A_105 = tpu.memref_slice %arg8[%mul3A_91] : memref<512xi32, #tpu.memory_space<hbm>> -> memref<32xi32, #tpu.memory_space<hbm>>
        %dma_wait3A_106 = arith.constant 0 : i32
        %dma_wait3A_107 = tpu.memref_slice %arg12[%run_scoped3A_92, %dma_wait3A_106] : memref<156x128xi32, #tpu.memory_space<vmem>> -> memref<1x32xi32, #tpu.memory_space<vmem>>
        %dma_wait3A_108 = tpu.memref_squeeze %dma_wait3A_107 : memref<1x32xi32, #tpu.memory_space<vmem>> -> memref<32xi32, #tpu.memory_space<vmem>>
        %dma_wait3A_109 = tpu.memref_slice %arg8[%mul3A_91] : memref<512xi32, #tpu.memory_space<hbm>> -> memref<32xi32, #tpu.memory_space<hbm>>
        tpu.wait_dma2 semaphore(%run_scoped3A_93 : memref<!tpu.dma_semaphore, #tpu.memory_space<semaphore_mem>>) src(%dma_wait3A_109 : memref<32xi32, #tpu.memory_space<hbm>>) dst(%dma_wait3A_108 : memref<32xi32, #tpu.memory_space<vmem>>)
        tpu.yield
      }) : () -> ()
    } else {
    }
    %dma_start3A_59 = arith.constant 0 : i32
    %dma_start3A_60 = arith.constant 0 : i32
    %dma_start3A_61 = arith.constant 0 : i32
    %dma_start3A_62 = tpu.memref_slice %arg13[%dma_start3A_60, %dma_start3A_61] : memref<128x128xf32, #tpu.memory_space<vmem>> -> memref<32x128xf32, #tpu.memory_space<vmem>>
    %dma_start3A_63 = arith.constant 0 : i32
    %dma_start3A_64 = tpu.memref_slice %arg11[%dma_start3A_59, %dma_start3A_63] : memref<156x128xi32, #tpu.memory_space<vmem>> -> memref<1x32xi32, #tpu.memory_space<vmem>>
    %dma_start3A_65 = tpu.memref_squeeze %dma_start3A_64 : memref<1x32xi32, #tpu.memory_space<vmem>> -> memref<32xi32, #tpu.memory_space<vmem>>
    %dma_start3A_66 = arith.constant 0 : i32
    %dma_start3A_67 = arith.constant 0 : i32
    %dma_start3A_68 = tpu.memref_slice %arg2[%dma_start3A_66, %dma_start3A_67] : memref<10000x128xf32, #tpu.memory_space<hbm>> -> memref<10000x128xf32, #tpu.memory_space<hbm>>
    tpu.enqueue_indirect_dma source(%dma_start3A_68 : memref<10000x128xf32, #tpu.memory_space<hbm>>) target(%dma_start3A_62 : memref<32x128xf32, #tpu.memory_space<vmem>>) offsets(%dma_start3A_65 : memref<32xi32, #tpu.memory_space<vmem>>) semaphore(%arg17 : memref<!tpu.dma_semaphore, #tpu.memory_space<semaphore_mem>>)
    %dma_wait3A = arith.constant 0 : i32
    %dma_wait3A_69 = arith.constant 0 : i32
    %dma_wait3A_70 = arith.constant 0 : i32
    %dma_wait3A_71 = tpu.memref_slice %arg13[%dma_wait3A_69, %dma_wait3A_70] : memref<128x128xf32, #tpu.memory_space<vmem>> -> memref<32x128xf32, #tpu.memory_space<vmem>>
    %dma_wait3A_72 = arith.constant 0 : i32
    %dma_wait3A_73 = tpu.memref_slice %arg11[%dma_wait3A, %dma_wait3A_72] : memref<156x128xi32, #tpu.memory_space<vmem>> -> memref<1x32xi32, #tpu.memory_space<vmem>>
    %dma_wait3A_74 = tpu.memref_squeeze %dma_wait3A_73 : memref<1x32xi32, #tpu.memory_space<vmem>> -> memref<32xi32, #tpu.memory_space<vmem>>
    %dma_wait3A_75 = arith.constant 0 : i32
    %dma_wait3A_76 = arith.constant 0 : i32
    %dma_wait3A_77 = tpu.memref_slice %arg2[%dma_wait3A_75, %dma_wait3A_76] : memref<10000x128xf32, #tpu.memory_space<hbm>> -> memref<10000x128xf32, #tpu.memory_space<hbm>>
    tpu.wait_indirect_dma semaphore(%arg17 : memref<!tpu.dma_semaphore, #tpu.memory_space<semaphore_mem>>) src(%dma_wait3A_77 : memref<10000x128xf32, #tpu.memory_space<hbm>>) dst(%dma_wait3A_71 : memref<32x128xf32, #tpu.memory_space<vmem>>)
    %run_scoped3A_78 = arith.constant 0 : i32
    "tpu.region"() ({
      %run_scoped3A_90 = tpu.sem_alloc : memref<!tpu.dma_semaphore, #tpu.memory_space<semaphore_mem>>
      %dma_start3A_91 = arith.constant 0 : i32
      %dma_start3A_92 = arith.constant 0 : i32
      %dma_start3A_93 = tpu.memref_slice %arg13[%dma_start3A_91, %dma_start3A_92] : memref<128x128xf32, #tpu.memory_space<vmem>> -> memref<32x128xf32, #tpu.memory_space<vmem>>
      %dma_start3A_94 = arith.constant 0 : i32
      %dma_start3A_95 = tpu.memref_slice %arg12[%run_scoped3A_78, %dma_start3A_94] : memref<156x128xi32, #tpu.memory_space<vmem>> -> memref<1x32xi32, #tpu.memory_space<vmem>>
      %dma_start3A_96 = tpu.memref_squeeze %dma_start3A_95 : memref<1x32xi32, #tpu.memory_space<vmem>> -> memref<32xi32, #tpu.memory_space<vmem>>
      %dma_start3A_97 = arith.constant 0 : i32
      %dma_start3A_98 = arith.constant 0 : i32
      %dma_start3A_99 = tpu.memref_slice %arg16[%dma_start3A_97, %dma_start3A_98] : memref<5016x128xf32, #tpu.memory_space<vmem_shared>> -> memref<5016x128xf32, #tpu.memory_space<vmem_shared>>
      tpu.enqueue_indirect_dma source(%dma_start3A_93 : memref<32x128xf32, #tpu.memory_space<vmem>>) target(%dma_start3A_99 : memref<5016x128xf32, #tpu.memory_space<vmem_shared>>) offsets(%dma_start3A_96 : memref<32xi32, #tpu.memory_space<vmem>>) semaphore(%run_scoped3A_90 : memref<!tpu.dma_semaphore, #tpu.memory_space<semaphore_mem>>) {add = true}
      %dma_wait3A_100 = arith.constant 0 : i32
      %dma_wait3A_101 = arith.constant 0 : i32
      %dma_wait3A_102 = tpu.memref_slice %arg13[%dma_wait3A_100, %dma_wait3A_101] : memref<128x128xf32, #tpu.memory_space<vmem>> -> memref<32x128xf32, #tpu.memory_space<vmem>>
      %dma_wait3A_103 = arith.constant 0 : i32
      %dma_wait3A_104 = tpu.memref_slice %arg12[%run_scoped3A_78, %dma_wait3A_103] : memref<156x128xi32, #tpu.memory_space<vmem>> -> memref<1x32xi32, #tpu.memory_space<vmem>>
      %dma_wait3A_105 = tpu.memref_squeeze %dma_wait3A_104 : memref<1x32xi32, #tpu.memory_space<vmem>> -> memref<32xi32, #tpu.memory_space<vmem>>
      %dma_wait3A_106 = arith.constant 0 : i32
      %dma_wait3A_107 = arith.constant 0 : i32
      %dma_wait3A_108 = tpu.memref_slice %arg16[%dma_wait3A_106, %dma_wait3A_107] : memref<5016x128xf32, #tpu.memory_space<vmem_shared>> -> memref<5016x128xf32, #tpu.memory_space<vmem_shared>>
      tpu.wait_indirect_dma semaphore(%run_scoped3A_90 : memref<!tpu.dma_semaphore, #tpu.memory_space<semaphore_mem>>) src(%dma_wait3A_102 : memref<32x128xf32, #tpu.memory_space<vmem>>) dst(%dma_wait3A_108 : memref<5016x128xf32, #tpu.memory_space<vmem_shared>>)
      tpu.yield
    }) : () -> ()
    %barrier3A_79 = arith.constant 0 : index
    tpu.barrier barrier_id(%barrier3A_79)
    %eq3A_80 = arith.constant 0 : i32
    %eq3A_81 = arith.cmpi eq, %arg1, %eq3A_80 : i32
    %convert_element_type3A_82 = arith.extui %eq3A_81 : i1 to i32
    %cond3A_83 = arith.constant 0 : i32
    %cond3A_84 = arith.cmpi ne, %convert_element_type3A_82, %cond3A_83 : i32
    scf.if %cond3A_84 {
      %multiple_of3A_90 = tpu.assume_multiple %mul3A_0, 8 : i32
      "tpu.region"() ({
        %run_scoped3A_91 = tpu.sem_alloc : memref<!tpu.dma_semaphore, #tpu.memory_space<semaphore_mem>>
        %dma_start3A_92 = arith.constant 0 : i32
        %dma_start3A_93 = tpu.memref_slice %arg10[%multiple_of3A_90, %dma_start3A_92] : memref<10000x128xf32, #tpu.memory_space<hbm>> -> memref<320x128xf32, #tpu.memory_space<hbm>>
        %dma_start3A_94 = arith.constant 0 : i32
        %dma_start3A_95 = arith.constant 0 : i32
        %dma_start3A_96 = tpu.memref_slice %arg16[%dma_start3A_94, %dma_start3A_95] : memref<5016x128xf32, #tpu.memory_space<vmem_shared>> -> memref<320x128xf32, #tpu.memory_space<vmem_shared>>
        tpu.enqueue_dma source(%dma_start3A_96 : memref<320x128xf32, #tpu.memory_space<vmem_shared>>) target(%dma_start3A_93 : memref<320x128xf32, #tpu.memory_space<hbm>>) target_semaphore(%run_scoped3A_91 : memref<!tpu.dma_semaphore, #tpu.memory_space<semaphore_mem>>)
        %dma_wait3A_97 = arith.constant 0 : i32
        %dma_wait3A_98 = tpu.memref_slice %arg10[%multiple_of3A_90, %dma_wait3A_97] : memref<10000x128xf32, #tpu.memory_space<hbm>> -> memref<320x128xf32, #tpu.memory_space<hbm>>
        %dma_wait3A_99 = arith.constant 0 : i32
        %dma_wait3A_100 = arith.constant 0 : i32
        %dma_wait3A_101 = tpu.memref_slice %arg16[%dma_wait3A_99, %dma_wait3A_100] : memref<5016x128xf32, #tpu.memory_space<vmem_shared>> -> memref<320x128xf32, #tpu.memory_space<vmem_shared>>
        tpu.wait_dma2 semaphore(%run_scoped3A_91 : memref<!tpu.dma_semaphore, #tpu.memory_space<semaphore_mem>>) src(%dma_wait3A_101 : memref<320x128xf32, #tpu.memory_space<vmem_shared>>) dst(%dma_wait3A_98 : memref<320x128xf32, #tpu.memory_space<hbm>>)
        tpu.yield
      }) : () -> ()
    } else {
    }
    %gt3A_85 = arith.constant 0 : i32
    %gt3A_86 = arith.cmpi sgt, %arg1, %gt3A_85 : i32
    %convert_element_type3A_87 = arith.extui %gt3A_86 : i1 to i32
    %cond3A_88 = arith.constant 0 : i32
    %cond3A_89 = arith.cmpi ne, %convert_element_type3A_87, %cond3A_88 : i32
    scf.if %cond3A_89 {
      %add3A_90 = arith.addi %mul3A_0, %multiple_of3A : i32
      %multiple_of3A_91 = tpu.assume_multiple %add3A_90, 8 : i32
      "tpu.region"() ({
        %run_scoped3A_92 = tpu.sem_alloc : memref<!tpu.dma_semaphore, #tpu.memory_space<semaphore_mem>>
        %dma_start3A_93 = arith.constant 0 : i32
        %dma_start3A_94 = tpu.memref_slice %arg10[%multiple_of3A_91, %dma_start3A_93] : memref<10000x128xf32, #tpu.memory_space<hbm>> -> memref<312x128xf32, #tpu.memory_space<hbm>>
        %dma_start3A_95 = arith.constant 0 : i32
        %dma_start3A_96 = tpu.memref_slice %arg16[%multiple_of3A, %dma_start3A_95] : memref<5016x128xf32, #tpu.memory_space<vmem_shared>> -> memref<312x128xf32, #tpu.memory_space<vmem_shared>>
        tpu.enqueue_dma source(%dma_start3A_96 : memref<312x128xf32, #tpu.memory_space<vmem_shared>>) target(%dma_start3A_94 : memref<312x128xf32, #tpu.memory_space<hbm>>) target_semaphore(%run_scoped3A_92 : memref<!tpu.dma_semaphore, #tpu.memory_space<semaphore_mem>>)
        %dma_wait3A_97 = arith.constant 0 : i32
        %dma_wait3A_98 = tpu.memref_slice %arg10[%multiple_of3A_91, %dma_wait3A_97] : memref<10000x128xf32, #tpu.memory_space<hbm>> -> memref<312x128xf32, #tpu.memory_space<hbm>>
        %dma_wait3A_99 = arith.constant 0 : i32
        %dma_wait3A_100 = tpu.memref_slice %arg16[%multiple_of3A, %dma_wait3A_99] : memref<5016x128xf32, #tpu.memory_space<vmem_shared>> -> memref<312x128xf32, #tpu.memory_space<vmem_shared>>
        tpu.wait_dma2 semaphore(%run_scoped3A_92 : memref<!tpu.dma_semaphore, #tpu.memory_space<semaphore_mem>>) src(%dma_wait3A_100 : memref<312x128xf32, #tpu.memory_space<vmem_shared>>) dst(%dma_wait3A_98 : memref<312x128xf32, #tpu.memory_space<hbm>>)
        tpu.yield
      }) : () -> ()
    } else {
    }
    return
  }
}

#map = affine_map<(d0, d1) -> (0, 0)>
#map1 = affine_map<(d0, d1) -> (0, 0, 0)>
#map2 = affine_map<(d0, d1) -> (0)>
module attributes {stable_mosaic.version = 14 : i64} {
  func.func @_sc_agg_body(%arg0: i32, %arg1: i32, %arg2: memref<10000x128xf32, #tpu.memory_space<hbm>>, %arg3: memref<16x156x128xi32, #tpu.memory_space<hbm>>, %arg4: memref<16x156x128xi32, #tpu.memory_space<hbm>>, %arg5: memref<16x156x128xi32, #tpu.memory_space<hbm>>, %arg6: memref<512xi32, #tpu.memory_space<hbm>>, %arg7: memref<512xi32, #tpu.memory_space<hbm>>, %arg8: memref<512xi32, #tpu.memory_space<hbm>>, %arg9: memref<320x128xf32, #tpu.memory_space<hbm>>, %arg10: memref<10000x128xf32, #tpu.memory_space<hbm>>, %arg11: memref<156x128xi32, #tpu.memory_space<vmem>>, %arg12: memref<156x128xi32, #tpu.memory_space<vmem>>, %arg13: memref<128x128xf32, #tpu.memory_space<vmem>>, %arg14: memref<128x128xf32, #tpu.memory_space<vmem>>, %arg15: memref<128x128xf32, #tpu.memory_space<vmem>>, %arg16: memref<5016x128xf32, #tpu.memory_space<vmem_shared>>, %arg17: memref<!tpu.dma_semaphore, #tpu.memory_space<semaphore_mem>>, %arg18: memref<!tpu.dma_semaphore, #tpu.memory_space<semaphore_mem>>, %arg19: memref<!tpu.dma_semaphore, #tpu.memory_space<semaphore_mem>>) attributes {dimension_semantics = [#tpu.dimension_semantics<core_parallel>, #tpu.dimension_semantics<subcore_parallel>], iteration_bounds = array<i64: 2, 16>, scalar_prefetch = 0 : i64, scratch_operands = 9 : i64, tpu.core_type = #tpu.core_type<sc_vector_subcore>, window_params = [{transform_indices = #map}, {transform_indices = #map1}, {transform_indices = #map1}, {transform_indices = #map1}, {transform_indices = #map2}, {transform_indices = #map2}, {transform_indices = #map2}, {transform_indices = #map}, {transform_indices = #map}]} {
    %mul3A = arith.constant 5000 : i32
    %mul3A_0 = arith.muli %arg0, %mul3A : i32
    %mul3A_1 = arith.constant 312 : i32
    %mul3A_2 = arith.muli %arg1, %mul3A_1 : i32
    %gt3A = arith.constant 0 : i32
    %gt3A_3 = arith.cmpi sgt, %arg1, %gt3A : i32
    %jit3A = arith.constant 8 : i32
    %jit3A_4 = arith.constant 0 : i32
    %select_n3A = arith.select %gt3A_3, %jit3A, %jit3A_4 : i32
    %add3A = arith.addi %mul3A_2, %select_n3A : i32
    %multiple_of3A = tpu.assume_multiple %add3A, 8 : i32
    %eq3A = arith.constant 0 : i32
    %eq3A_5 = arith.cmpi eq, %arg1, %eq3A : i32
    %convert_element_type3A = arith.extui %eq3A_5 : i1 to i32
    %cond3A = arith.constant 0 : i32
    %cond3A_6 = arith.cmpi ne, %convert_element_type3A, %cond3A : i32
    scf.if %cond3A_6 {
      "tpu.region"() ({
        %run_scoped3A_90 = tpu.sem_alloc : memref<!tpu.dma_semaphore, #tpu.memory_space<semaphore_mem>>
        %dma_start3A_91 = arith.constant 0 : i32
        %dma_start3A_92 = arith.constant 0 : i32
        %dma_start3A_93 = tpu.memref_slice %arg16[%dma_start3A_91, %dma_start3A_92] : memref<5016x128xf32, #tpu.memory_space<vmem_shared>> -> memref<320x128xf32, #tpu.memory_space<vmem_shared>>
        tpu.enqueue_dma source(%arg9 : memref<320x128xf32, #tpu.memory_space<hbm>>) target(%dma_start3A_93 : memref<320x128xf32, #tpu.memory_space<vmem_shared>>) target_semaphore(%run_scoped3A_90 : memref<!tpu.dma_semaphore, #tpu.memory_space<semaphore_mem>>)
        %dma_wait3A_94 = arith.constant 0 : i32
        %dma_wait3A_95 = arith.constant 0 : i32
        %dma_wait3A_96 = tpu.memref_slice %arg16[%dma_wait3A_94, %dma_wait3A_95] : memref<5016x128xf32, #tpu.memory_space<vmem_shared>> -> memref<320x128xf32, #tpu.memory_space<vmem_shared>>
        tpu.wait_dma2 semaphore(%run_scoped3A_90 : memref<!tpu.dma_semaphore, #tpu.memory_space<semaphore_mem>>) src(%arg9 : memref<320x128xf32, #tpu.memory_space<hbm>>) dst(%dma_wait3A_96 : memref<320x128xf32, #tpu.memory_space<vmem_shared>>)
        tpu.yield
      }) : () -> ()
    } else {
    }
    %gt3A_7 = arith.constant 0 : i32
    %gt3A_8 = arith.cmpi sgt, %arg1, %gt3A_7 : i32
    %convert_element_type3A_9 = arith.extui %gt3A_8 : i1 to i32
    %cond3A_10 = arith.constant 0 : i32
    %cond3A_11 = arith.cmpi ne, %convert_element_type3A_9, %cond3A_10 : i32
    scf.if %cond3A_11 {
      "tpu.region"() ({
        %run_scoped3A_90 = tpu.sem_alloc : memref<!tpu.dma_semaphore, #tpu.memory_space<semaphore_mem>>
        %dma_start3A_91 = arith.constant 0 : i32
        %dma_start3A_92 = tpu.memref_slice %arg16[%multiple_of3A, %dma_start3A_91] : memref<5016x128xf32, #tpu.memory_space<vmem_shared>> -> memref<312x128xf32, #tpu.memory_space<vmem_shared>>
        %dma_start3A_93 = arith.constant 0 : i32
        %dma_start3A_94 = arith.constant 0 : i32
        %dma_start3A_95 = tpu.memref_slice %arg9[%dma_start3A_93, %dma_start3A_94] : memref<320x128xf32, #tpu.memory_space<hbm>> -> memref<312x128xf32, #tpu.memory_space<hbm>>
        tpu.enqueue_dma source(%dma_start3A_95 : memref<312x128xf32, #tpu.memory_space<hbm>>) target(%dma_start3A_92 : memref<312x128xf32, #tpu.memory_space<vmem_shared>>) target_semaphore(%run_scoped3A_90 : memref<!tpu.dma_semaphore, #tpu.memory_space<semaphore_mem>>)
        %dma_wait3A_96 = arith.constant 0 : i32
        %dma_wait3A_97 = tpu.memref_slice %arg16[%multiple_of3A, %dma_wait3A_96] : memref<5016x128xf32, #tpu.memory_space<vmem_shared>> -> memref<312x128xf32, #tpu.memory_space<vmem_shared>>
        %dma_wait3A_98 = arith.constant 0 : i32
        %dma_wait3A_99 = arith.constant 0 : i32
        %dma_wait3A_100 = tpu.memref_slice %arg9[%dma_wait3A_98, %dma_wait3A_99] : memref<320x128xf32, #tpu.memory_space<hbm>> -> memref<312x128xf32, #tpu.memory_space<hbm>>
        tpu.wait_dma2 semaphore(%run_scoped3A_90 : memref<!tpu.dma_semaphore, #tpu.memory_space<semaphore_mem>>) src(%dma_wait3A_100 : memref<312x128xf32, #tpu.memory_space<hbm>>) dst(%dma_wait3A_97 : memref<312x128xf32, #tpu.memory_space<vmem_shared>>)
        tpu.yield
      }) : () -> ()
    } else {
    }
    "tpu.region"() ({
      %run_scoped3A_90 = tpu.sem_alloc : memref<!tpu.dma_semaphore, #tpu.memory_space<semaphore_mem>>
      %dma_start3A_91 = arith.constant 0 : i32
      %dma_start3A_92 = arith.constant 0 : i32
      %dma_start3A_93 = tpu.memref_slice %arg3[%arg1, %dma_start3A_91, %dma_start3A_92] : memref<16x156x128xi32, #tpu.memory_space<hbm>> -> memref<1x156x128xi32, #tpu.memory_space<hbm>>
      %dma_start3A_94 = tpu.memref_squeeze %dma_start3A_93 : memref<1x156x128xi32, #tpu.memory_space<hbm>> -> memref<156x128xi32, #tpu.memory_space<hbm>>
      %dma_start3A_95 = arith.constant 0 : i32
      %dma_start3A_96 = arith.constant 0 : i32
      %dma_start3A_97 = tpu.memref_slice %arg3[%arg1, %dma_start3A_95, %dma_start3A_96] : memref<16x156x128xi32, #tpu.memory_space<hbm>> -> memref<1x156x128xi32, #tpu.memory_space<hbm>>
      %dma_start3A_98 = tpu.memref_squeeze %dma_start3A_97 : memref<1x156x128xi32, #tpu.memory_space<hbm>> -> memref<156x128xi32, #tpu.memory_space<hbm>>
      tpu.enqueue_dma source(%dma_start3A_98 : memref<156x128xi32, #tpu.memory_space<hbm>>) target(%arg11 : memref<156x128xi32, #tpu.memory_space<vmem>>) target_semaphore(%run_scoped3A_90 : memref<!tpu.dma_semaphore, #tpu.memory_space<semaphore_mem>>)
      %dma_wait3A_99 = arith.constant 0 : i32
      %dma_wait3A_100 = arith.constant 0 : i32
      %dma_wait3A_101 = tpu.memref_slice %arg3[%arg1, %dma_wait3A_99, %dma_wait3A_100] : memref<16x156x128xi32, #tpu.memory_space<hbm>> -> memref<1x156x128xi32, #tpu.memory_space<hbm>>
      %dma_wait3A_102 = tpu.memref_squeeze %dma_wait3A_101 : memref<1x156x128xi32, #tpu.memory_space<hbm>> -> memref<156x128xi32, #tpu.memory_space<hbm>>
      %dma_wait3A_103 = arith.constant 0 : i32
      %dma_wait3A_104 = arith.constant 0 : i32
      %dma_wait3A_105 = tpu.memref_slice %arg3[%arg1, %dma_wait3A_103, %dma_wait3A_104] : memref<16x156x128xi32, #tpu.memory_space<hbm>> -> memref<1x156x128xi32, #tpu.memory_space<hbm>>
      %dma_wait3A_106 = tpu.memref_squeeze %dma_wait3A_105 : memref<1x156x128xi32, #tpu.memory_space<hbm>> -> memref<156x128xi32, #tpu.memory_space<hbm>>
      tpu.wait_dma2 semaphore(%run_scoped3A_90 : memref<!tpu.dma_semaphore, #tpu.memory_space<semaphore_mem>>) src(%dma_wait3A_106 : memref<156x128xi32, #tpu.memory_space<hbm>>) dst(%arg11 : memref<156x128xi32, #tpu.memory_space<vmem>>)
      tpu.yield
    }) : () -> ()
    %eq3A_12 = arith.constant 0 : i32
    %eq3A_13 = arith.cmpi eq, %arg0, %eq3A_12 : i32
    %convert_element_type3A_14 = arith.extui %eq3A_13 : i1 to i32
    %cond3A_15 = arith.constant 0 : i32
    %cond3A_16 = arith.cmpi ne, %convert_element_type3A_14, %cond3A_15 : i32
    scf.if %cond3A_16 {
      "tpu.region"() ({
        %run_scoped3A_90 = tpu.sem_alloc : memref<!tpu.dma_semaphore, #tpu.memory_space<semaphore_mem>>
        %dma_start3A_91 = arith.constant 0 : i32
        %dma_start3A_92 = arith.constant 0 : i32
        %dma_start3A_93 = tpu.memref_slice %arg4[%arg1, %dma_start3A_91, %dma_start3A_92] : memref<16x156x128xi32, #tpu.memory_space<hbm>> -> memref<1x156x128xi32, #tpu.memory_space<hbm>>
        %dma_start3A_94 = tpu.memref_squeeze %dma_start3A_93 : memref<1x156x128xi32, #tpu.memory_space<hbm>> -> memref<156x128xi32, #tpu.memory_space<hbm>>
        %dma_start3A_95 = arith.constant 0 : i32
        %dma_start3A_96 = arith.constant 0 : i32
        %dma_start3A_97 = tpu.memref_slice %arg4[%arg1, %dma_start3A_95, %dma_start3A_96] : memref<16x156x128xi32, #tpu.memory_space<hbm>> -> memref<1x156x128xi32, #tpu.memory_space<hbm>>
        %dma_start3A_98 = tpu.memref_squeeze %dma_start3A_97 : memref<1x156x128xi32, #tpu.memory_space<hbm>> -> memref<156x128xi32, #tpu.memory_space<hbm>>
        tpu.enqueue_dma source(%dma_start3A_98 : memref<156x128xi32, #tpu.memory_space<hbm>>) target(%arg12 : memref<156x128xi32, #tpu.memory_space<vmem>>) target_semaphore(%run_scoped3A_90 : memref<!tpu.dma_semaphore, #tpu.memory_space<semaphore_mem>>)
        %dma_wait3A_99 = arith.constant 0 : i32
        %dma_wait3A_100 = arith.constant 0 : i32
        %dma_wait3A_101 = tpu.memref_slice %arg4[%arg1, %dma_wait3A_99, %dma_wait3A_100] : memref<16x156x128xi32, #tpu.memory_space<hbm>> -> memref<1x156x128xi32, #tpu.memory_space<hbm>>
        %dma_wait3A_102 = tpu.memref_squeeze %dma_wait3A_101 : memref<1x156x128xi32, #tpu.memory_space<hbm>> -> memref<156x128xi32, #tpu.memory_space<hbm>>
        %dma_wait3A_103 = arith.constant 0 : i32
        %dma_wait3A_104 = arith.constant 0 : i32
        %dma_wait3A_105 = tpu.memref_slice %arg4[%arg1, %dma_wait3A_103, %dma_wait3A_104] : memref<16x156x128xi32, #tpu.memory_space<hbm>> -> memref<1x156x128xi32, #tpu.memory_space<hbm>>
        %dma_wait3A_106 = tpu.memref_squeeze %dma_wait3A_105 : memref<1x156x128xi32, #tpu.memory_space<hbm>> -> memref<156x128xi32, #tpu.memory_space<hbm>>
        tpu.wait_dma2 semaphore(%run_scoped3A_90 : memref<!tpu.dma_semaphore, #tpu.memory_space<semaphore_mem>>) src(%dma_wait3A_106 : memref<156x128xi32, #tpu.memory_space<hbm>>) dst(%arg12 : memref<156x128xi32, #tpu.memory_space<vmem>>)
        tpu.yield
      }) : () -> ()
    } else {
    }
    %eq3A_17 = arith.constant 1 : i32
    %eq3A_18 = arith.cmpi eq, %arg0, %eq3A_17 : i32
    %convert_element_type3A_19 = arith.extui %eq3A_18 : i1 to i32
    %cond3A_20 = arith.constant 0 : i32
    %cond3A_21 = arith.cmpi ne, %convert_element_type3A_19, %cond3A_20 : i32
    scf.if %cond3A_21 {
      "tpu.region"() ({
        %run_scoped3A_90 = tpu.sem_alloc : memref<!tpu.dma_semaphore, #tpu.memory_space<semaphore_mem>>
        %dma_start3A_91 = arith.constant 0 : i32
        %dma_start3A_92 = arith.constant 0 : i32
        %dma_start3A_93 = tpu.memref_slice %arg5[%arg1, %dma_start3A_91, %dma_start3A_92] : memref<16x156x128xi32, #tpu.memory_space<hbm>> -> memref<1x156x128xi32, #tpu.memory_space<hbm>>
        %dma_start3A_94 = tpu.memref_squeeze %dma_start3A_93 : memref<1x156x128xi32, #tpu.memory_space<hbm>> -> memref<156x128xi32, #tpu.memory_space<hbm>>
        %dma_start3A_95 = arith.constant 0 : i32
        %dma_start3A_96 = arith.constant 0 : i32
        %dma_start3A_97 = tpu.memref_slice %arg5[%arg1, %dma_start3A_95, %dma_start3A_96] : memref<16x156x128xi32, #tpu.memory_space<hbm>> -> memref<1x156x128xi32, #tpu.memory_space<hbm>>
        %dma_start3A_98 = tpu.memref_squeeze %dma_start3A_97 : memref<1x156x128xi32, #tpu.memory_space<hbm>> -> memref<156x128xi32, #tpu.memory_space<hbm>>
        tpu.enqueue_dma source(%dma_start3A_98 : memref<156x128xi32, #tpu.memory_space<hbm>>) target(%arg12 : memref<156x128xi32, #tpu.memory_space<vmem>>) target_semaphore(%run_scoped3A_90 : memref<!tpu.dma_semaphore, #tpu.memory_space<semaphore_mem>>)
        %dma_wait3A_99 = arith.constant 0 : i32
        %dma_wait3A_100 = arith.constant 0 : i32
        %dma_wait3A_101 = tpu.memref_slice %arg5[%arg1, %dma_wait3A_99, %dma_wait3A_100] : memref<16x156x128xi32, #tpu.memory_space<hbm>> -> memref<1x156x128xi32, #tpu.memory_space<hbm>>
        %dma_wait3A_102 = tpu.memref_squeeze %dma_wait3A_101 : memref<1x156x128xi32, #tpu.memory_space<hbm>> -> memref<156x128xi32, #tpu.memory_space<hbm>>
        %dma_wait3A_103 = arith.constant 0 : i32
        %dma_wait3A_104 = arith.constant 0 : i32
        %dma_wait3A_105 = tpu.memref_slice %arg5[%arg1, %dma_wait3A_103, %dma_wait3A_104] : memref<16x156x128xi32, #tpu.memory_space<hbm>> -> memref<1x156x128xi32, #tpu.memory_space<hbm>>
        %dma_wait3A_106 = tpu.memref_squeeze %dma_wait3A_105 : memref<1x156x128xi32, #tpu.memory_space<hbm>> -> memref<156x128xi32, #tpu.memory_space<hbm>>
        tpu.wait_dma2 semaphore(%run_scoped3A_90 : memref<!tpu.dma_semaphore, #tpu.memory_space<semaphore_mem>>) src(%dma_wait3A_106 : memref<156x128xi32, #tpu.memory_space<hbm>>) dst(%arg12 : memref<156x128xi32, #tpu.memory_space<vmem>>)
        tpu.yield
      }) : () -> ()
    } else {
    }
    %barrier3A = arith.constant 0 : index
    tpu.barrier barrier_id(%barrier3A)
    %dma_start3A = arith.constant 0 : i32
    %dma_start3A_22 = arith.constant 0 : i32
    %dma_start3A_23 = tpu.memref_slice %arg11[%dma_start3A, %dma_start3A_22] : memref<156x128xi32, #tpu.memory_space<vmem>> -> memref<1x128xi32, #tpu.memory_space<vmem>>
    %dma_start3A_24 = tpu.memref_squeeze %dma_start3A_23 : memref<1x128xi32, #tpu.memory_space<vmem>> -> memref<128xi32, #tpu.memory_space<vmem>>
    %dma_start3A_25 = arith.constant 0 : i32
    %dma_start3A_26 = arith.constant 0 : i32
    %dma_start3A_27 = tpu.memref_slice %arg2[%dma_start3A_25, %dma_start3A_26] : memref<10000x128xf32, #tpu.memory_space<hbm>> -> memref<10000x128xf32, #tpu.memory_space<hbm>>
    tpu.enqueue_indirect_dma source(%dma_start3A_27 : memref<10000x128xf32, #tpu.memory_space<hbm>>) target(%arg13 : memref<128x128xf32, #tpu.memory_space<vmem>>) offsets(%dma_start3A_24 : memref<128xi32, #tpu.memory_space<vmem>>) semaphore(%arg17 : memref<!tpu.dma_semaphore, #tpu.memory_space<semaphore_mem>>)
    %dma_start3A_28 = arith.constant 1 : i32
    %dma_start3A_29 = arith.constant 0 : i32
    %dma_start3A_30 = tpu.memref_slice %arg11[%dma_start3A_28, %dma_start3A_29] : memref<156x128xi32, #tpu.memory_space<vmem>> -> memref<1x128xi32, #tpu.memory_space<vmem>>
    %dma_start3A_31 = tpu.memref_squeeze %dma_start3A_30 : memref<1x128xi32, #tpu.memory_space<vmem>> -> memref<128xi32, #tpu.memory_space<vmem>>
    %dma_start3A_32 = arith.constant 0 : i32
    %dma_start3A_33 = arith.constant 0 : i32
    %dma_start3A_34 = tpu.memref_slice %arg2[%dma_start3A_32, %dma_start3A_33] : memref<10000x128xf32, #tpu.memory_space<hbm>> -> memref<10000x128xf32, #tpu.memory_space<hbm>>
    tpu.enqueue_indirect_dma source(%dma_start3A_34 : memref<10000x128xf32, #tpu.memory_space<hbm>>) target(%arg14 : memref<128x128xf32, #tpu.memory_space<vmem>>) offsets(%dma_start3A_31 : memref<128xi32, #tpu.memory_space<vmem>>) semaphore(%arg18 : memref<!tpu.dma_semaphore, #tpu.memory_space<semaphore_mem>>)
    %dma_start3A_35 = arith.constant 2 : i32
    %dma_start3A_36 = arith.constant 0 : i32
    %dma_start3A_37 = tpu.memref_slice %arg11[%dma_start3A_35, %dma_start3A_36] : memref<156x128xi32, #tpu.memory_space<vmem>> -> memref<1x128xi32, #tpu.memory_space<vmem>>
    %dma_start3A_38 = tpu.memref_squeeze %dma_start3A_37 : memref<1x128xi32, #tpu.memory_space<vmem>> -> memref<128xi32, #tpu.memory_space<vmem>>
    %dma_start3A_39 = arith.constant 0 : i32
    %dma_start3A_40 = arith.constant 0 : i32
    %dma_start3A_41 = tpu.memref_slice %arg2[%dma_start3A_39, %dma_start3A_40] : memref<10000x128xf32, #tpu.memory_space<hbm>> -> memref<10000x128xf32, #tpu.memory_space<hbm>>
    tpu.enqueue_indirect_dma source(%dma_start3A_41 : memref<10000x128xf32, #tpu.memory_space<hbm>>) target(%arg15 : memref<128x128xf32, #tpu.memory_space<vmem>>) offsets(%dma_start3A_38 : memref<128xi32, #tpu.memory_space<vmem>>) semaphore(%arg19 : memref<!tpu.dma_semaphore, #tpu.memory_space<semaphore_mem>>)
    %scan3A = arith.constant 0 : i32
    %scan3A_42 = arith.constant 0 : i32
    %scan3A_43 = arith.constant 52 : i32
    %scan3A_44 = arith.addi %scan3A_42, %scan3A_43 : i32
    %scan3A_45 = arith.constant 1 : i32
    scf.for %scan3A_90 = %scan3A_42 to %scan3A_44 step %scan3A_45  : i32 {
      %mul3A_91 = arith.constant 3 : i32
      %mul3A_92 = arith.muli %mul3A_91, %scan3A_90 : i32
      %dma_wait3A_93 = arith.constant 0 : i32
      %dma_wait3A_94 = tpu.memref_slice %arg11[%mul3A_92, %dma_wait3A_93] : memref<156x128xi32, #tpu.memory_space<vmem>> -> memref<1x128xi32, #tpu.memory_space<vmem>>
      %dma_wait3A_95 = tpu.memref_squeeze %dma_wait3A_94 : memref<1x128xi32, #tpu.memory_space<vmem>> -> memref<128xi32, #tpu.memory_space<vmem>>
      %dma_wait3A_96 = arith.constant 0 : i32
      %dma_wait3A_97 = arith.constant 0 : i32
      %dma_wait3A_98 = tpu.memref_slice %arg2[%dma_wait3A_96, %dma_wait3A_97] : memref<10000x128xf32, #tpu.memory_space<hbm>> -> memref<10000x128xf32, #tpu.memory_space<hbm>>
      tpu.wait_indirect_dma semaphore(%arg17 : memref<!tpu.dma_semaphore, #tpu.memory_space<semaphore_mem>>) src(%dma_wait3A_98 : memref<10000x128xf32, #tpu.memory_space<hbm>>) dst(%arg13 : memref<128x128xf32, #tpu.memory_space<vmem>>)
      "tpu.region"() ({
        %run_scoped3A_142 = tpu.sem_alloc : memref<!tpu.dma_semaphore, #tpu.memory_space<semaphore_mem>>
        %dma_start3A_143 = arith.constant 0 : i32
        %dma_start3A_144 = tpu.memref_slice %arg12[%mul3A_92, %dma_start3A_143] : memref<156x128xi32, #tpu.memory_space<vmem>> -> memref<1x128xi32, #tpu.memory_space<vmem>>
        %dma_start3A_145 = tpu.memref_squeeze %dma_start3A_144 : memref<1x128xi32, #tpu.memory_space<vmem>> -> memref<128xi32, #tpu.memory_space<vmem>>
        %dma_start3A_146 = arith.constant 0 : i32
        %dma_start3A_147 = arith.constant 0 : i32
        %dma_start3A_148 = tpu.memref_slice %arg16[%dma_start3A_146, %dma_start3A_147] : memref<5016x128xf32, #tpu.memory_space<vmem_shared>> -> memref<5016x128xf32, #tpu.memory_space<vmem_shared>>
        tpu.enqueue_indirect_dma source(%arg13 : memref<128x128xf32, #tpu.memory_space<vmem>>) target(%dma_start3A_148 : memref<5016x128xf32, #tpu.memory_space<vmem_shared>>) offsets(%dma_start3A_145 : memref<128xi32, #tpu.memory_space<vmem>>) semaphore(%run_scoped3A_142 : memref<!tpu.dma_semaphore, #tpu.memory_space<semaphore_mem>>) {add = true}
        %dma_wait3A_149 = arith.constant 0 : i32
        %dma_wait3A_150 = tpu.memref_slice %arg12[%mul3A_92, %dma_wait3A_149] : memref<156x128xi32, #tpu.memory_space<vmem>> -> memref<1x128xi32, #tpu.memory_space<vmem>>
        %dma_wait3A_151 = tpu.memref_squeeze %dma_wait3A_150 : memref<1x128xi32, #tpu.memory_space<vmem>> -> memref<128xi32, #tpu.memory_space<vmem>>
        %dma_wait3A_152 = arith.constant 0 : i32
        %dma_wait3A_153 = arith.constant 0 : i32
        %dma_wait3A_154 = tpu.memref_slice %arg16[%dma_wait3A_152, %dma_wait3A_153] : memref<5016x128xf32, #tpu.memory_space<vmem_shared>> -> memref<5016x128xf32, #tpu.memory_space<vmem_shared>>
        tpu.wait_indirect_dma semaphore(%run_scoped3A_142 : memref<!tpu.dma_semaphore, #tpu.memory_space<semaphore_mem>>) src(%arg13 : memref<128x128xf32, #tpu.memory_space<vmem>>) dst(%dma_wait3A_154 : memref<5016x128xf32, #tpu.memory_space<vmem_shared>>)
        tpu.yield
      }) : () -> ()
      %barrier3A_99 = arith.constant 0 : index
      tpu.barrier barrier_id(%barrier3A_99)
      %add3A_100 = arith.constant 3 : i32
      %add3A_101 = arith.addi %mul3A_92, %add3A_100 : i32
      %lt3A = arith.constant 156 : i32
      %lt3A_102 = arith.cmpi slt, %add3A_101, %lt3A : i32
      %convert_element_type3A_103 = arith.extui %lt3A_102 : i1 to i32
      %cond3A_104 = arith.constant 0 : i32
      %cond3A_105 = arith.cmpi ne, %convert_element_type3A_103, %cond3A_104 : i32
      scf.if %cond3A_105 {
        %add3A_142 = arith.constant 3 : i32
        %add3A_143 = arith.addi %mul3A_92, %add3A_142 : i32
        %dma_start3A_144 = arith.constant 0 : i32
        %dma_start3A_145 = tpu.memref_slice %arg11[%add3A_143, %dma_start3A_144] : memref<156x128xi32, #tpu.memory_space<vmem>> -> memref<1x128xi32, #tpu.memory_space<vmem>>
        %dma_start3A_146 = tpu.memref_squeeze %dma_start3A_145 : memref<1x128xi32, #tpu.memory_space<vmem>> -> memref<128xi32, #tpu.memory_space<vmem>>
        %dma_start3A_147 = arith.constant 0 : i32
        %dma_start3A_148 = arith.constant 0 : i32
        %dma_start3A_149 = tpu.memref_slice %arg2[%dma_start3A_147, %dma_start3A_148] : memref<10000x128xf32, #tpu.memory_space<hbm>> -> memref<10000x128xf32, #tpu.memory_space<hbm>>
        tpu.enqueue_indirect_dma source(%dma_start3A_149 : memref<10000x128xf32, #tpu.memory_space<hbm>>) target(%arg13 : memref<128x128xf32, #tpu.memory_space<vmem>>) offsets(%dma_start3A_146 : memref<128xi32, #tpu.memory_space<vmem>>) semaphore(%arg17 : memref<!tpu.dma_semaphore, #tpu.memory_space<semaphore_mem>>)
      } else {
      }
      %mul3A_106 = arith.constant 3 : i32
      %mul3A_107 = arith.muli %mul3A_106, %scan3A_90 : i32
      %add3A_108 = arith.constant 1 : i32
      %add3A_109 = arith.addi %mul3A_107, %add3A_108 : i32
      %dma_wait3A_110 = arith.constant 0 : i32
      %dma_wait3A_111 = tpu.memref_slice %arg11[%add3A_109, %dma_wait3A_110] : memref<156x128xi32, #tpu.memory_space<vmem>> -> memref<1x128xi32, #tpu.memory_space<vmem>>
      %dma_wait3A_112 = tpu.memref_squeeze %dma_wait3A_111 : memref<1x128xi32, #tpu.memory_space<vmem>> -> memref<128xi32, #tpu.memory_space<vmem>>
      %dma_wait3A_113 = arith.constant 0 : i32
      %dma_wait3A_114 = arith.constant 0 : i32
      %dma_wait3A_115 = tpu.memref_slice %arg2[%dma_wait3A_113, %dma_wait3A_114] : memref<10000x128xf32, #tpu.memory_space<hbm>> -> memref<10000x128xf32, #tpu.memory_space<hbm>>
      tpu.wait_indirect_dma semaphore(%arg18 : memref<!tpu.dma_semaphore, #tpu.memory_space<semaphore_mem>>) src(%dma_wait3A_115 : memref<10000x128xf32, #tpu.memory_space<hbm>>) dst(%arg14 : memref<128x128xf32, #tpu.memory_space<vmem>>)
      "tpu.region"() ({
        %run_scoped3A_142 = tpu.sem_alloc : memref<!tpu.dma_semaphore, #tpu.memory_space<semaphore_mem>>
        %dma_start3A_143 = arith.constant 0 : i32
        %dma_start3A_144 = tpu.memref_slice %arg12[%add3A_109, %dma_start3A_143] : memref<156x128xi32, #tpu.memory_space<vmem>> -> memref<1x128xi32, #tpu.memory_space<vmem>>
        %dma_start3A_145 = tpu.memref_squeeze %dma_start3A_144 : memref<1x128xi32, #tpu.memory_space<vmem>> -> memref<128xi32, #tpu.memory_space<vmem>>
        %dma_start3A_146 = arith.constant 0 : i32
        %dma_start3A_147 = arith.constant 0 : i32
        %dma_start3A_148 = tpu.memref_slice %arg16[%dma_start3A_146, %dma_start3A_147] : memref<5016x128xf32, #tpu.memory_space<vmem_shared>> -> memref<5016x128xf32, #tpu.memory_space<vmem_shared>>
        tpu.enqueue_indirect_dma source(%arg14 : memref<128x128xf32, #tpu.memory_space<vmem>>) target(%dma_start3A_148 : memref<5016x128xf32, #tpu.memory_space<vmem_shared>>) offsets(%dma_start3A_145 : memref<128xi32, #tpu.memory_space<vmem>>) semaphore(%run_scoped3A_142 : memref<!tpu.dma_semaphore, #tpu.memory_space<semaphore_mem>>) {add = true}
        %dma_wait3A_149 = arith.constant 0 : i32
        %dma_wait3A_150 = tpu.memref_slice %arg12[%add3A_109, %dma_wait3A_149] : memref<156x128xi32, #tpu.memory_space<vmem>> -> memref<1x128xi32, #tpu.memory_space<vmem>>
        %dma_wait3A_151 = tpu.memref_squeeze %dma_wait3A_150 : memref<1x128xi32, #tpu.memory_space<vmem>> -> memref<128xi32, #tpu.memory_space<vmem>>
        %dma_wait3A_152 = arith.constant 0 : i32
        %dma_wait3A_153 = arith.constant 0 : i32
        %dma_wait3A_154 = tpu.memref_slice %arg16[%dma_wait3A_152, %dma_wait3A_153] : memref<5016x128xf32, #tpu.memory_space<vmem_shared>> -> memref<5016x128xf32, #tpu.memory_space<vmem_shared>>
        tpu.wait_indirect_dma semaphore(%run_scoped3A_142 : memref<!tpu.dma_semaphore, #tpu.memory_space<semaphore_mem>>) src(%arg14 : memref<128x128xf32, #tpu.memory_space<vmem>>) dst(%dma_wait3A_154 : memref<5016x128xf32, #tpu.memory_space<vmem_shared>>)
        tpu.yield
      }) : () -> ()
      %barrier3A_116 = arith.constant 0 : index
      tpu.barrier barrier_id(%barrier3A_116)
      %add3A_117 = arith.constant 3 : i32
      %add3A_118 = arith.addi %add3A_109, %add3A_117 : i32
      %lt3A_119 = arith.constant 156 : i32
      %lt3A_120 = arith.cmpi slt, %add3A_118, %lt3A_119 : i32
      %convert_element_type3A_121 = arith.extui %lt3A_120 : i1 to i32
      %cond3A_122 = arith.constant 0 : i32
      %cond3A_123 = arith.cmpi ne, %convert_element_type3A_121, %cond3A_122 : i32
      scf.if %cond3A_123 {
        %add3A_142 = arith.constant 3 : i32
        %add3A_143 = arith.addi %add3A_109, %add3A_142 : i32
        %dma_start3A_144 = arith.constant 0 : i32
        %dma_start3A_145 = tpu.memref_slice %arg11[%add3A_143, %dma_start3A_144] : memref<156x128xi32, #tpu.memory_space<vmem>> -> memref<1x128xi32, #tpu.memory_space<vmem>>
        %dma_start3A_146 = tpu.memref_squeeze %dma_start3A_145 : memref<1x128xi32, #tpu.memory_space<vmem>> -> memref<128xi32, #tpu.memory_space<vmem>>
        %dma_start3A_147 = arith.constant 0 : i32
        %dma_start3A_148 = arith.constant 0 : i32
        %dma_start3A_149 = tpu.memref_slice %arg2[%dma_start3A_147, %dma_start3A_148] : memref<10000x128xf32, #tpu.memory_space<hbm>> -> memref<10000x128xf32, #tpu.memory_space<hbm>>
        tpu.enqueue_indirect_dma source(%dma_start3A_149 : memref<10000x128xf32, #tpu.memory_space<hbm>>) target(%arg14 : memref<128x128xf32, #tpu.memory_space<vmem>>) offsets(%dma_start3A_146 : memref<128xi32, #tpu.memory_space<vmem>>) semaphore(%arg18 : memref<!tpu.dma_semaphore, #tpu.memory_space<semaphore_mem>>)
      } else {
      }
      %mul3A_124 = arith.constant 3 : i32
      %mul3A_125 = arith.muli %mul3A_124, %scan3A_90 : i32
      %add3A_126 = arith.constant 2 : i32
      %add3A_127 = arith.addi %mul3A_125, %add3A_126 : i32
      %dma_wait3A_128 = arith.constant 0 : i32
      %dma_wait3A_129 = tpu.memref_slice %arg11[%add3A_127, %dma_wait3A_128] : memref<156x128xi32, #tpu.memory_space<vmem>> -> memref<1x128xi32, #tpu.memory_space<vmem>>
      %dma_wait3A_130 = tpu.memref_squeeze %dma_wait3A_129 : memref<1x128xi32, #tpu.memory_space<vmem>> -> memref<128xi32, #tpu.memory_space<vmem>>
      %dma_wait3A_131 = arith.constant 0 : i32
      %dma_wait3A_132 = arith.constant 0 : i32
      %dma_wait3A_133 = tpu.memref_slice %arg2[%dma_wait3A_131, %dma_wait3A_132] : memref<10000x128xf32, #tpu.memory_space<hbm>> -> memref<10000x128xf32, #tpu.memory_space<hbm>>
      tpu.wait_indirect_dma semaphore(%arg19 : memref<!tpu.dma_semaphore, #tpu.memory_space<semaphore_mem>>) src(%dma_wait3A_133 : memref<10000x128xf32, #tpu.memory_space<hbm>>) dst(%arg15 : memref<128x128xf32, #tpu.memory_space<vmem>>)
      "tpu.region"() ({
        %run_scoped3A_142 = tpu.sem_alloc : memref<!tpu.dma_semaphore, #tpu.memory_space<semaphore_mem>>
        %dma_start3A_143 = arith.constant 0 : i32
        %dma_start3A_144 = tpu.memref_slice %arg12[%add3A_127, %dma_start3A_143] : memref<156x128xi32, #tpu.memory_space<vmem>> -> memref<1x128xi32, #tpu.memory_space<vmem>>
        %dma_start3A_145 = tpu.memref_squeeze %dma_start3A_144 : memref<1x128xi32, #tpu.memory_space<vmem>> -> memref<128xi32, #tpu.memory_space<vmem>>
        %dma_start3A_146 = arith.constant 0 : i32
        %dma_start3A_147 = arith.constant 0 : i32
        %dma_start3A_148 = tpu.memref_slice %arg16[%dma_start3A_146, %dma_start3A_147] : memref<5016x128xf32, #tpu.memory_space<vmem_shared>> -> memref<5016x128xf32, #tpu.memory_space<vmem_shared>>
        tpu.enqueue_indirect_dma source(%arg15 : memref<128x128xf32, #tpu.memory_space<vmem>>) target(%dma_start3A_148 : memref<5016x128xf32, #tpu.memory_space<vmem_shared>>) offsets(%dma_start3A_145 : memref<128xi32, #tpu.memory_space<vmem>>) semaphore(%run_scoped3A_142 : memref<!tpu.dma_semaphore, #tpu.memory_space<semaphore_mem>>) {add = true}
        %dma_wait3A_149 = arith.constant 0 : i32
        %dma_wait3A_150 = tpu.memref_slice %arg12[%add3A_127, %dma_wait3A_149] : memref<156x128xi32, #tpu.memory_space<vmem>> -> memref<1x128xi32, #tpu.memory_space<vmem>>
        %dma_wait3A_151 = tpu.memref_squeeze %dma_wait3A_150 : memref<1x128xi32, #tpu.memory_space<vmem>> -> memref<128xi32, #tpu.memory_space<vmem>>
        %dma_wait3A_152 = arith.constant 0 : i32
        %dma_wait3A_153 = arith.constant 0 : i32
        %dma_wait3A_154 = tpu.memref_slice %arg16[%dma_wait3A_152, %dma_wait3A_153] : memref<5016x128xf32, #tpu.memory_space<vmem_shared>> -> memref<5016x128xf32, #tpu.memory_space<vmem_shared>>
        tpu.wait_indirect_dma semaphore(%run_scoped3A_142 : memref<!tpu.dma_semaphore, #tpu.memory_space<semaphore_mem>>) src(%arg15 : memref<128x128xf32, #tpu.memory_space<vmem>>) dst(%dma_wait3A_154 : memref<5016x128xf32, #tpu.memory_space<vmem_shared>>)
        tpu.yield
      }) : () -> ()
      %barrier3A_134 = arith.constant 0 : index
      tpu.barrier barrier_id(%barrier3A_134)
      %add3A_135 = arith.constant 3 : i32
      %add3A_136 = arith.addi %add3A_127, %add3A_135 : i32
      %lt3A_137 = arith.constant 156 : i32
      %lt3A_138 = arith.cmpi slt, %add3A_136, %lt3A_137 : i32
      %convert_element_type3A_139 = arith.extui %lt3A_138 : i1 to i32
      %cond3A_140 = arith.constant 0 : i32
      %cond3A_141 = arith.cmpi ne, %convert_element_type3A_139, %cond3A_140 : i32
      scf.if %cond3A_141 {
        %add3A_142 = arith.constant 3 : i32
        %add3A_143 = arith.addi %add3A_127, %add3A_142 : i32
        %dma_start3A_144 = arith.constant 0 : i32
        %dma_start3A_145 = tpu.memref_slice %arg11[%add3A_143, %dma_start3A_144] : memref<156x128xi32, #tpu.memory_space<vmem>> -> memref<1x128xi32, #tpu.memory_space<vmem>>
        %dma_start3A_146 = tpu.memref_squeeze %dma_start3A_145 : memref<1x128xi32, #tpu.memory_space<vmem>> -> memref<128xi32, #tpu.memory_space<vmem>>
        %dma_start3A_147 = arith.constant 0 : i32
        %dma_start3A_148 = arith.constant 0 : i32
        %dma_start3A_149 = tpu.memref_slice %arg2[%dma_start3A_147, %dma_start3A_148] : memref<10000x128xf32, #tpu.memory_space<hbm>> -> memref<10000x128xf32, #tpu.memory_space<hbm>>
        tpu.enqueue_indirect_dma source(%dma_start3A_149 : memref<10000x128xf32, #tpu.memory_space<hbm>>) target(%arg15 : memref<128x128xf32, #tpu.memory_space<vmem>>) offsets(%dma_start3A_146 : memref<128xi32, #tpu.memory_space<vmem>>) semaphore(%arg19 : memref<!tpu.dma_semaphore, #tpu.memory_space<semaphore_mem>>)
      } else {
      }
    }
    %scan3A_46 = arith.constant 52 : i32
    %mul3A_47 = arith.constant 32 : i32
    %mul3A_48 = arith.muli %arg1, %mul3A_47 : i32
    %run_scoped3A = arith.constant 0 : i32
    "tpu.region"() ({
      %run_scoped3A_90 = tpu.sem_alloc : memref<!tpu.dma_semaphore, #tpu.memory_space<semaphore_mem>>
      %dma_start3A_91 = arith.constant 0 : i32
      %dma_start3A_92 = tpu.memref_slice %arg11[%run_scoped3A, %dma_start3A_91] : memref<156x128xi32, #tpu.memory_space<vmem>> -> memref<1x32xi32, #tpu.memory_space<vmem>>
      %dma_start3A_93 = tpu.memref_squeeze %dma_start3A_92 : memref<1x32xi32, #tpu.memory_space<vmem>> -> memref<32xi32, #tpu.memory_space<vmem>>
      %dma_start3A_94 = tpu.memref_slice %arg6[%mul3A_48] : memref<512xi32, #tpu.memory_space<hbm>> -> memref<32xi32, #tpu.memory_space<hbm>>
      %dma_start3A_95 = arith.constant 0 : i32
      %dma_start3A_96 = tpu.memref_slice %arg11[%run_scoped3A, %dma_start3A_95] : memref<156x128xi32, #tpu.memory_space<vmem>> -> memref<1x32xi32, #tpu.memory_space<vmem>>
      %dma_start3A_97 = tpu.memref_squeeze %dma_start3A_96 : memref<1x32xi32, #tpu.memory_space<vmem>> -> memref<32xi32, #tpu.memory_space<vmem>>
      %dma_start3A_98 = tpu.memref_slice %arg6[%mul3A_48] : memref<512xi32, #tpu.memory_space<hbm>> -> memref<32xi32, #tpu.memory_space<hbm>>
      tpu.enqueue_dma source(%dma_start3A_98 : memref<32xi32, #tpu.memory_space<hbm>>) target(%dma_start3A_97 : memref<32xi32, #tpu.memory_space<vmem>>) target_semaphore(%run_scoped3A_90 : memref<!tpu.dma_semaphore, #tpu.memory_space<semaphore_mem>>)
      %dma_wait3A_99 = arith.constant 0 : i32
      %dma_wait3A_100 = tpu.memref_slice %arg11[%run_scoped3A, %dma_wait3A_99] : memref<156x128xi32, #tpu.memory_space<vmem>> -> memref<1x32xi32, #tpu.memory_space<vmem>>
      %dma_wait3A_101 = tpu.memref_squeeze %dma_wait3A_100 : memref<1x32xi32, #tpu.memory_space<vmem>> -> memref<32xi32, #tpu.memory_space<vmem>>
      %dma_wait3A_102 = tpu.memref_slice %arg6[%mul3A_48] : memref<512xi32, #tpu.memory_space<hbm>> -> memref<32xi32, #tpu.memory_space<hbm>>
      %dma_wait3A_103 = arith.constant 0 : i32
      %dma_wait3A_104 = tpu.memref_slice %arg11[%run_scoped3A, %dma_wait3A_103] : memref<156x128xi32, #tpu.memory_space<vmem>> -> memref<1x32xi32, #tpu.memory_space<vmem>>
      %dma_wait3A_105 = tpu.memref_squeeze %dma_wait3A_104 : memref<1x32xi32, #tpu.memory_space<vmem>> -> memref<32xi32, #tpu.memory_space<vmem>>
      %dma_wait3A_106 = tpu.memref_slice %arg6[%mul3A_48] : memref<512xi32, #tpu.memory_space<hbm>> -> memref<32xi32, #tpu.memory_space<hbm>>
      tpu.wait_dma2 semaphore(%run_scoped3A_90 : memref<!tpu.dma_semaphore, #tpu.memory_space<semaphore_mem>>) src(%dma_wait3A_106 : memref<32xi32, #tpu.memory_space<hbm>>) dst(%dma_wait3A_105 : memref<32xi32, #tpu.memory_space<vmem>>)
      tpu.yield
    }) : () -> ()
    %eq3A_49 = arith.constant 0 : i32
    %eq3A_50 = arith.cmpi eq, %arg0, %eq3A_49 : i32
    %convert_element_type3A_51 = arith.extui %eq3A_50 : i1 to i32
    %cond3A_52 = arith.constant 0 : i32
    %cond3A_53 = arith.cmpi ne, %convert_element_type3A_51, %cond3A_52 : i32
    scf.if %cond3A_53 {
      %mul3A_90 = arith.constant 32 : i32
      %mul3A_91 = arith.muli %arg1, %mul3A_90 : i32
      %run_scoped3A_92 = arith.constant 0 : i32
      "tpu.region"() ({
        %run_scoped3A_93 = tpu.sem_alloc : memref<!tpu.dma_semaphore, #tpu.memory_space<semaphore_mem>>
        %dma_start3A_94 = arith.constant 0 : i32
        %dma_start3A_95 = tpu.memref_slice %arg12[%run_scoped3A_92, %dma_start3A_94] : memref<156x128xi32, #tpu.memory_space<vmem>> -> memref<1x32xi32, #tpu.memory_space<vmem>>
        %dma_start3A_96 = tpu.memref_squeeze %dma_start3A_95 : memref<1x32xi32, #tpu.memory_space<vmem>> -> memref<32xi32, #tpu.memory_space<vmem>>
        %dma_start3A_97 = tpu.memref_slice %arg7[%mul3A_91] : memref<512xi32, #tpu.memory_space<hbm>> -> memref<32xi32, #tpu.memory_space<hbm>>
        %dma_start3A_98 = arith.constant 0 : i32
        %dma_start3A_99 = tpu.memref_slice %arg12[%run_scoped3A_92, %dma_start3A_98] : memref<156x128xi32, #tpu.memory_space<vmem>> -> memref<1x32xi32, #tpu.memory_space<vmem>>
        %dma_start3A_100 = tpu.memref_squeeze %dma_start3A_99 : memref<1x32xi32, #tpu.memory_space<vmem>> -> memref<32xi32, #tpu.memory_space<vmem>>
        %dma_start3A_101 = tpu.memref_slice %arg7[%mul3A_91] : memref<512xi32, #tpu.memory_space<hbm>> -> memref<32xi32, #tpu.memory_space<hbm>>
        tpu.enqueue_dma source(%dma_start3A_101 : memref<32xi32, #tpu.memory_space<hbm>>) target(%dma_start3A_100 : memref<32xi32, #tpu.memory_space<vmem>>) target_semaphore(%run_scoped3A_93 : memref<!tpu.dma_semaphore, #tpu.memory_space<semaphore_mem>>)
        %dma_wait3A_102 = arith.constant 0 : i32
        %dma_wait3A_103 = tpu.memref_slice %arg12[%run_scoped3A_92, %dma_wait3A_102] : memref<156x128xi32, #tpu.memory_space<vmem>> -> memref<1x32xi32, #tpu.memory_space<vmem>>
        %dma_wait3A_104 = tpu.memref_squeeze %dma_wait3A_103 : memref<1x32xi32, #tpu.memory_space<vmem>> -> memref<32xi32, #tpu.memory_space<vmem>>
        %dma_wait3A_105 = tpu.memref_slice %arg7[%mul3A_91] : memref<512xi32, #tpu.memory_space<hbm>> -> memref<32xi32, #tpu.memory_space<hbm>>
        %dma_wait3A_106 = arith.constant 0 : i32
        %dma_wait3A_107 = tpu.memref_slice %arg12[%run_scoped3A_92, %dma_wait3A_106] : memref<156x128xi32, #tpu.memory_space<vmem>> -> memref<1x32xi32, #tpu.memory_space<vmem>>
        %dma_wait3A_108 = tpu.memref_squeeze %dma_wait3A_107 : memref<1x32xi32, #tpu.memory_space<vmem>> -> memref<32xi32, #tpu.memory_space<vmem>>
        %dma_wait3A_109 = tpu.memref_slice %arg7[%mul3A_91] : memref<512xi32, #tpu.memory_space<hbm>> -> memref<32xi32, #tpu.memory_space<hbm>>
        tpu.wait_dma2 semaphore(%run_scoped3A_93 : memref<!tpu.dma_semaphore, #tpu.memory_space<semaphore_mem>>) src(%dma_wait3A_109 : memref<32xi32, #tpu.memory_space<hbm>>) dst(%dma_wait3A_108 : memref<32xi32, #tpu.memory_space<vmem>>)
        tpu.yield
      }) : () -> ()
    } else {
    }
    %eq3A_54 = arith.constant 1 : i32
    %eq3A_55 = arith.cmpi eq, %arg0, %eq3A_54 : i32
    %convert_element_type3A_56 = arith.extui %eq3A_55 : i1 to i32
    %cond3A_57 = arith.constant 0 : i32
    %cond3A_58 = arith.cmpi ne, %convert_element_type3A_56, %cond3A_57 : i32
    scf.if %cond3A_58 {
      %mul3A_90 = arith.constant 32 : i32
      %mul3A_91 = arith.muli %arg1, %mul3A_90 : i32
      %run_scoped3A_92 = arith.constant 0 : i32
      "tpu.region"() ({
        %run_scoped3A_93 = tpu.sem_alloc : memref<!tpu.dma_semaphore, #tpu.memory_space<semaphore_mem>>
        %dma_start3A_94 = arith.constant 0 : i32
        %dma_start3A_95 = tpu.memref_slice %arg12[%run_scoped3A_92, %dma_start3A_94] : memref<156x128xi32, #tpu.memory_space<vmem>> -> memref<1x32xi32, #tpu.memory_space<vmem>>
        %dma_start3A_96 = tpu.memref_squeeze %dma_start3A_95 : memref<1x32xi32, #tpu.memory_space<vmem>> -> memref<32xi32, #tpu.memory_space<vmem>>
        %dma_start3A_97 = tpu.memref_slice %arg8[%mul3A_91] : memref<512xi32, #tpu.memory_space<hbm>> -> memref<32xi32, #tpu.memory_space<hbm>>
        %dma_start3A_98 = arith.constant 0 : i32
        %dma_start3A_99 = tpu.memref_slice %arg12[%run_scoped3A_92, %dma_start3A_98] : memref<156x128xi32, #tpu.memory_space<vmem>> -> memref<1x32xi32, #tpu.memory_space<vmem>>
        %dma_start3A_100 = tpu.memref_squeeze %dma_start3A_99 : memref<1x32xi32, #tpu.memory_space<vmem>> -> memref<32xi32, #tpu.memory_space<vmem>>
        %dma_start3A_101 = tpu.memref_slice %arg8[%mul3A_91] : memref<512xi32, #tpu.memory_space<hbm>> -> memref<32xi32, #tpu.memory_space<hbm>>
        tpu.enqueue_dma source(%dma_start3A_101 : memref<32xi32, #tpu.memory_space<hbm>>) target(%dma_start3A_100 : memref<32xi32, #tpu.memory_space<vmem>>) target_semaphore(%run_scoped3A_93 : memref<!tpu.dma_semaphore, #tpu.memory_space<semaphore_mem>>)
        %dma_wait3A_102 = arith.constant 0 : i32
        %dma_wait3A_103 = tpu.memref_slice %arg12[%run_scoped3A_92, %dma_wait3A_102] : memref<156x128xi32, #tpu.memory_space<vmem>> -> memref<1x32xi32, #tpu.memory_space<vmem>>
        %dma_wait3A_104 = tpu.memref_squeeze %dma_wait3A_103 : memref<1x32xi32, #tpu.memory_space<vmem>> -> memref<32xi32, #tpu.memory_space<vmem>>
        %dma_wait3A_105 = tpu.memref_slice %arg8[%mul3A_91] : memref<512xi32, #tpu.memory_space<hbm>> -> memref<32xi32, #tpu.memory_space<hbm>>
        %dma_wait3A_106 = arith.constant 0 : i32
        %dma_wait3A_107 = tpu.memref_slice %arg12[%run_scoped3A_92, %dma_wait3A_106] : memref<156x128xi32, #tpu.memory_space<vmem>> -> memref<1x32xi32, #tpu.memory_space<vmem>>
        %dma_wait3A_108 = tpu.memref_squeeze %dma_wait3A_107 : memref<1x32xi32, #tpu.memory_space<vmem>> -> memref<32xi32, #tpu.memory_space<vmem>>
        %dma_wait3A_109 = tpu.memref_slice %arg8[%mul3A_91] : memref<512xi32, #tpu.memory_space<hbm>> -> memref<32xi32, #tpu.memory_space<hbm>>
        tpu.wait_dma2 semaphore(%run_scoped3A_93 : memref<!tpu.dma_semaphore, #tpu.memory_space<semaphore_mem>>) src(%dma_wait3A_109 : memref<32xi32, #tpu.memory_space<hbm>>) dst(%dma_wait3A_108 : memref<32xi32, #tpu.memory_space<vmem>>)
        tpu.yield
      }) : () -> ()
    } else {
    }
    %dma_start3A_59 = arith.constant 0 : i32
    %dma_start3A_60 = arith.constant 0 : i32
    %dma_start3A_61 = arith.constant 0 : i32
    %dma_start3A_62 = tpu.memref_slice %arg13[%dma_start3A_60, %dma_start3A_61] : memref<128x128xf32, #tpu.memory_space<vmem>> -> memref<32x128xf32, #tpu.memory_space<vmem>>
    %dma_start3A_63 = arith.constant 0 : i32
    %dma_start3A_64 = tpu.memref_slice %arg11[%dma_start3A_59, %dma_start3A_63] : memref<156x128xi32, #tpu.memory_space<vmem>> -> memref<1x32xi32, #tpu.memory_space<vmem>>
    %dma_start3A_65 = tpu.memref_squeeze %dma_start3A_64 : memref<1x32xi32, #tpu.memory_space<vmem>> -> memref<32xi32, #tpu.memory_space<vmem>>
    %dma_start3A_66 = arith.constant 0 : i32
    %dma_start3A_67 = arith.constant 0 : i32
    %dma_start3A_68 = tpu.memref_slice %arg2[%dma_start3A_66, %dma_start3A_67] : memref<10000x128xf32, #tpu.memory_space<hbm>> -> memref<10000x128xf32, #tpu.memory_space<hbm>>
    tpu.enqueue_indirect_dma source(%dma_start3A_68 : memref<10000x128xf32, #tpu.memory_space<hbm>>) target(%dma_start3A_62 : memref<32x128xf32, #tpu.memory_space<vmem>>) offsets(%dma_start3A_65 : memref<32xi32, #tpu.memory_space<vmem>>) semaphore(%arg17 : memref<!tpu.dma_semaphore, #tpu.memory_space<semaphore_mem>>)
    %dma_wait3A = arith.constant 0 : i32
    %dma_wait3A_69 = arith.constant 0 : i32
    %dma_wait3A_70 = arith.constant 0 : i32
    %dma_wait3A_71 = tpu.memref_slice %arg13[%dma_wait3A_69, %dma_wait3A_70] : memref<128x128xf32, #tpu.memory_space<vmem>> -> memref<32x128xf32, #tpu.memory_space<vmem>>
    %dma_wait3A_72 = arith.constant 0 : i32
    %dma_wait3A_73 = tpu.memref_slice %arg11[%dma_wait3A, %dma_wait3A_72] : memref<156x128xi32, #tpu.memory_space<vmem>> -> memref<1x32xi32, #tpu.memory_space<vmem>>
    %dma_wait3A_74 = tpu.memref_squeeze %dma_wait3A_73 : memref<1x32xi32, #tpu.memory_space<vmem>> -> memref<32xi32, #tpu.memory_space<vmem>>
    %dma_wait3A_75 = arith.constant 0 : i32
    %dma_wait3A_76 = arith.constant 0 : i32
    %dma_wait3A_77 = tpu.memref_slice %arg2[%dma_wait3A_75, %dma_wait3A_76] : memref<10000x128xf32, #tpu.memory_space<hbm>> -> memref<10000x128xf32, #tpu.memory_space<hbm>>
    tpu.wait_indirect_dma semaphore(%arg17 : memref<!tpu.dma_semaphore, #tpu.memory_space<semaphore_mem>>) src(%dma_wait3A_77 : memref<10000x128xf32, #tpu.memory_space<hbm>>) dst(%dma_wait3A_71 : memref<32x128xf32, #tpu.memory_space<vmem>>)
    %run_scoped3A_78 = arith.constant 0 : i32
    "tpu.region"() ({
      %run_scoped3A_90 = tpu.sem_alloc : memref<!tpu.dma_semaphore, #tpu.memory_space<semaphore_mem>>
      %dma_start3A_91 = arith.constant 0 : i32
      %dma_start3A_92 = arith.constant 0 : i32
      %dma_start3A_93 = tpu.memref_slice %arg13[%dma_start3A_91, %dma_start3A_92] : memref<128x128xf32, #tpu.memory_space<vmem>> -> memref<32x128xf32, #tpu.memory_space<vmem>>
      %dma_start3A_94 = arith.constant 0 : i32
      %dma_start3A_95 = tpu.memref_slice %arg12[%run_scoped3A_78, %dma_start3A_94] : memref<156x128xi32, #tpu.memory_space<vmem>> -> memref<1x32xi32, #tpu.memory_space<vmem>>
      %dma_start3A_96 = tpu.memref_squeeze %dma_start3A_95 : memref<1x32xi32, #tpu.memory_space<vmem>> -> memref<32xi32, #tpu.memory_space<vmem>>
      %dma_start3A_97 = arith.constant 0 : i32
      %dma_start3A_98 = arith.constant 0 : i32
      %dma_start3A_99 = tpu.memref_slice %arg16[%dma_start3A_97, %dma_start3A_98] : memref<5016x128xf32, #tpu.memory_space<vmem_shared>> -> memref<5016x128xf32, #tpu.memory_space<vmem_shared>>
      tpu.enqueue_indirect_dma source(%dma_start3A_93 : memref<32x128xf32, #tpu.memory_space<vmem>>) target(%dma_start3A_99 : memref<5016x128xf32, #tpu.memory_space<vmem_shared>>) offsets(%dma_start3A_96 : memref<32xi32, #tpu.memory_space<vmem>>) semaphore(%run_scoped3A_90 : memref<!tpu.dma_semaphore, #tpu.memory_space<semaphore_mem>>) {add = true}
      %dma_wait3A_100 = arith.constant 0 : i32
      %dma_wait3A_101 = arith.constant 0 : i32
      %dma_wait3A_102 = tpu.memref_slice %arg13[%dma_wait3A_100, %dma_wait3A_101] : memref<128x128xf32, #tpu.memory_space<vmem>> -> memref<32x128xf32, #tpu.memory_space<vmem>>
      %dma_wait3A_103 = arith.constant 0 : i32
      %dma_wait3A_104 = tpu.memref_slice %arg12[%run_scoped3A_78, %dma_wait3A_103] : memref<156x128xi32, #tpu.memory_space<vmem>> -> memref<1x32xi32, #tpu.memory_space<vmem>>
      %dma_wait3A_105 = tpu.memref_squeeze %dma_wait3A_104 : memref<1x32xi32, #tpu.memory_space<vmem>> -> memref<32xi32, #tpu.memory_space<vmem>>
      %dma_wait3A_106 = arith.constant 0 : i32
      %dma_wait3A_107 = arith.constant 0 : i32
      %dma_wait3A_108 = tpu.memref_slice %arg16[%dma_wait3A_106, %dma_wait3A_107] : memref<5016x128xf32, #tpu.memory_space<vmem_shared>> -> memref<5016x128xf32, #tpu.memory_space<vmem_shared>>
      tpu.wait_indirect_dma semaphore(%run_scoped3A_90 : memref<!tpu.dma_semaphore, #tpu.memory_space<semaphore_mem>>) src(%dma_wait3A_102 : memref<32x128xf32, #tpu.memory_space<vmem>>) dst(%dma_wait3A_108 : memref<5016x128xf32, #tpu.memory_space<vmem_shared>>)
      tpu.yield
    }) : () -> ()
    %barrier3A_79 = arith.constant 0 : index
    tpu.barrier barrier_id(%barrier3A_79)
    %eq3A_80 = arith.constant 0 : i32
    %eq3A_81 = arith.cmpi eq, %arg1, %eq3A_80 : i32
    %convert_element_type3A_82 = arith.extui %eq3A_81 : i1 to i32
    %cond3A_83 = arith.constant 0 : i32
    %cond3A_84 = arith.cmpi ne, %convert_element_type3A_82, %cond3A_83 : i32
    scf.if %cond3A_84 {
      %multiple_of3A_90 = tpu.assume_multiple %mul3A_0, 8 : i32
      "tpu.region"() ({
        %run_scoped3A_91 = tpu.sem_alloc : memref<!tpu.dma_semaphore, #tpu.memory_space<semaphore_mem>>
        %dma_start3A_92 = arith.constant 0 : i32
        %dma_start3A_93 = tpu.memref_slice %arg10[%multiple_of3A_90, %dma_start3A_92] : memref<10000x128xf32, #tpu.memory_space<hbm>> -> memref<320x128xf32, #tpu.memory_space<hbm>>
        %dma_start3A_94 = arith.constant 0 : i32
        %dma_start3A_95 = arith.constant 0 : i32
        %dma_start3A_96 = tpu.memref_slice %arg16[%dma_start3A_94, %dma_start3A_95] : memref<5016x128xf32, #tpu.memory_space<vmem_shared>> -> memref<320x128xf32, #tpu.memory_space<vmem_shared>>
        tpu.enqueue_dma source(%dma_start3A_96 : memref<320x128xf32, #tpu.memory_space<vmem_shared>>) target(%dma_start3A_93 : memref<320x128xf32, #tpu.memory_space<hbm>>) target_semaphore(%run_scoped3A_91 : memref<!tpu.dma_semaphore, #tpu.memory_space<semaphore_mem>>)
        %dma_wait3A_97 = arith.constant 0 : i32
        %dma_wait3A_98 = tpu.memref_slice %arg10[%multiple_of3A_90, %dma_wait3A_97] : memref<10000x128xf32, #tpu.memory_space<hbm>> -> memref<320x128xf32, #tpu.memory_space<hbm>>
        %dma_wait3A_99 = arith.constant 0 : i32
        %dma_wait3A_100 = arith.constant 0 : i32
        %dma_wait3A_101 = tpu.memref_slice %arg16[%dma_wait3A_99, %dma_wait3A_100] : memref<5016x128xf32, #tpu.memory_space<vmem_shared>> -> memref<320x128xf32, #tpu.memory_space<vmem_shared>>
        tpu.wait_dma2 semaphore(%run_scoped3A_91 : memref<!tpu.dma_semaphore, #tpu.memory_space<semaphore_mem>>) src(%dma_wait3A_101 : memref<320x128xf32, #tpu.memory_space<vmem_shared>>) dst(%dma_wait3A_98 : memref<320x128xf32, #tpu.memory_space<hbm>>)
        tpu.yield
      }) : () -> ()
    } else {
    }
    %gt3A_85 = arith.constant 0 : i32
    %gt3A_86 = arith.cmpi sgt, %arg1, %gt3A_85 : i32
    %convert_element_type3A_87 = arith.extui %gt3A_86 : i1 to i32
    %cond3A_88 = arith.constant 0 : i32
    %cond3A_89 = arith.cmpi ne, %convert_element_type3A_87, %cond3A_88 : i32
    scf.if %cond3A_89 {
      %add3A_90 = arith.addi %mul3A_0, %multiple_of3A : i32
      %multiple_of3A_91 = tpu.assume_multiple %add3A_90, 8 : i32
      "tpu.region"() ({
        %run_scoped3A_92 = tpu.sem_alloc : memref<!tpu.dma_semaphore, #tpu.memory_space<semaphore_mem>>
        %dma_start3A_93 = arith.constant 0 : i32
        %dma_start3A_94 = tpu.memref_slice %arg10[%multiple_of3A_91, %dma_start3A_93] : memref<10000x128xf32, #tpu.memory_space<hbm>> -> memref<312x128xf32, #tpu.memory_space<hbm>>
        %dma_start3A_95 = arith.constant 0 : i32
        %dma_start3A_96 = tpu.memref_slice %arg16[%multiple_of3A, %dma_start3A_95] : memref<5016x128xf32, #tpu.memory_space<vmem_shared>> -> memref<312x128xf32, #tpu.memory_space<vmem_shared>>
        tpu.enqueue_dma source(%dma_start3A_96 : memref<312x128xf32, #tpu.memory_space<vmem_shared>>) target(%dma_start3A_94 : memref<312x128xf32, #tpu.memory_space<hbm>>) target_semaphore(%run_scoped3A_92 : memref<!tpu.dma_semaphore, #tpu.memory_space<semaphore_mem>>)
        %dma_wait3A_97 = arith.constant 0 : i32
        %dma_wait3A_98 = tpu.memref_slice %arg10[%multiple_of3A_91, %dma_wait3A_97] : memref<10000x128xf32, #tpu.memory_space<hbm>> -> memref<312x128xf32, #tpu.memory_space<hbm>>
        %dma_wait3A_99 = arith.constant 0 : i32
        %dma_wait3A_100 = tpu.memref_slice %arg16[%multiple_of3A, %dma_wait3A_99] : memref<5016x128xf32, #tpu.memory_space<vmem_shared>> -> memref<312x128xf32, #tpu.memory_space<vmem_shared>>
        tpu.wait_dma2 semaphore(%run_scoped3A_92 : memref<!tpu.dma_semaphore, #tpu.memory_space<semaphore_mem>>) src(%dma_wait3A_100 : memref<312x128xf32, #tpu.memory_space<vmem_shared>>) dst(%dma_wait3A_98 : memref<312x128xf32, #tpu.memory_space<hbm>>)
        tpu.yield
      }) : () -> ()
    } else {
    }
    return
  }
}

#map = affine_map<(d0, d1) -> (0, 0)>
#map1 = affine_map<(d0, d1) -> (0, 0, 0)>
#map2 = affine_map<(d0, d1) -> (0)>
module attributes {stable_mosaic.version = 14 : i64} {
  func.func @_sc_agg_body(%arg0: i32, %arg1: i32, %arg2: memref<10000x128xf32, #tpu.memory_space<hbm>>, %arg3: memref<16x156x128xi32, #tpu.memory_space<hbm>>, %arg4: memref<16x156x128xi32, #tpu.memory_space<hbm>>, %arg5: memref<16x156x128xi32, #tpu.memory_space<hbm>>, %arg6: memref<512xi32, #tpu.memory_space<hbm>>, %arg7: memref<512xi32, #tpu.memory_space<hbm>>, %arg8: memref<512xi32, #tpu.memory_space<hbm>>, %arg9: memref<320x128xf32, #tpu.memory_space<hbm>>, %arg10: memref<10000x128xf32, #tpu.memory_space<hbm>>, %arg11: memref<156x128xi32, #tpu.memory_space<vmem>>, %arg12: memref<156x128xi32, #tpu.memory_space<vmem>>, %arg13: memref<128x128xf32, #tpu.memory_space<vmem>>, %arg14: memref<128x128xf32, #tpu.memory_space<vmem>>, %arg15: memref<128x128xf32, #tpu.memory_space<vmem>>, %arg16: memref<5016x128xf32, #tpu.memory_space<vmem_shared>>, %arg17: memref<!tpu.dma_semaphore, #tpu.memory_space<semaphore_mem>>, %arg18: memref<!tpu.dma_semaphore, #tpu.memory_space<semaphore_mem>>, %arg19: memref<!tpu.dma_semaphore, #tpu.memory_space<semaphore_mem>>) attributes {dimension_semantics = [#tpu.dimension_semantics<core_parallel>, #tpu.dimension_semantics<subcore_parallel>], iteration_bounds = array<i64: 2, 16>, scalar_prefetch = 0 : i64, scratch_operands = 9 : i64, tpu.core_type = #tpu.core_type<sc_vector_subcore>, window_params = [{transform_indices = #map}, {transform_indices = #map1}, {transform_indices = #map1}, {transform_indices = #map1}, {transform_indices = #map2}, {transform_indices = #map2}, {transform_indices = #map2}, {transform_indices = #map}, {transform_indices = #map}]} {
    %mul3A = arith.constant 5000 : i32
    %mul3A_0 = arith.muli %arg0, %mul3A : i32
    %mul3A_1 = arith.constant 312 : i32
    %mul3A_2 = arith.muli %arg1, %mul3A_1 : i32
    %gt3A = arith.constant 0 : i32
    %gt3A_3 = arith.cmpi sgt, %arg1, %gt3A : i32
    %jit3A = arith.constant 8 : i32
    %jit3A_4 = arith.constant 0 : i32
    %select_n3A = arith.select %gt3A_3, %jit3A, %jit3A_4 : i32
    %add3A = arith.addi %mul3A_2, %select_n3A : i32
    %multiple_of3A = tpu.assume_multiple %add3A, 8 : i32
    %eq3A = arith.constant 0 : i32
    %eq3A_5 = arith.cmpi eq, %arg1, %eq3A : i32
    %convert_element_type3A = arith.extui %eq3A_5 : i1 to i32
    %cond3A = arith.constant 0 : i32
    %cond3A_6 = arith.cmpi ne, %convert_element_type3A, %cond3A : i32
    scf.if %cond3A_6 {
      "tpu.region"() ({
        %run_scoped3A_90 = tpu.sem_alloc : memref<!tpu.dma_semaphore, #tpu.memory_space<semaphore_mem>>
        %dma_start3A_91 = arith.constant 0 : i32
        %dma_start3A_92 = arith.constant 0 : i32
        %dma_start3A_93 = tpu.memref_slice %arg16[%dma_start3A_91, %dma_start3A_92] : memref<5016x128xf32, #tpu.memory_space<vmem_shared>> -> memref<320x128xf32, #tpu.memory_space<vmem_shared>>
        tpu.enqueue_dma source(%arg9 : memref<320x128xf32, #tpu.memory_space<hbm>>) target(%dma_start3A_93 : memref<320x128xf32, #tpu.memory_space<vmem_shared>>) target_semaphore(%run_scoped3A_90 : memref<!tpu.dma_semaphore, #tpu.memory_space<semaphore_mem>>)
        %dma_wait3A_94 = arith.constant 0 : i32
        %dma_wait3A_95 = arith.constant 0 : i32
        %dma_wait3A_96 = tpu.memref_slice %arg16[%dma_wait3A_94, %dma_wait3A_95] : memref<5016x128xf32, #tpu.memory_space<vmem_shared>> -> memref<320x128xf32, #tpu.memory_space<vmem_shared>>
        tpu.wait_dma2 semaphore(%run_scoped3A_90 : memref<!tpu.dma_semaphore, #tpu.memory_space<semaphore_mem>>) src(%arg9 : memref<320x128xf32, #tpu.memory_space<hbm>>) dst(%dma_wait3A_96 : memref<320x128xf32, #tpu.memory_space<vmem_shared>>)
        tpu.yield
      }) : () -> ()
    } else {
    }
    %gt3A_7 = arith.constant 0 : i32
    %gt3A_8 = arith.cmpi sgt, %arg1, %gt3A_7 : i32
    %convert_element_type3A_9 = arith.extui %gt3A_8 : i1 to i32
    %cond3A_10 = arith.constant 0 : i32
    %cond3A_11 = arith.cmpi ne, %convert_element_type3A_9, %cond3A_10 : i32
    scf.if %cond3A_11 {
      "tpu.region"() ({
        %run_scoped3A_90 = tpu.sem_alloc : memref<!tpu.dma_semaphore, #tpu.memory_space<semaphore_mem>>
        %dma_start3A_91 = arith.constant 0 : i32
        %dma_start3A_92 = tpu.memref_slice %arg16[%multiple_of3A, %dma_start3A_91] : memref<5016x128xf32, #tpu.memory_space<vmem_shared>> -> memref<312x128xf32, #tpu.memory_space<vmem_shared>>
        %dma_start3A_93 = arith.constant 0 : i32
        %dma_start3A_94 = arith.constant 0 : i32
        %dma_start3A_95 = tpu.memref_slice %arg9[%dma_start3A_93, %dma_start3A_94] : memref<320x128xf32, #tpu.memory_space<hbm>> -> memref<312x128xf32, #tpu.memory_space<hbm>>
        tpu.enqueue_dma source(%dma_start3A_95 : memref<312x128xf32, #tpu.memory_space<hbm>>) target(%dma_start3A_92 : memref<312x128xf32, #tpu.memory_space<vmem_shared>>) target_semaphore(%run_scoped3A_90 : memref<!tpu.dma_semaphore, #tpu.memory_space<semaphore_mem>>)
        %dma_wait3A_96 = arith.constant 0 : i32
        %dma_wait3A_97 = tpu.memref_slice %arg16[%multiple_of3A, %dma_wait3A_96] : memref<5016x128xf32, #tpu.memory_space<vmem_shared>> -> memref<312x128xf32, #tpu.memory_space<vmem_shared>>
        %dma_wait3A_98 = arith.constant 0 : i32
        %dma_wait3A_99 = arith.constant 0 : i32
        %dma_wait3A_100 = tpu.memref_slice %arg9[%dma_wait3A_98, %dma_wait3A_99] : memref<320x128xf32, #tpu.memory_space<hbm>> -> memref<312x128xf32, #tpu.memory_space<hbm>>
        tpu.wait_dma2 semaphore(%run_scoped3A_90 : memref<!tpu.dma_semaphore, #tpu.memory_space<semaphore_mem>>) src(%dma_wait3A_100 : memref<312x128xf32, #tpu.memory_space<hbm>>) dst(%dma_wait3A_97 : memref<312x128xf32, #tpu.memory_space<vmem_shared>>)
        tpu.yield
      }) : () -> ()
    } else {
    }
    "tpu.region"() ({
      %run_scoped3A_90 = tpu.sem_alloc : memref<!tpu.dma_semaphore, #tpu.memory_space<semaphore_mem>>
      %dma_start3A_91 = arith.constant 0 : i32
      %dma_start3A_92 = arith.constant 0 : i32
      %dma_start3A_93 = tpu.memref_slice %arg3[%arg1, %dma_start3A_91, %dma_start3A_92] : memref<16x156x128xi32, #tpu.memory_space<hbm>> -> memref<1x156x128xi32, #tpu.memory_space<hbm>>
      %dma_start3A_94 = tpu.memref_squeeze %dma_start3A_93 : memref<1x156x128xi32, #tpu.memory_space<hbm>> -> memref<156x128xi32, #tpu.memory_space<hbm>>
      %dma_start3A_95 = arith.constant 0 : i32
      %dma_start3A_96 = arith.constant 0 : i32
      %dma_start3A_97 = tpu.memref_slice %arg3[%arg1, %dma_start3A_95, %dma_start3A_96] : memref<16x156x128xi32, #tpu.memory_space<hbm>> -> memref<1x156x128xi32, #tpu.memory_space<hbm>>
      %dma_start3A_98 = tpu.memref_squeeze %dma_start3A_97 : memref<1x156x128xi32, #tpu.memory_space<hbm>> -> memref<156x128xi32, #tpu.memory_space<hbm>>
      tpu.enqueue_dma source(%dma_start3A_98 : memref<156x128xi32, #tpu.memory_space<hbm>>) target(%arg11 : memref<156x128xi32, #tpu.memory_space<vmem>>) target_semaphore(%run_scoped3A_90 : memref<!tpu.dma_semaphore, #tpu.memory_space<semaphore_mem>>)
      %dma_wait3A_99 = arith.constant 0 : i32
      %dma_wait3A_100 = arith.constant 0 : i32
      %dma_wait3A_101 = tpu.memref_slice %arg3[%arg1, %dma_wait3A_99, %dma_wait3A_100] : memref<16x156x128xi32, #tpu.memory_space<hbm>> -> memref<1x156x128xi32, #tpu.memory_space<hbm>>
      %dma_wait3A_102 = tpu.memref_squeeze %dma_wait3A_101 : memref<1x156x128xi32, #tpu.memory_space<hbm>> -> memref<156x128xi32, #tpu.memory_space<hbm>>
      %dma_wait3A_103 = arith.constant 0 : i32
      %dma_wait3A_104 = arith.constant 0 : i32
      %dma_wait3A_105 = tpu.memref_slice %arg3[%arg1, %dma_wait3A_103, %dma_wait3A_104] : memref<16x156x128xi32, #tpu.memory_space<hbm>> -> memref<1x156x128xi32, #tpu.memory_space<hbm>>
      %dma_wait3A_106 = tpu.memref_squeeze %dma_wait3A_105 : memref<1x156x128xi32, #tpu.memory_space<hbm>> -> memref<156x128xi32, #tpu.memory_space<hbm>>
      tpu.wait_dma2 semaphore(%run_scoped3A_90 : memref<!tpu.dma_semaphore, #tpu.memory_space<semaphore_mem>>) src(%dma_wait3A_106 : memref<156x128xi32, #tpu.memory_space<hbm>>) dst(%arg11 : memref<156x128xi32, #tpu.memory_space<vmem>>)
      tpu.yield
    }) : () -> ()
    %eq3A_12 = arith.constant 0 : i32
    %eq3A_13 = arith.cmpi eq, %arg0, %eq3A_12 : i32
    %convert_element_type3A_14 = arith.extui %eq3A_13 : i1 to i32
    %cond3A_15 = arith.constant 0 : i32
    %cond3A_16 = arith.cmpi ne, %convert_element_type3A_14, %cond3A_15 : i32
    scf.if %cond3A_16 {
      "tpu.region"() ({
        %run_scoped3A_90 = tpu.sem_alloc : memref<!tpu.dma_semaphore, #tpu.memory_space<semaphore_mem>>
        %dma_start3A_91 = arith.constant 0 : i32
        %dma_start3A_92 = arith.constant 0 : i32
        %dma_start3A_93 = tpu.memref_slice %arg4[%arg1, %dma_start3A_91, %dma_start3A_92] : memref<16x156x128xi32, #tpu.memory_space<hbm>> -> memref<1x156x128xi32, #tpu.memory_space<hbm>>
        %dma_start3A_94 = tpu.memref_squeeze %dma_start3A_93 : memref<1x156x128xi32, #tpu.memory_space<hbm>> -> memref<156x128xi32, #tpu.memory_space<hbm>>
        %dma_start3A_95 = arith.constant 0 : i32
        %dma_start3A_96 = arith.constant 0 : i32
        %dma_start3A_97 = tpu.memref_slice %arg4[%arg1, %dma_start3A_95, %dma_start3A_96] : memref<16x156x128xi32, #tpu.memory_space<hbm>> -> memref<1x156x128xi32, #tpu.memory_space<hbm>>
        %dma_start3A_98 = tpu.memref_squeeze %dma_start3A_97 : memref<1x156x128xi32, #tpu.memory_space<hbm>> -> memref<156x128xi32, #tpu.memory_space<hbm>>
        tpu.enqueue_dma source(%dma_start3A_98 : memref<156x128xi32, #tpu.memory_space<hbm>>) target(%arg12 : memref<156x128xi32, #tpu.memory_space<vmem>>) target_semaphore(%run_scoped3A_90 : memref<!tpu.dma_semaphore, #tpu.memory_space<semaphore_mem>>)
        %dma_wait3A_99 = arith.constant 0 : i32
        %dma_wait3A_100 = arith.constant 0 : i32
        %dma_wait3A_101 = tpu.memref_slice %arg4[%arg1, %dma_wait3A_99, %dma_wait3A_100] : memref<16x156x128xi32, #tpu.memory_space<hbm>> -> memref<1x156x128xi32, #tpu.memory_space<hbm>>
        %dma_wait3A_102 = tpu.memref_squeeze %dma_wait3A_101 : memref<1x156x128xi32, #tpu.memory_space<hbm>> -> memref<156x128xi32, #tpu.memory_space<hbm>>
        %dma_wait3A_103 = arith.constant 0 : i32
        %dma_wait3A_104 = arith.constant 0 : i32
        %dma_wait3A_105 = tpu.memref_slice %arg4[%arg1, %dma_wait3A_103, %dma_wait3A_104] : memref<16x156x128xi32, #tpu.memory_space<hbm>> -> memref<1x156x128xi32, #tpu.memory_space<hbm>>
        %dma_wait3A_106 = tpu.memref_squeeze %dma_wait3A_105 : memref<1x156x128xi32, #tpu.memory_space<hbm>> -> memref<156x128xi32, #tpu.memory_space<hbm>>
        tpu.wait_dma2 semaphore(%run_scoped3A_90 : memref<!tpu.dma_semaphore, #tpu.memory_space<semaphore_mem>>) src(%dma_wait3A_106 : memref<156x128xi32, #tpu.memory_space<hbm>>) dst(%arg12 : memref<156x128xi32, #tpu.memory_space<vmem>>)
        tpu.yield
      }) : () -> ()
    } else {
    }
    %eq3A_17 = arith.constant 1 : i32
    %eq3A_18 = arith.cmpi eq, %arg0, %eq3A_17 : i32
    %convert_element_type3A_19 = arith.extui %eq3A_18 : i1 to i32
    %cond3A_20 = arith.constant 0 : i32
    %cond3A_21 = arith.cmpi ne, %convert_element_type3A_19, %cond3A_20 : i32
    scf.if %cond3A_21 {
      "tpu.region"() ({
        %run_scoped3A_90 = tpu.sem_alloc : memref<!tpu.dma_semaphore, #tpu.memory_space<semaphore_mem>>
        %dma_start3A_91 = arith.constant 0 : i32
        %dma_start3A_92 = arith.constant 0 : i32
        %dma_start3A_93 = tpu.memref_slice %arg5[%arg1, %dma_start3A_91, %dma_start3A_92] : memref<16x156x128xi32, #tpu.memory_space<hbm>> -> memref<1x156x128xi32, #tpu.memory_space<hbm>>
        %dma_start3A_94 = tpu.memref_squeeze %dma_start3A_93 : memref<1x156x128xi32, #tpu.memory_space<hbm>> -> memref<156x128xi32, #tpu.memory_space<hbm>>
        %dma_start3A_95 = arith.constant 0 : i32
        %dma_start3A_96 = arith.constant 0 : i32
        %dma_start3A_97 = tpu.memref_slice %arg5[%arg1, %dma_start3A_95, %dma_start3A_96] : memref<16x156x128xi32, #tpu.memory_space<hbm>> -> memref<1x156x128xi32, #tpu.memory_space<hbm>>
        %dma_start3A_98 = tpu.memref_squeeze %dma_start3A_97 : memref<1x156x128xi32, #tpu.memory_space<hbm>> -> memref<156x128xi32, #tpu.memory_space<hbm>>
        tpu.enqueue_dma source(%dma_start3A_98 : memref<156x128xi32, #tpu.memory_space<hbm>>) target(%arg12 : memref<156x128xi32, #tpu.memory_space<vmem>>) target_semaphore(%run_scoped3A_90 : memref<!tpu.dma_semaphore, #tpu.memory_space<semaphore_mem>>)
        %dma_wait3A_99 = arith.constant 0 : i32
        %dma_wait3A_100 = arith.constant 0 : i32
        %dma_wait3A_101 = tpu.memref_slice %arg5[%arg1, %dma_wait3A_99, %dma_wait3A_100] : memref<16x156x128xi32, #tpu.memory_space<hbm>> -> memref<1x156x128xi32, #tpu.memory_space<hbm>>
        %dma_wait3A_102 = tpu.memref_squeeze %dma_wait3A_101 : memref<1x156x128xi32, #tpu.memory_space<hbm>> -> memref<156x128xi32, #tpu.memory_space<hbm>>
        %dma_wait3A_103 = arith.constant 0 : i32
        %dma_wait3A_104 = arith.constant 0 : i32
        %dma_wait3A_105 = tpu.memref_slice %arg5[%arg1, %dma_wait3A_103, %dma_wait3A_104] : memref<16x156x128xi32, #tpu.memory_space<hbm>> -> memref<1x156x128xi32, #tpu.memory_space<hbm>>
        %dma_wait3A_106 = tpu.memref_squeeze %dma_wait3A_105 : memref<1x156x128xi32, #tpu.memory_space<hbm>> -> memref<156x128xi32, #tpu.memory_space<hbm>>
        tpu.wait_dma2 semaphore(%run_scoped3A_90 : memref<!tpu.dma_semaphore, #tpu.memory_space<semaphore_mem>>) src(%dma_wait3A_106 : memref<156x128xi32, #tpu.memory_space<hbm>>) dst(%arg12 : memref<156x128xi32, #tpu.memory_space<vmem>>)
        tpu.yield
      }) : () -> ()
    } else {
    }
    %barrier3A = arith.constant 0 : index
    tpu.barrier barrier_id(%barrier3A)
    %dma_start3A = arith.constant 0 : i32
    %dma_start3A_22 = arith.constant 0 : i32
    %dma_start3A_23 = tpu.memref_slice %arg11[%dma_start3A, %dma_start3A_22] : memref<156x128xi32, #tpu.memory_space<vmem>> -> memref<1x128xi32, #tpu.memory_space<vmem>>
    %dma_start3A_24 = tpu.memref_squeeze %dma_start3A_23 : memref<1x128xi32, #tpu.memory_space<vmem>> -> memref<128xi32, #tpu.memory_space<vmem>>
    %dma_start3A_25 = arith.constant 0 : i32
    %dma_start3A_26 = arith.constant 0 : i32
    %dma_start3A_27 = tpu.memref_slice %arg2[%dma_start3A_25, %dma_start3A_26] : memref<10000x128xf32, #tpu.memory_space<hbm>> -> memref<10000x128xf32, #tpu.memory_space<hbm>>
    tpu.enqueue_indirect_dma source(%dma_start3A_27 : memref<10000x128xf32, #tpu.memory_space<hbm>>) target(%arg13 : memref<128x128xf32, #tpu.memory_space<vmem>>) offsets(%dma_start3A_24 : memref<128xi32, #tpu.memory_space<vmem>>) semaphore(%arg17 : memref<!tpu.dma_semaphore, #tpu.memory_space<semaphore_mem>>)
    %dma_start3A_28 = arith.constant 1 : i32
    %dma_start3A_29 = arith.constant 0 : i32
    %dma_start3A_30 = tpu.memref_slice %arg11[%dma_start3A_28, %dma_start3A_29] : memref<156x128xi32, #tpu.memory_space<vmem>> -> memref<1x128xi32, #tpu.memory_space<vmem>>
    %dma_start3A_31 = tpu.memref_squeeze %dma_start3A_30 : memref<1x128xi32, #tpu.memory_space<vmem>> -> memref<128xi32, #tpu.memory_space<vmem>>
    %dma_start3A_32 = arith.constant 0 : i32
    %dma_start3A_33 = arith.constant 0 : i32
    %dma_start3A_34 = tpu.memref_slice %arg2[%dma_start3A_32, %dma_start3A_33] : memref<10000x128xf32, #tpu.memory_space<hbm>> -> memref<10000x128xf32, #tpu.memory_space<hbm>>
    tpu.enqueue_indirect_dma source(%dma_start3A_34 : memref<10000x128xf32, #tpu.memory_space<hbm>>) target(%arg14 : memref<128x128xf32, #tpu.memory_space<vmem>>) offsets(%dma_start3A_31 : memref<128xi32, #tpu.memory_space<vmem>>) semaphore(%arg18 : memref<!tpu.dma_semaphore, #tpu.memory_space<semaphore_mem>>)
    %dma_start3A_35 = arith.constant 2 : i32
    %dma_start3A_36 = arith.constant 0 : i32
    %dma_start3A_37 = tpu.memref_slice %arg11[%dma_start3A_35, %dma_start3A_36] : memref<156x128xi32, #tpu.memory_space<vmem>> -> memref<1x128xi32, #tpu.memory_space<vmem>>
    %dma_start3A_38 = tpu.memref_squeeze %dma_start3A_37 : memref<1x128xi32, #tpu.memory_space<vmem>> -> memref<128xi32, #tpu.memory_space<vmem>>
    %dma_start3A_39 = arith.constant 0 : i32
    %dma_start3A_40 = arith.constant 0 : i32
    %dma_start3A_41 = tpu.memref_slice %arg2[%dma_start3A_39, %dma_start3A_40] : memref<10000x128xf32, #tpu.memory_space<hbm>> -> memref<10000x128xf32, #tpu.memory_space<hbm>>
    tpu.enqueue_indirect_dma source(%dma_start3A_41 : memref<10000x128xf32, #tpu.memory_space<hbm>>) target(%arg15 : memref<128x128xf32, #tpu.memory_space<vmem>>) offsets(%dma_start3A_38 : memref<128xi32, #tpu.memory_space<vmem>>) semaphore(%arg19 : memref<!tpu.dma_semaphore, #tpu.memory_space<semaphore_mem>>)
    %scan3A = arith.constant 0 : i32
    %scan3A_42 = arith.constant 0 : i32
    %scan3A_43 = arith.constant 52 : i32
    %scan3A_44 = arith.addi %scan3A_42, %scan3A_43 : i32
    %scan3A_45 = arith.constant 1 : i32
    scf.for %scan3A_90 = %scan3A_42 to %scan3A_44 step %scan3A_45  : i32 {
      %mul3A_91 = arith.constant 3 : i32
      %mul3A_92 = arith.muli %mul3A_91, %scan3A_90 : i32
      %dma_wait3A_93 = arith.constant 0 : i32
      %dma_wait3A_94 = tpu.memref_slice %arg11[%mul3A_92, %dma_wait3A_93] : memref<156x128xi32, #tpu.memory_space<vmem>> -> memref<1x128xi32, #tpu.memory_space<vmem>>
      %dma_wait3A_95 = tpu.memref_squeeze %dma_wait3A_94 : memref<1x128xi32, #tpu.memory_space<vmem>> -> memref<128xi32, #tpu.memory_space<vmem>>
      %dma_wait3A_96 = arith.constant 0 : i32
      %dma_wait3A_97 = arith.constant 0 : i32
      %dma_wait3A_98 = tpu.memref_slice %arg2[%dma_wait3A_96, %dma_wait3A_97] : memref<10000x128xf32, #tpu.memory_space<hbm>> -> memref<10000x128xf32, #tpu.memory_space<hbm>>
      tpu.wait_indirect_dma semaphore(%arg17 : memref<!tpu.dma_semaphore, #tpu.memory_space<semaphore_mem>>) src(%dma_wait3A_98 : memref<10000x128xf32, #tpu.memory_space<hbm>>) dst(%arg13 : memref<128x128xf32, #tpu.memory_space<vmem>>)
      "tpu.region"() ({
        %run_scoped3A_142 = tpu.sem_alloc : memref<!tpu.dma_semaphore, #tpu.memory_space<semaphore_mem>>
        %dma_start3A_143 = arith.constant 0 : i32
        %dma_start3A_144 = tpu.memref_slice %arg12[%mul3A_92, %dma_start3A_143] : memref<156x128xi32, #tpu.memory_space<vmem>> -> memref<1x128xi32, #tpu.memory_space<vmem>>
        %dma_start3A_145 = tpu.memref_squeeze %dma_start3A_144 : memref<1x128xi32, #tpu.memory_space<vmem>> -> memref<128xi32, #tpu.memory_space<vmem>>
        %dma_start3A_146 = arith.constant 0 : i32
        %dma_start3A_147 = arith.constant 0 : i32
        %dma_start3A_148 = tpu.memref_slice %arg16[%dma_start3A_146, %dma_start3A_147] : memref<5016x128xf32, #tpu.memory_space<vmem_shared>> -> memref<5016x128xf32, #tpu.memory_space<vmem_shared>>
        tpu.enqueue_indirect_dma source(%arg13 : memref<128x128xf32, #tpu.memory_space<vmem>>) target(%dma_start3A_148 : memref<5016x128xf32, #tpu.memory_space<vmem_shared>>) offsets(%dma_start3A_145 : memref<128xi32, #tpu.memory_space<vmem>>) semaphore(%run_scoped3A_142 : memref<!tpu.dma_semaphore, #tpu.memory_space<semaphore_mem>>) {add = true}
        %dma_wait3A_149 = arith.constant 0 : i32
        %dma_wait3A_150 = tpu.memref_slice %arg12[%mul3A_92, %dma_wait3A_149] : memref<156x128xi32, #tpu.memory_space<vmem>> -> memref<1x128xi32, #tpu.memory_space<vmem>>
        %dma_wait3A_151 = tpu.memref_squeeze %dma_wait3A_150 : memref<1x128xi32, #tpu.memory_space<vmem>> -> memref<128xi32, #tpu.memory_space<vmem>>
        %dma_wait3A_152 = arith.constant 0 : i32
        %dma_wait3A_153 = arith.constant 0 : i32
        %dma_wait3A_154 = tpu.memref_slice %arg16[%dma_wait3A_152, %dma_wait3A_153] : memref<5016x128xf32, #tpu.memory_space<vmem_shared>> -> memref<5016x128xf32, #tpu.memory_space<vmem_shared>>
        tpu.wait_indirect_dma semaphore(%run_scoped3A_142 : memref<!tpu.dma_semaphore, #tpu.memory_space<semaphore_mem>>) src(%arg13 : memref<128x128xf32, #tpu.memory_space<vmem>>) dst(%dma_wait3A_154 : memref<5016x128xf32, #tpu.memory_space<vmem_shared>>)
        tpu.yield
      }) : () -> ()
      %barrier3A_99 = arith.constant 0 : index
      tpu.barrier barrier_id(%barrier3A_99)
      %add3A_100 = arith.constant 3 : i32
      %add3A_101 = arith.addi %mul3A_92, %add3A_100 : i32
      %lt3A = arith.constant 156 : i32
      %lt3A_102 = arith.cmpi slt, %add3A_101, %lt3A : i32
      %convert_element_type3A_103 = arith.extui %lt3A_102 : i1 to i32
      %cond3A_104 = arith.constant 0 : i32
      %cond3A_105 = arith.cmpi ne, %convert_element_type3A_103, %cond3A_104 : i32
      scf.if %cond3A_105 {
        %add3A_142 = arith.constant 3 : i32
        %add3A_143 = arith.addi %mul3A_92, %add3A_142 : i32
        %dma_start3A_144 = arith.constant 0 : i32
        %dma_start3A_145 = tpu.memref_slice %arg11[%add3A_143, %dma_start3A_144] : memref<156x128xi32, #tpu.memory_space<vmem>> -> memref<1x128xi32, #tpu.memory_space<vmem>>
        %dma_start3A_146 = tpu.memref_squeeze %dma_start3A_145 : memref<1x128xi32, #tpu.memory_space<vmem>> -> memref<128xi32, #tpu.memory_space<vmem>>
        %dma_start3A_147 = arith.constant 0 : i32
        %dma_start3A_148 = arith.constant 0 : i32
        %dma_start3A_149 = tpu.memref_slice %arg2[%dma_start3A_147, %dma_start3A_148] : memref<10000x128xf32, #tpu.memory_space<hbm>> -> memref<10000x128xf32, #tpu.memory_space<hbm>>
        tpu.enqueue_indirect_dma source(%dma_start3A_149 : memref<10000x128xf32, #tpu.memory_space<hbm>>) target(%arg13 : memref<128x128xf32, #tpu.memory_space<vmem>>) offsets(%dma_start3A_146 : memref<128xi32, #tpu.memory_space<vmem>>) semaphore(%arg17 : memref<!tpu.dma_semaphore, #tpu.memory_space<semaphore_mem>>)
      } else {
      }
      %mul3A_106 = arith.constant 3 : i32
      %mul3A_107 = arith.muli %mul3A_106, %scan3A_90 : i32
      %add3A_108 = arith.constant 1 : i32
      %add3A_109 = arith.addi %mul3A_107, %add3A_108 : i32
      %dma_wait3A_110 = arith.constant 0 : i32
      %dma_wait3A_111 = tpu.memref_slice %arg11[%add3A_109, %dma_wait3A_110] : memref<156x128xi32, #tpu.memory_space<vmem>> -> memref<1x128xi32, #tpu.memory_space<vmem>>
      %dma_wait3A_112 = tpu.memref_squeeze %dma_wait3A_111 : memref<1x128xi32, #tpu.memory_space<vmem>> -> memref<128xi32, #tpu.memory_space<vmem>>
      %dma_wait3A_113 = arith.constant 0 : i32
      %dma_wait3A_114 = arith.constant 0 : i32
      %dma_wait3A_115 = tpu.memref_slice %arg2[%dma_wait3A_113, %dma_wait3A_114] : memref<10000x128xf32, #tpu.memory_space<hbm>> -> memref<10000x128xf32, #tpu.memory_space<hbm>>
      tpu.wait_indirect_dma semaphore(%arg18 : memref<!tpu.dma_semaphore, #tpu.memory_space<semaphore_mem>>) src(%dma_wait3A_115 : memref<10000x128xf32, #tpu.memory_space<hbm>>) dst(%arg14 : memref<128x128xf32, #tpu.memory_space<vmem>>)
      "tpu.region"() ({
        %run_scoped3A_142 = tpu.sem_alloc : memref<!tpu.dma_semaphore, #tpu.memory_space<semaphore_mem>>
        %dma_start3A_143 = arith.constant 0 : i32
        %dma_start3A_144 = tpu.memref_slice %arg12[%add3A_109, %dma_start3A_143] : memref<156x128xi32, #tpu.memory_space<vmem>> -> memref<1x128xi32, #tpu.memory_space<vmem>>
        %dma_start3A_145 = tpu.memref_squeeze %dma_start3A_144 : memref<1x128xi32, #tpu.memory_space<vmem>> -> memref<128xi32, #tpu.memory_space<vmem>>
        %dma_start3A_146 = arith.constant 0 : i32
        %dma_start3A_147 = arith.constant 0 : i32
        %dma_start3A_148 = tpu.memref_slice %arg16[%dma_start3A_146, %dma_start3A_147] : memref<5016x128xf32, #tpu.memory_space<vmem_shared>> -> memref<5016x128xf32, #tpu.memory_space<vmem_shared>>
        tpu.enqueue_indirect_dma source(%arg14 : memref<128x128xf32, #tpu.memory_space<vmem>>) target(%dma_start3A_148 : memref<5016x128xf32, #tpu.memory_space<vmem_shared>>) offsets(%dma_start3A_145 : memref<128xi32, #tpu.memory_space<vmem>>) semaphore(%run_scoped3A_142 : memref<!tpu.dma_semaphore, #tpu.memory_space<semaphore_mem>>) {add = true}
        %dma_wait3A_149 = arith.constant 0 : i32
        %dma_wait3A_150 = tpu.memref_slice %arg12[%add3A_109, %dma_wait3A_149] : memref<156x128xi32, #tpu.memory_space<vmem>> -> memref<1x128xi32, #tpu.memory_space<vmem>>
        %dma_wait3A_151 = tpu.memref_squeeze %dma_wait3A_150 : memref<1x128xi32, #tpu.memory_space<vmem>> -> memref<128xi32, #tpu.memory_space<vmem>>
        %dma_wait3A_152 = arith.constant 0 : i32
        %dma_wait3A_153 = arith.constant 0 : i32
        %dma_wait3A_154 = tpu.memref_slice %arg16[%dma_wait3A_152, %dma_wait3A_153] : memref<5016x128xf32, #tpu.memory_space<vmem_shared>> -> memref<5016x128xf32, #tpu.memory_space<vmem_shared>>
        tpu.wait_indirect_dma semaphore(%run_scoped3A_142 : memref<!tpu.dma_semaphore, #tpu.memory_space<semaphore_mem>>) src(%arg14 : memref<128x128xf32, #tpu.memory_space<vmem>>) dst(%dma_wait3A_154 : memref<5016x128xf32, #tpu.memory_space<vmem_shared>>)
        tpu.yield
      }) : () -> ()
      %barrier3A_116 = arith.constant 0 : index
      tpu.barrier barrier_id(%barrier3A_116)
      %add3A_117 = arith.constant 3 : i32
      %add3A_118 = arith.addi %add3A_109, %add3A_117 : i32
      %lt3A_119 = arith.constant 156 : i32
      %lt3A_120 = arith.cmpi slt, %add3A_118, %lt3A_119 : i32
      %convert_element_type3A_121 = arith.extui %lt3A_120 : i1 to i32
      %cond3A_122 = arith.constant 0 : i32
      %cond3A_123 = arith.cmpi ne, %convert_element_type3A_121, %cond3A_122 : i32
      scf.if %cond3A_123 {
        %add3A_142 = arith.constant 3 : i32
        %add3A_143 = arith.addi %add3A_109, %add3A_142 : i32
        %dma_start3A_144 = arith.constant 0 : i32
        %dma_start3A_145 = tpu.memref_slice %arg11[%add3A_143, %dma_start3A_144] : memref<156x128xi32, #tpu.memory_space<vmem>> -> memref<1x128xi32, #tpu.memory_space<vmem>>
        %dma_start3A_146 = tpu.memref_squeeze %dma_start3A_145 : memref<1x128xi32, #tpu.memory_space<vmem>> -> memref<128xi32, #tpu.memory_space<vmem>>
        %dma_start3A_147 = arith.constant 0 : i32
        %dma_start3A_148 = arith.constant 0 : i32
        %dma_start3A_149 = tpu.memref_slice %arg2[%dma_start3A_147, %dma_start3A_148] : memref<10000x128xf32, #tpu.memory_space<hbm>> -> memref<10000x128xf32, #tpu.memory_space<hbm>>
        tpu.enqueue_indirect_dma source(%dma_start3A_149 : memref<10000x128xf32, #tpu.memory_space<hbm>>) target(%arg14 : memref<128x128xf32, #tpu.memory_space<vmem>>) offsets(%dma_start3A_146 : memref<128xi32, #tpu.memory_space<vmem>>) semaphore(%arg18 : memref<!tpu.dma_semaphore, #tpu.memory_space<semaphore_mem>>)
      } else {
      }
      %mul3A_124 = arith.constant 3 : i32
      %mul3A_125 = arith.muli %mul3A_124, %scan3A_90 : i32
      %add3A_126 = arith.constant 2 : i32
      %add3A_127 = arith.addi %mul3A_125, %add3A_126 : i32
      %dma_wait3A_128 = arith.constant 0 : i32
      %dma_wait3A_129 = tpu.memref_slice %arg11[%add3A_127, %dma_wait3A_128] : memref<156x128xi32, #tpu.memory_space<vmem>> -> memref<1x128xi32, #tpu.memory_space<vmem>>
      %dma_wait3A_130 = tpu.memref_squeeze %dma_wait3A_129 : memref<1x128xi32, #tpu.memory_space<vmem>> -> memref<128xi32, #tpu.memory_space<vmem>>
      %dma_wait3A_131 = arith.constant 0 : i32
      %dma_wait3A_132 = arith.constant 0 : i32
      %dma_wait3A_133 = tpu.memref_slice %arg2[%dma_wait3A_131, %dma_wait3A_132] : memref<10000x128xf32, #tpu.memory_space<hbm>> -> memref<10000x128xf32, #tpu.memory_space<hbm>>
      tpu.wait_indirect_dma semaphore(%arg19 : memref<!tpu.dma_semaphore, #tpu.memory_space<semaphore_mem>>) src(%dma_wait3A_133 : memref<10000x128xf32, #tpu.memory_space<hbm>>) dst(%arg15 : memref<128x128xf32, #tpu.memory_space<vmem>>)
      "tpu.region"() ({
        %run_scoped3A_142 = tpu.sem_alloc : memref<!tpu.dma_semaphore, #tpu.memory_space<semaphore_mem>>
        %dma_start3A_143 = arith.constant 0 : i32
        %dma_start3A_144 = tpu.memref_slice %arg12[%add3A_127, %dma_start3A_143] : memref<156x128xi32, #tpu.memory_space<vmem>> -> memref<1x128xi32, #tpu.memory_space<vmem>>
        %dma_start3A_145 = tpu.memref_squeeze %dma_start3A_144 : memref<1x128xi32, #tpu.memory_space<vmem>> -> memref<128xi32, #tpu.memory_space<vmem>>
        %dma_start3A_146 = arith.constant 0 : i32
        %dma_start3A_147 = arith.constant 0 : i32
        %dma_start3A_148 = tpu.memref_slice %arg16[%dma_start3A_146, %dma_start3A_147] : memref<5016x128xf32, #tpu.memory_space<vmem_shared>> -> memref<5016x128xf32, #tpu.memory_space<vmem_shared>>
        tpu.enqueue_indirect_dma source(%arg15 : memref<128x128xf32, #tpu.memory_space<vmem>>) target(%dma_start3A_148 : memref<5016x128xf32, #tpu.memory_space<vmem_shared>>) offsets(%dma_start3A_145 : memref<128xi32, #tpu.memory_space<vmem>>) semaphore(%run_scoped3A_142 : memref<!tpu.dma_semaphore, #tpu.memory_space<semaphore_mem>>) {add = true}
        %dma_wait3A_149 = arith.constant 0 : i32
        %dma_wait3A_150 = tpu.memref_slice %arg12[%add3A_127, %dma_wait3A_149] : memref<156x128xi32, #tpu.memory_space<vmem>> -> memref<1x128xi32, #tpu.memory_space<vmem>>
        %dma_wait3A_151 = tpu.memref_squeeze %dma_wait3A_150 : memref<1x128xi32, #tpu.memory_space<vmem>> -> memref<128xi32, #tpu.memory_space<vmem>>
        %dma_wait3A_152 = arith.constant 0 : i32
        %dma_wait3A_153 = arith.constant 0 : i32
        %dma_wait3A_154 = tpu.memref_slice %arg16[%dma_wait3A_152, %dma_wait3A_153] : memref<5016x128xf32, #tpu.memory_space<vmem_shared>> -> memref<5016x128xf32, #tpu.memory_space<vmem_shared>>
        tpu.wait_indirect_dma semaphore(%run_scoped3A_142 : memref<!tpu.dma_semaphore, #tpu.memory_space<semaphore_mem>>) src(%arg15 : memref<128x128xf32, #tpu.memory_space<vmem>>) dst(%dma_wait3A_154 : memref<5016x128xf32, #tpu.memory_space<vmem_shared>>)
        tpu.yield
      }) : () -> ()
      %barrier3A_134 = arith.constant 0 : index
      tpu.barrier barrier_id(%barrier3A_134)
      %add3A_135 = arith.constant 3 : i32
      %add3A_136 = arith.addi %add3A_127, %add3A_135 : i32
      %lt3A_137 = arith.constant 156 : i32
      %lt3A_138 = arith.cmpi slt, %add3A_136, %lt3A_137 : i32
      %convert_element_type3A_139 = arith.extui %lt3A_138 : i1 to i32
      %cond3A_140 = arith.constant 0 : i32
      %cond3A_141 = arith.cmpi ne, %convert_element_type3A_139, %cond3A_140 : i32
      scf.if %cond3A_141 {
        %add3A_142 = arith.constant 3 : i32
        %add3A_143 = arith.addi %add3A_127, %add3A_142 : i32
        %dma_start3A_144 = arith.constant 0 : i32
        %dma_start3A_145 = tpu.memref_slice %arg11[%add3A_143, %dma_start3A_144] : memref<156x128xi32, #tpu.memory_space<vmem>> -> memref<1x128xi32, #tpu.memory_space<vmem>>
        %dma_start3A_146 = tpu.memref_squeeze %dma_start3A_145 : memref<1x128xi32, #tpu.memory_space<vmem>> -> memref<128xi32, #tpu.memory_space<vmem>>
        %dma_start3A_147 = arith.constant 0 : i32
        %dma_start3A_148 = arith.constant 0 : i32
        %dma_start3A_149 = tpu.memref_slice %arg2[%dma_start3A_147, %dma_start3A_148] : memref<10000x128xf32, #tpu.memory_space<hbm>> -> memref<10000x128xf32, #tpu.memory_space<hbm>>
        tpu.enqueue_indirect_dma source(%dma_start3A_149 : memref<10000x128xf32, #tpu.memory_space<hbm>>) target(%arg15 : memref<128x128xf32, #tpu.memory_space<vmem>>) offsets(%dma_start3A_146 : memref<128xi32, #tpu.memory_space<vmem>>) semaphore(%arg19 : memref<!tpu.dma_semaphore, #tpu.memory_space<semaphore_mem>>)
      } else {
      }
    }
    %scan3A_46 = arith.constant 52 : i32
    %mul3A_47 = arith.constant 32 : i32
    %mul3A_48 = arith.muli %arg1, %mul3A_47 : i32
    %run_scoped3A = arith.constant 0 : i32
    "tpu.region"() ({
      %run_scoped3A_90 = tpu.sem_alloc : memref<!tpu.dma_semaphore, #tpu.memory_space<semaphore_mem>>
      %dma_start3A_91 = arith.constant 0 : i32
      %dma_start3A_92 = tpu.memref_slice %arg11[%run_scoped3A, %dma_start3A_91] : memref<156x128xi32, #tpu.memory_space<vmem>> -> memref<1x32xi32, #tpu.memory_space<vmem>>
      %dma_start3A_93 = tpu.memref_squeeze %dma_start3A_92 : memref<1x32xi32, #tpu.memory_space<vmem>> -> memref<32xi32, #tpu.memory_space<vmem>>
      %dma_start3A_94 = tpu.memref_slice %arg6[%mul3A_48] : memref<512xi32, #tpu.memory_space<hbm>> -> memref<32xi32, #tpu.memory_space<hbm>>
      %dma_start3A_95 = arith.constant 0 : i32
      %dma_start3A_96 = tpu.memref_slice %arg11[%run_scoped3A, %dma_start3A_95] : memref<156x128xi32, #tpu.memory_space<vmem>> -> memref<1x32xi32, #tpu.memory_space<vmem>>
      %dma_start3A_97 = tpu.memref_squeeze %dma_start3A_96 : memref<1x32xi32, #tpu.memory_space<vmem>> -> memref<32xi32, #tpu.memory_space<vmem>>
      %dma_start3A_98 = tpu.memref_slice %arg6[%mul3A_48] : memref<512xi32, #tpu.memory_space<hbm>> -> memref<32xi32, #tpu.memory_space<hbm>>
      tpu.enqueue_dma source(%dma_start3A_98 : memref<32xi32, #tpu.memory_space<hbm>>) target(%dma_start3A_97 : memref<32xi32, #tpu.memory_space<vmem>>) target_semaphore(%run_scoped3A_90 : memref<!tpu.dma_semaphore, #tpu.memory_space<semaphore_mem>>)
      %dma_wait3A_99 = arith.constant 0 : i32
      %dma_wait3A_100 = tpu.memref_slice %arg11[%run_scoped3A, %dma_wait3A_99] : memref<156x128xi32, #tpu.memory_space<vmem>> -> memref<1x32xi32, #tpu.memory_space<vmem>>
      %dma_wait3A_101 = tpu.memref_squeeze %dma_wait3A_100 : memref<1x32xi32, #tpu.memory_space<vmem>> -> memref<32xi32, #tpu.memory_space<vmem>>
      %dma_wait3A_102 = tpu.memref_slice %arg6[%mul3A_48] : memref<512xi32, #tpu.memory_space<hbm>> -> memref<32xi32, #tpu.memory_space<hbm>>
      %dma_wait3A_103 = arith.constant 0 : i32
      %dma_wait3A_104 = tpu.memref_slice %arg11[%run_scoped3A, %dma_wait3A_103] : memref<156x128xi32, #tpu.memory_space<vmem>> -> memref<1x32xi32, #tpu.memory_space<vmem>>
      %dma_wait3A_105 = tpu.memref_squeeze %dma_wait3A_104 : memref<1x32xi32, #tpu.memory_space<vmem>> -> memref<32xi32, #tpu.memory_space<vmem>>
      %dma_wait3A_106 = tpu.memref_slice %arg6[%mul3A_48] : memref<512xi32, #tpu.memory_space<hbm>> -> memref<32xi32, #tpu.memory_space<hbm>>
      tpu.wait_dma2 semaphore(%run_scoped3A_90 : memref<!tpu.dma_semaphore, #tpu.memory_space<semaphore_mem>>) src(%dma_wait3A_106 : memref<32xi32, #tpu.memory_space<hbm>>) dst(%dma_wait3A_105 : memref<32xi32, #tpu.memory_space<vmem>>)
      tpu.yield
    }) : () -> ()
    %eq3A_49 = arith.constant 0 : i32
    %eq3A_50 = arith.cmpi eq, %arg0, %eq3A_49 : i32
    %convert_element_type3A_51 = arith.extui %eq3A_50 : i1 to i32
    %cond3A_52 = arith.constant 0 : i32
    %cond3A_53 = arith.cmpi ne, %convert_element_type3A_51, %cond3A_52 : i32
    scf.if %cond3A_53 {
      %mul3A_90 = arith.constant 32 : i32
      %mul3A_91 = arith.muli %arg1, %mul3A_90 : i32
      %run_scoped3A_92 = arith.constant 0 : i32
      "tpu.region"() ({
        %run_scoped3A_93 = tpu.sem_alloc : memref<!tpu.dma_semaphore, #tpu.memory_space<semaphore_mem>>
        %dma_start3A_94 = arith.constant 0 : i32
        %dma_start3A_95 = tpu.memref_slice %arg12[%run_scoped3A_92, %dma_start3A_94] : memref<156x128xi32, #tpu.memory_space<vmem>> -> memref<1x32xi32, #tpu.memory_space<vmem>>
        %dma_start3A_96 = tpu.memref_squeeze %dma_start3A_95 : memref<1x32xi32, #tpu.memory_space<vmem>> -> memref<32xi32, #tpu.memory_space<vmem>>
        %dma_start3A_97 = tpu.memref_slice %arg7[%mul3A_91] : memref<512xi32, #tpu.memory_space<hbm>> -> memref<32xi32, #tpu.memory_space<hbm>>
        %dma_start3A_98 = arith.constant 0 : i32
        %dma_start3A_99 = tpu.memref_slice %arg12[%run_scoped3A_92, %dma_start3A_98] : memref<156x128xi32, #tpu.memory_space<vmem>> -> memref<1x32xi32, #tpu.memory_space<vmem>>
        %dma_start3A_100 = tpu.memref_squeeze %dma_start3A_99 : memref<1x32xi32, #tpu.memory_space<vmem>> -> memref<32xi32, #tpu.memory_space<vmem>>
        %dma_start3A_101 = tpu.memref_slice %arg7[%mul3A_91] : memref<512xi32, #tpu.memory_space<hbm>> -> memref<32xi32, #tpu.memory_space<hbm>>
        tpu.enqueue_dma source(%dma_start3A_101 : memref<32xi32, #tpu.memory_space<hbm>>) target(%dma_start3A_100 : memref<32xi32, #tpu.memory_space<vmem>>) target_semaphore(%run_scoped3A_93 : memref<!tpu.dma_semaphore, #tpu.memory_space<semaphore_mem>>)
        %dma_wait3A_102 = arith.constant 0 : i32
        %dma_wait3A_103 = tpu.memref_slice %arg12[%run_scoped3A_92, %dma_wait3A_102] : memref<156x128xi32, #tpu.memory_space<vmem>> -> memref<1x32xi32, #tpu.memory_space<vmem>>
        %dma_wait3A_104 = tpu.memref_squeeze %dma_wait3A_103 : memref<1x32xi32, #tpu.memory_space<vmem>> -> memref<32xi32, #tpu.memory_space<vmem>>
        %dma_wait3A_105 = tpu.memref_slice %arg7[%mul3A_91] : memref<512xi32, #tpu.memory_space<hbm>> -> memref<32xi32, #tpu.memory_space<hbm>>
        %dma_wait3A_106 = arith.constant 0 : i32
        %dma_wait3A_107 = tpu.memref_slice %arg12[%run_scoped3A_92, %dma_wait3A_106] : memref<156x128xi32, #tpu.memory_space<vmem>> -> memref<1x32xi32, #tpu.memory_space<vmem>>
        %dma_wait3A_108 = tpu.memref_squeeze %dma_wait3A_107 : memref<1x32xi32, #tpu.memory_space<vmem>> -> memref<32xi32, #tpu.memory_space<vmem>>
        %dma_wait3A_109 = tpu.memref_slice %arg7[%mul3A_91] : memref<512xi32, #tpu.memory_space<hbm>> -> memref<32xi32, #tpu.memory_space<hbm>>
        tpu.wait_dma2 semaphore(%run_scoped3A_93 : memref<!tpu.dma_semaphore, #tpu.memory_space<semaphore_mem>>) src(%dma_wait3A_109 : memref<32xi32, #tpu.memory_space<hbm>>) dst(%dma_wait3A_108 : memref<32xi32, #tpu.memory_space<vmem>>)
        tpu.yield
      }) : () -> ()
    } else {
    }
    %eq3A_54 = arith.constant 1 : i32
    %eq3A_55 = arith.cmpi eq, %arg0, %eq3A_54 : i32
    %convert_element_type3A_56 = arith.extui %eq3A_55 : i1 to i32
    %cond3A_57 = arith.constant 0 : i32
    %cond3A_58 = arith.cmpi ne, %convert_element_type3A_56, %cond3A_57 : i32
    scf.if %cond3A_58 {
      %mul3A_90 = arith.constant 32 : i32
      %mul3A_91 = arith.muli %arg1, %mul3A_90 : i32
      %run_scoped3A_92 = arith.constant 0 : i32
      "tpu.region"() ({
        %run_scoped3A_93 = tpu.sem_alloc : memref<!tpu.dma_semaphore, #tpu.memory_space<semaphore_mem>>
        %dma_start3A_94 = arith.constant 0 : i32
        %dma_start3A_95 = tpu.memref_slice %arg12[%run_scoped3A_92, %dma_start3A_94] : memref<156x128xi32, #tpu.memory_space<vmem>> -> memref<1x32xi32, #tpu.memory_space<vmem>>
        %dma_start3A_96 = tpu.memref_squeeze %dma_start3A_95 : memref<1x32xi32, #tpu.memory_space<vmem>> -> memref<32xi32, #tpu.memory_space<vmem>>
        %dma_start3A_97 = tpu.memref_slice %arg8[%mul3A_91] : memref<512xi32, #tpu.memory_space<hbm>> -> memref<32xi32, #tpu.memory_space<hbm>>
        %dma_start3A_98 = arith.constant 0 : i32
        %dma_start3A_99 = tpu.memref_slice %arg12[%run_scoped3A_92, %dma_start3A_98] : memref<156x128xi32, #tpu.memory_space<vmem>> -> memref<1x32xi32, #tpu.memory_space<vmem>>
        %dma_start3A_100 = tpu.memref_squeeze %dma_start3A_99 : memref<1x32xi32, #tpu.memory_space<vmem>> -> memref<32xi32, #tpu.memory_space<vmem>>
        %dma_start3A_101 = tpu.memref_slice %arg8[%mul3A_91] : memref<512xi32, #tpu.memory_space<hbm>> -> memref<32xi32, #tpu.memory_space<hbm>>
        tpu.enqueue_dma source(%dma_start3A_101 : memref<32xi32, #tpu.memory_space<hbm>>) target(%dma_start3A_100 : memref<32xi32, #tpu.memory_space<vmem>>) target_semaphore(%run_scoped3A_93 : memref<!tpu.dma_semaphore, #tpu.memory_space<semaphore_mem>>)
        %dma_wait3A_102 = arith.constant 0 : i32
        %dma_wait3A_103 = tpu.memref_slice %arg12[%run_scoped3A_92, %dma_wait3A_102] : memref<156x128xi32, #tpu.memory_space<vmem>> -> memref<1x32xi32, #tpu.memory_space<vmem>>
        %dma_wait3A_104 = tpu.memref_squeeze %dma_wait3A_103 : memref<1x32xi32, #tpu.memory_space<vmem>> -> memref<32xi32, #tpu.memory_space<vmem>>
        %dma_wait3A_105 = tpu.memref_slice %arg8[%mul3A_91] : memref<512xi32, #tpu.memory_space<hbm>> -> memref<32xi32, #tpu.memory_space<hbm>>
        %dma_wait3A_106 = arith.constant 0 : i32
        %dma_wait3A_107 = tpu.memref_slice %arg12[%run_scoped3A_92, %dma_wait3A_106] : memref<156x128xi32, #tpu.memory_space<vmem>> -> memref<1x32xi32, #tpu.memory_space<vmem>>
        %dma_wait3A_108 = tpu.memref_squeeze %dma_wait3A_107 : memref<1x32xi32, #tpu.memory_space<vmem>> -> memref<32xi32, #tpu.memory_space<vmem>>
        %dma_wait3A_109 = tpu.memref_slice %arg8[%mul3A_91] : memref<512xi32, #tpu.memory_space<hbm>> -> memref<32xi32, #tpu.memory_space<hbm>>
        tpu.wait_dma2 semaphore(%run_scoped3A_93 : memref<!tpu.dma_semaphore, #tpu.memory_space<semaphore_mem>>) src(%dma_wait3A_109 : memref<32xi32, #tpu.memory_space<hbm>>) dst(%dma_wait3A_108 : memref<32xi32, #tpu.memory_space<vmem>>)
        tpu.yield
      }) : () -> ()
    } else {
    }
    %dma_start3A_59 = arith.constant 0 : i32
    %dma_start3A_60 = arith.constant 0 : i32
    %dma_start3A_61 = arith.constant 0 : i32
    %dma_start3A_62 = tpu.memref_slice %arg13[%dma_start3A_60, %dma_start3A_61] : memref<128x128xf32, #tpu.memory_space<vmem>> -> memref<32x128xf32, #tpu.memory_space<vmem>>
    %dma_start3A_63 = arith.constant 0 : i32
    %dma_start3A_64 = tpu.memref_slice %arg11[%dma_start3A_59, %dma_start3A_63] : memref<156x128xi32, #tpu.memory_space<vmem>> -> memref<1x32xi32, #tpu.memory_space<vmem>>
    %dma_start3A_65 = tpu.memref_squeeze %dma_start3A_64 : memref<1x32xi32, #tpu.memory_space<vmem>> -> memref<32xi32, #tpu.memory_space<vmem>>
    %dma_start3A_66 = arith.constant 0 : i32
    %dma_start3A_67 = arith.constant 0 : i32
    %dma_start3A_68 = tpu.memref_slice %arg2[%dma_start3A_66, %dma_start3A_67] : memref<10000x128xf32, #tpu.memory_space<hbm>> -> memref<10000x128xf32, #tpu.memory_space<hbm>>
    tpu.enqueue_indirect_dma source(%dma_start3A_68 : memref<10000x128xf32, #tpu.memory_space<hbm>>) target(%dma_start3A_62 : memref<32x128xf32, #tpu.memory_space<vmem>>) offsets(%dma_start3A_65 : memref<32xi32, #tpu.memory_space<vmem>>) semaphore(%arg17 : memref<!tpu.dma_semaphore, #tpu.memory_space<semaphore_mem>>)
    %dma_wait3A = arith.constant 0 : i32
    %dma_wait3A_69 = arith.constant 0 : i32
    %dma_wait3A_70 = arith.constant 0 : i32
    %dma_wait3A_71 = tpu.memref_slice %arg13[%dma_wait3A_69, %dma_wait3A_70] : memref<128x128xf32, #tpu.memory_space<vmem>> -> memref<32x128xf32, #tpu.memory_space<vmem>>
    %dma_wait3A_72 = arith.constant 0 : i32
    %dma_wait3A_73 = tpu.memref_slice %arg11[%dma_wait3A, %dma_wait3A_72] : memref<156x128xi32, #tpu.memory_space<vmem>> -> memref<1x32xi32, #tpu.memory_space<vmem>>
    %dma_wait3A_74 = tpu.memref_squeeze %dma_wait3A_73 : memref<1x32xi32, #tpu.memory_space<vmem>> -> memref<32xi32, #tpu.memory_space<vmem>>
    %dma_wait3A_75 = arith.constant 0 : i32
    %dma_wait3A_76 = arith.constant 0 : i32
    %dma_wait3A_77 = tpu.memref_slice %arg2[%dma_wait3A_75, %dma_wait3A_76] : memref<10000x128xf32, #tpu.memory_space<hbm>> -> memref<10000x128xf32, #tpu.memory_space<hbm>>
    tpu.wait_indirect_dma semaphore(%arg17 : memref<!tpu.dma_semaphore, #tpu.memory_space<semaphore_mem>>) src(%dma_wait3A_77 : memref<10000x128xf32, #tpu.memory_space<hbm>>) dst(%dma_wait3A_71 : memref<32x128xf32, #tpu.memory_space<vmem>>)
    %run_scoped3A_78 = arith.constant 0 : i32
    "tpu.region"() ({
      %run_scoped3A_90 = tpu.sem_alloc : memref<!tpu.dma_semaphore, #tpu.memory_space<semaphore_mem>>
      %dma_start3A_91 = arith.constant 0 : i32
      %dma_start3A_92 = arith.constant 0 : i32
      %dma_start3A_93 = tpu.memref_slice %arg13[%dma_start3A_91, %dma_start3A_92] : memref<128x128xf32, #tpu.memory_space<vmem>> -> memref<32x128xf32, #tpu.memory_space<vmem>>
      %dma_start3A_94 = arith.constant 0 : i32
      %dma_start3A_95 = tpu.memref_slice %arg12[%run_scoped3A_78, %dma_start3A_94] : memref<156x128xi32, #tpu.memory_space<vmem>> -> memref<1x32xi32, #tpu.memory_space<vmem>>
      %dma_start3A_96 = tpu.memref_squeeze %dma_start3A_95 : memref<1x32xi32, #tpu.memory_space<vmem>> -> memref<32xi32, #tpu.memory_space<vmem>>
      %dma_start3A_97 = arith.constant 0 : i32
      %dma_start3A_98 = arith.constant 0 : i32
      %dma_start3A_99 = tpu.memref_slice %arg16[%dma_start3A_97, %dma_start3A_98] : memref<5016x128xf32, #tpu.memory_space<vmem_shared>> -> memref<5016x128xf32, #tpu.memory_space<vmem_shared>>
      tpu.enqueue_indirect_dma source(%dma_start3A_93 : memref<32x128xf32, #tpu.memory_space<vmem>>) target(%dma_start3A_99 : memref<5016x128xf32, #tpu.memory_space<vmem_shared>>) offsets(%dma_start3A_96 : memref<32xi32, #tpu.memory_space<vmem>>) semaphore(%run_scoped3A_90 : memref<!tpu.dma_semaphore, #tpu.memory_space<semaphore_mem>>) {add = true}
      %dma_wait3A_100 = arith.constant 0 : i32
      %dma_wait3A_101 = arith.constant 0 : i32
      %dma_wait3A_102 = tpu.memref_slice %arg13[%dma_wait3A_100, %dma_wait3A_101] : memref<128x128xf32, #tpu.memory_space<vmem>> -> memref<32x128xf32, #tpu.memory_space<vmem>>
      %dma_wait3A_103 = arith.constant 0 : i32
      %dma_wait3A_104 = tpu.memref_slice %arg12[%run_scoped3A_78, %dma_wait3A_103] : memref<156x128xi32, #tpu.memory_space<vmem>> -> memref<1x32xi32, #tpu.memory_space<vmem>>
      %dma_wait3A_105 = tpu.memref_squeeze %dma_wait3A_104 : memref<1x32xi32, #tpu.memory_space<vmem>> -> memref<32xi32, #tpu.memory_space<vmem>>
      %dma_wait3A_106 = arith.constant 0 : i32
      %dma_wait3A_107 = arith.constant 0 : i32
      %dma_wait3A_108 = tpu.memref_slice %arg16[%dma_wait3A_106, %dma_wait3A_107] : memref<5016x128xf32, #tpu.memory_space<vmem_shared>> -> memref<5016x128xf32, #tpu.memory_space<vmem_shared>>
      tpu.wait_indirect_dma semaphore(%run_scoped3A_90 : memref<!tpu.dma_semaphore, #tpu.memory_space<semaphore_mem>>) src(%dma_wait3A_102 : memref<32x128xf32, #tpu.memory_space<vmem>>) dst(%dma_wait3A_108 : memref<5016x128xf32, #tpu.memory_space<vmem_shared>>)
      tpu.yield
    }) : () -> ()
    %barrier3A_79 = arith.constant 0 : index
    tpu.barrier barrier_id(%barrier3A_79)
    %eq3A_80 = arith.constant 0 : i32
    %eq3A_81 = arith.cmpi eq, %arg1, %eq3A_80 : i32
    %convert_element_type3A_82 = arith.extui %eq3A_81 : i1 to i32
    %cond3A_83 = arith.constant 0 : i32
    %cond3A_84 = arith.cmpi ne, %convert_element_type3A_82, %cond3A_83 : i32
    scf.if %cond3A_84 {
      %multiple_of3A_90 = tpu.assume_multiple %mul3A_0, 8 : i32
      "tpu.region"() ({
        %run_scoped3A_91 = tpu.sem_alloc : memref<!tpu.dma_semaphore, #tpu.memory_space<semaphore_mem>>
        %dma_start3A_92 = arith.constant 0 : i32
        %dma_start3A_93 = tpu.memref_slice %arg10[%multiple_of3A_90, %dma_start3A_92] : memref<10000x128xf32, #tpu.memory_space<hbm>> -> memref<320x128xf32, #tpu.memory_space<hbm>>
        %dma_start3A_94 = arith.constant 0 : i32
        %dma_start3A_95 = arith.constant 0 : i32
        %dma_start3A_96 = tpu.memref_slice %arg16[%dma_start3A_94, %dma_start3A_95] : memref<5016x128xf32, #tpu.memory_space<vmem_shared>> -> memref<320x128xf32, #tpu.memory_space<vmem_shared>>
        tpu.enqueue_dma source(%dma_start3A_96 : memref<320x128xf32, #tpu.memory_space<vmem_shared>>) target(%dma_start3A_93 : memref<320x128xf32, #tpu.memory_space<hbm>>) target_semaphore(%run_scoped3A_91 : memref<!tpu.dma_semaphore, #tpu.memory_space<semaphore_mem>>)
        %dma_wait3A_97 = arith.constant 0 : i32
        %dma_wait3A_98 = tpu.memref_slice %arg10[%multiple_of3A_90, %dma_wait3A_97] : memref<10000x128xf32, #tpu.memory_space<hbm>> -> memref<320x128xf32, #tpu.memory_space<hbm>>
        %dma_wait3A_99 = arith.constant 0 : i32
        %dma_wait3A_100 = arith.constant 0 : i32
        %dma_wait3A_101 = tpu.memref_slice %arg16[%dma_wait3A_99, %dma_wait3A_100] : memref<5016x128xf32, #tpu.memory_space<vmem_shared>> -> memref<320x128xf32, #tpu.memory_space<vmem_shared>>
        tpu.wait_dma2 semaphore(%run_scoped3A_91 : memref<!tpu.dma_semaphore, #tpu.memory_space<semaphore_mem>>) src(%dma_wait3A_101 : memref<320x128xf32, #tpu.memory_space<vmem_shared>>) dst(%dma_wait3A_98 : memref<320x128xf32, #tpu.memory_space<hbm>>)
        tpu.yield
      }) : () -> ()
    } else {
    }
    %gt3A_85 = arith.constant 0 : i32
    %gt3A_86 = arith.cmpi sgt, %arg1, %gt3A_85 : i32
    %convert_element_type3A_87 = arith.extui %gt3A_86 : i1 to i32
    %cond3A_88 = arith.constant 0 : i32
    %cond3A_89 = arith.cmpi ne, %convert_element_type3A_87, %cond3A_88 : i32
    scf.if %cond3A_89 {
      %add3A_90 = arith.addi %mul3A_0, %multiple_of3A : i32
      %multiple_of3A_91 = tpu.assume_multiple %add3A_90, 8 : i32
      "tpu.region"() ({
        %run_scoped3A_92 = tpu.sem_alloc : memref<!tpu.dma_semaphore, #tpu.memory_space<semaphore_mem>>
        %dma_start3A_93 = arith.constant 0 : i32
        %dma_start3A_94 = tpu.memref_slice %arg10[%multiple_of3A_91, %dma_start3A_93] : memref<10000x128xf32, #tpu.memory_space<hbm>> -> memref<312x128xf32, #tpu.memory_space<hbm>>
        %dma_start3A_95 = arith.constant 0 : i32
        %dma_start3A_96 = tpu.memref_slice %arg16[%multiple_of3A, %dma_start3A_95] : memref<5016x128xf32, #tpu.memory_space<vmem_shared>> -> memref<312x128xf32, #tpu.memory_space<vmem_shared>>
        tpu.enqueue_dma source(%dma_start3A_96 : memref<312x128xf32, #tpu.memory_space<vmem_shared>>) target(%dma_start3A_94 : memref<312x128xf32, #tpu.memory_space<hbm>>) target_semaphore(%run_scoped3A_92 : memref<!tpu.dma_semaphore, #tpu.memory_space<semaphore_mem>>)
        %dma_wait3A_97 = arith.constant 0 : i32
        %dma_wait3A_98 = tpu.memref_slice %arg10[%multiple_of3A_91, %dma_wait3A_97] : memref<10000x128xf32, #tpu.memory_space<hbm>> -> memref<312x128xf32, #tpu.memory_space<hbm>>
        %dma_wait3A_99 = arith.constant 0 : i32
        %dma_wait3A_100 = tpu.memref_slice %arg16[%multiple_of3A, %dma_wait3A_99] : memref<5016x128xf32, #tpu.memory_space<vmem_shared>> -> memref<312x128xf32, #tpu.memory_space<vmem_shared>>
        tpu.wait_dma2 semaphore(%run_scoped3A_92 : memref<!tpu.dma_semaphore, #tpu.memory_space<semaphore_mem>>) src(%dma_wait3A_100 : memref<312x128xf32, #tpu.memory_space<vmem_shared>>) dst(%dma_wait3A_98 : memref<312x128xf32, #tpu.memory_space<hbm>>)
        tpu.yield
      }) : () -> ()
    } else {
    }
    return
  }
}

module attributes {stable_mosaic.version = 14 : i64} {
  func.func @_dense_body(%arg0: memref<10000x128xf32, #tpu.memory_space<vmem>>, %arg1: memref<10000x128xf32, #tpu.memory_space<vmem>>, %arg2: memref<128x128xf32, #tpu.memory_space<vmem>>, %arg3: memref<1x128xf32, #tpu.memory_space<vmem>>, %arg4: memref<128x128xf32, #tpu.memory_space<vmem>>, %arg5: memref<1x128xf32, #tpu.memory_space<vmem>>, %arg6: memref<1x128xf32, #tpu.memory_space<vmem>>, %arg7: memref<1x128xf32, #tpu.memory_space<vmem>>, %arg8: memref<10000x128xf32, #tpu.memory_space<vmem>>) attributes {dimension_semantics = [], scalar_prefetch = 0 : i64, scratch_operands = 0 : i64, tpu.core_type = #tpu.core_type<tc>} {
    %get3A = arith.constant 0 : index
    %get3A_0 = arith.constant 0 : index
    %get3A_1 = vector.load %arg0[%get3A, %get3A_0] : memref<10000x128xf32, #tpu.memory_space<vmem>>, vector<10000x128xf32>
    %get3A_2 = arith.constant 0 : index
    %get3A_3 = arith.constant 0 : index
    %get3A_4 = vector.load %arg1[%get3A_2, %get3A_3] : memref<10000x128xf32, #tpu.memory_space<vmem>>, vector<10000x128xf32>
    %add3A = arith.addf %get3A_1, %get3A_4 : vector<10000x128xf32>
    %get3A_5 = arith.constant 0 : index
    %get3A_6 = arith.constant 0 : index
    %get3A_7 = vector.load %arg2[%get3A_5, %get3A_6] : memref<128x128xf32, #tpu.memory_space<vmem>>, vector<128x128xf32>
    %dot_general3A = arith.constant dense<0.000000e+00> : vector<10000x128xf32>
    %dot_general3A_8 = tpu.matmul %add3A, %get3A_7, %dot_general3A {dimension_numbers = #tpu.dot_dimension_numbers<[1], [0], [0], [1], [0, 0, 1, 1], [], []>, transpose_lhs_hint = false} : vector<10000x128xf32>, vector<128x128xf32>, vector<10000x128xf32> -> vector<10000x128xf32>
    %get3A_9 = arith.constant 0 : index
    %get3A_10 = arith.constant 0 : index
    %get3A_11 = vector.load %arg3[%get3A_9, %get3A_10] : memref<1x128xf32, #tpu.memory_space<vmem>>, vector<1x128xf32>
    %add3A_12 = vector.broadcast %get3A_11 : vector<1x128xf32> to vector<10000x128xf32>
    %add3A_13 = arith.addf %dot_general3A_8, %add3A_12 : vector<10000x128xf32>
    %max3A = arith.constant 0.000000e+00 : f32
    %max3A_14 = vector.broadcast %max3A : f32 to vector<10000x128xf32>
    %max3A_15 = arith.maximumf %add3A_13, %max3A_14 : vector<10000x128xf32>
    %get3A_16 = arith.constant 0 : index
    %get3A_17 = arith.constant 0 : index
    %get3A_18 = vector.load %arg4[%get3A_16, %get3A_17] : memref<128x128xf32, #tpu.memory_space<vmem>>, vector<128x128xf32>
    %dot_general3A_19 = arith.constant dense<0.000000e+00> : vector<10000x128xf32>
    %dot_general3A_20 = tpu.matmul %max3A_15, %get3A_18, %dot_general3A_19 {dimension_numbers = #tpu.dot_dimension_numbers<[1], [0], [0], [1], [0, 0, 1, 1], [], []>, transpose_lhs_hint = false} : vector<10000x128xf32>, vector<128x128xf32>, vector<10000x128xf32> -> vector<10000x128xf32>
    %get3A_21 = arith.constant 0 : index
    %get3A_22 = arith.constant 0 : index
    %get3A_23 = vector.load %arg5[%get3A_21, %get3A_22] : memref<1x128xf32, #tpu.memory_space<vmem>>, vector<1x128xf32>
    %add3A_24 = vector.broadcast %get3A_23 : vector<1x128xf32> to vector<10000x128xf32>
    %add3A_25 = arith.addf %dot_general3A_20, %add3A_24 : vector<10000x128xf32>
    %reduce_sum3A = arith.constant dense<0.000000e+00> : vector<128xf32>
    %reduce_sum3A_26 = vector.multi_reduction <add>, %add3A_25, %reduce_sum3A [0] : vector<10000x128xf32> to vector<128xf32>
    %broadcast_in_dim3A = vector.shape_cast %reduce_sum3A_26 : vector<128xf32> to vector<1x128xf32>
    %div3A = arith.constant 1.000000e+04 : f32
    %div3A_27 = vector.broadcast %div3A : f32 to vector<1x128xf32>
    %div3A_28 = arith.divf %broadcast_in_dim3A, %div3A_27 : vector<1x128xf32>
    %sub3A = vector.broadcast %div3A_28 : vector<1x128xf32> to vector<10000x128xf32>
    %sub3A_29 = arith.subf %add3A_25, %sub3A : vector<10000x128xf32>
    %mul3A = arith.mulf %sub3A_29, %sub3A_29 : vector<10000x128xf32>
    %reduce_sum3A_30 = arith.constant dense<0.000000e+00> : vector<128xf32>
    %reduce_sum3A_31 = vector.multi_reduction <add>, %mul3A, %reduce_sum3A_30 [0] : vector<10000x128xf32> to vector<128xf32>
    %broadcast_in_dim3A_32 = vector.shape_cast %reduce_sum3A_31 : vector<128xf32> to vector<1x128xf32>
    %div3A_33 = arith.constant 1.000000e+04 : f32
    %div3A_34 = vector.broadcast %div3A_33 : f32 to vector<1x128xf32>
    %div3A_35 = arith.divf %broadcast_in_dim3A_32, %div3A_34 : vector<1x128xf32>
    %add3A_36 = arith.constant 9.99999974E-6 : f32
    %add3A_37 = vector.broadcast %add3A_36 : f32 to vector<1x128xf32>
    %add3A_38 = arith.addf %div3A_35, %add3A_37 : vector<1x128xf32>
    %sqrt3A = math.sqrt %add3A_38 : vector<1x128xf32>
    %div3A_39 = vector.broadcast %sqrt3A : vector<1x128xf32> to vector<10000x128xf32>
    %div3A_40 = arith.divf %sub3A_29, %div3A_39 : vector<10000x128xf32>
    %get3A_41 = arith.constant 0 : index
    %get3A_42 = arith.constant 0 : index
    %get3A_43 = vector.load %arg6[%get3A_41, %get3A_42] : memref<1x128xf32, #tpu.memory_space<vmem>>, vector<1x128xf32>
    %mul3A_44 = vector.broadcast %get3A_43 : vector<1x128xf32> to vector<10000x128xf32>
    %mul3A_45 = arith.mulf %div3A_40, %mul3A_44 : vector<10000x128xf32>
    %get3A_46 = arith.constant 0 : index
    %get3A_47 = arith.constant 0 : index
    %get3A_48 = vector.load %arg7[%get3A_46, %get3A_47] : memref<1x128xf32, #tpu.memory_space<vmem>>, vector<1x128xf32>
    %add3A_49 = vector.broadcast %get3A_48 : vector<1x128xf32> to vector<10000x128xf32>
    %add3A_50 = arith.addf %mul3A_45, %add3A_49 : vector<10000x128xf32>
    %ge3A = arith.constant 0.000000e+00 : f32
    %ge3A_51 = vector.broadcast %ge3A : f32 to vector<10000x128xf32>
    %ge3A_52 = arith.cmpf oge, %add3A_50, %ge3A_51 : vector<10000x128xf32>
    %mul3A_53 = arith.constant 0.00999999977 : f32
    %mul3A_54 = vector.broadcast %mul3A_53 : f32 to vector<10000x128xf32>
    %mul3A_55 = arith.mulf %mul3A_54, %add3A_50 : vector<10000x128xf32>
    %select_n3A = arith.select %ge3A_52, %add3A_50, %mul3A_55 : vector<10000x128xi1>, vector<10000x128xf32>
    %swap3A = arith.constant 0 : index
    %swap3A_56 = arith.constant 0 : index
    %swap3A_57 = vector.load %arg8[%swap3A, %swap3A_56] : memref<10000x128xf32, #tpu.memory_space<vmem>>, vector<10000x128xf32>
    tpu.vector_store %arg8[%swap3A, %swap3A_56], %select_n3A {strides = array<i32>} : memref<10000x128xf32, #tpu.memory_space<vmem>>, vector<10000x128xf32>,
    return
  }
}

module attributes {stable_mosaic.version = 14 : i64} {
  func.func @_final_body(%arg0: memref<10000x128xf32, #tpu.memory_space<vmem>>, %arg1: memref<10000x128xf32, #tpu.memory_space<vmem>>, %arg2: memref<128x128xf32, #tpu.memory_space<vmem>>, %arg3: memref<1x128xf32, #tpu.memory_space<vmem>>, %arg4: memref<128x128xf32, #tpu.memory_space<vmem>>, %arg5: memref<1x128xf32, #tpu.memory_space<vmem>>, %arg6: memref<1x128xf32, #tpu.memory_space<vmem>>, %arg7: memref<1x128xf32, #tpu.memory_space<vmem>>, %arg8: memref<10000x1xi32, #tpu.memory_space<vmem>>, %arg9: memref<128x819xf32, #tpu.memory_space<vmem>>, %arg10: memref<1x819xf32, #tpu.memory_space<vmem>>, %arg11: memref<16x819xf32, #tpu.memory_space<vmem>>) attributes {dimension_semantics = [], scalar_prefetch = 0 : i64, scratch_operands = 0 : i64, tpu.core_type = #tpu.core_type<tc>} {
    %get3A = arith.constant 0 : index
    %get3A_0 = arith.constant 0 : index
    %get3A_1 = vector.load %arg0[%get3A, %get3A_0] : memref<10000x128xf32, #tpu.memory_space<vmem>>, vector<10000x128xf32>
    %get3A_2 = arith.constant 0 : index
    %get3A_3 = arith.constant 0 : index
    %get3A_4 = vector.load %arg1[%get3A_2, %get3A_3] : memref<10000x128xf32, #tpu.memory_space<vmem>>, vector<10000x128xf32>
    %add3A = arith.addf %get3A_1, %get3A_4 : vector<10000x128xf32>
    %get3A_5 = arith.constant 0 : index
    %get3A_6 = arith.constant 0 : index
    %get3A_7 = vector.load %arg2[%get3A_5, %get3A_6] : memref<128x128xf32, #tpu.memory_space<vmem>>, vector<128x128xf32>
    %dot_general3A = arith.constant dense<0.000000e+00> : vector<10000x128xf32>
    %dot_general3A_8 = tpu.matmul %add3A, %get3A_7, %dot_general3A {dimension_numbers = #tpu.dot_dimension_numbers<[1], [0], [0], [1], [0, 0, 1, 1], [], []>, transpose_lhs_hint = false} : vector<10000x128xf32>, vector<128x128xf32>, vector<10000x128xf32> -> vector<10000x128xf32>
    %get3A_9 = arith.constant 0 : index
    %get3A_10 = arith.constant 0 : index
    %get3A_11 = vector.load %arg3[%get3A_9, %get3A_10] : memref<1x128xf32, #tpu.memory_space<vmem>>, vector<1x128xf32>
    %add3A_12 = vector.broadcast %get3A_11 : vector<1x128xf32> to vector<10000x128xf32>
    %add3A_13 = arith.addf %dot_general3A_8, %add3A_12 : vector<10000x128xf32>
    %max3A = arith.constant 0.000000e+00 : f32
    %max3A_14 = vector.broadcast %max3A : f32 to vector<10000x128xf32>
    %max3A_15 = arith.maximumf %add3A_13, %max3A_14 : vector<10000x128xf32>
    %get3A_16 = arith.constant 0 : index
    %get3A_17 = arith.constant 0 : index
    %get3A_18 = vector.load %arg4[%get3A_16, %get3A_17] : memref<128x128xf32, #tpu.memory_space<vmem>>, vector<128x128xf32>
    %dot_general3A_19 = arith.constant dense<0.000000e+00> : vector<10000x128xf32>
    %dot_general3A_20 = tpu.matmul %max3A_15, %get3A_18, %dot_general3A_19 {dimension_numbers = #tpu.dot_dimension_numbers<[1], [0], [0], [1], [0, 0, 1, 1], [], []>, transpose_lhs_hint = false} : vector<10000x128xf32>, vector<128x128xf32>, vector<10000x128xf32> -> vector<10000x128xf32>
    %get3A_21 = arith.constant 0 : index
    %get3A_22 = arith.constant 0 : index
    %get3A_23 = vector.load %arg5[%get3A_21, %get3A_22] : memref<1x128xf32, #tpu.memory_space<vmem>>, vector<1x128xf32>
    %add3A_24 = vector.broadcast %get3A_23 : vector<1x128xf32> to vector<10000x128xf32>
    %add3A_25 = arith.addf %dot_general3A_20, %add3A_24 : vector<10000x128xf32>
    %reduce_sum3A = arith.constant dense<0.000000e+00> : vector<128xf32>
    %reduce_sum3A_26 = vector.multi_reduction <add>, %add3A_25, %reduce_sum3A [0] : vector<10000x128xf32> to vector<128xf32>
    %broadcast_in_dim3A = vector.shape_cast %reduce_sum3A_26 : vector<128xf32> to vector<1x128xf32>
    %div3A = arith.constant 1.000000e+04 : f32
    %div3A_27 = vector.broadcast %div3A : f32 to vector<1x128xf32>
    %div3A_28 = arith.divf %broadcast_in_dim3A, %div3A_27 : vector<1x128xf32>
    %sub3A = vector.broadcast %div3A_28 : vector<1x128xf32> to vector<10000x128xf32>
    %sub3A_29 = arith.subf %add3A_25, %sub3A : vector<10000x128xf32>
    %mul3A = arith.mulf %sub3A_29, %sub3A_29 : vector<10000x128xf32>
    %reduce_sum3A_30 = arith.constant dense<0.000000e+00> : vector<128xf32>
    %reduce_sum3A_31 = vector.multi_reduction <add>, %mul3A, %reduce_sum3A_30 [0] : vector<10000x128xf32> to vector<128xf32>
    %broadcast_in_dim3A_32 = vector.shape_cast %reduce_sum3A_31 : vector<128xf32> to vector<1x128xf32>
    %div3A_33 = arith.constant 1.000000e+04 : f32
    %div3A_34 = vector.broadcast %div3A_33 : f32 to vector<1x128xf32>
    %div3A_35 = arith.divf %broadcast_in_dim3A_32, %div3A_34 : vector<1x128xf32>
    %add3A_36 = arith.constant 9.99999974E-6 : f32
    %add3A_37 = vector.broadcast %add3A_36 : f32 to vector<1x128xf32>
    %add3A_38 = arith.addf %div3A_35, %add3A_37 : vector<1x128xf32>
    %sqrt3A = math.sqrt %add3A_38 : vector<1x128xf32>
    %div3A_39 = vector.broadcast %sqrt3A : vector<1x128xf32> to vector<10000x128xf32>
    %div3A_40 = arith.divf %sub3A_29, %div3A_39 : vector<10000x128xf32>
    %get3A_41 = arith.constant 0 : index
    %get3A_42 = arith.constant 0 : index
    %get3A_43 = vector.load %arg6[%get3A_41, %get3A_42] : memref<1x128xf32, #tpu.memory_space<vmem>>, vector<1x128xf32>
    %mul3A_44 = vector.broadcast %get3A_43 : vector<1x128xf32> to vector<10000x128xf32>
    %mul3A_45 = arith.mulf %div3A_40, %mul3A_44 : vector<10000x128xf32>
    %get3A_46 = arith.constant 0 : index
    %get3A_47 = arith.constant 0 : index
    %get3A_48 = vector.load %arg7[%get3A_46, %get3A_47] : memref<1x128xf32, #tpu.memory_space<vmem>>, vector<1x128xf32>
    %add3A_49 = vector.broadcast %get3A_48 : vector<1x128xf32> to vector<10000x128xf32>
    %add3A_50 = arith.addf %mul3A_45, %add3A_49 : vector<10000x128xf32>
    %get3A_51 = arith.constant 0 : index
    %get3A_52 = arith.constant 0 : index
    %get3A_53 = vector.load %arg8[%get3A_51, %get3A_52] : memref<10000x1xi32, #tpu.memory_space<vmem>>, vector<10000x1xi32>
    %iota3A = tpu.iota {dimensions = array<i32: 1>} : vector<10000x16xi32>
    %eq3A = vector.broadcast %get3A_53 : vector<10000x1xi32> to vector<10000x16xi32>
    %eq3A_54 = arith.cmpi eq, %eq3A, %iota3A : vector<10000x16xi32>
    %convert_element_type3A = arith.extui %eq3A_54 : vector<10000x16xi1> to vector<10000x16xi32>
    %convert_element_type3A_55 = arith.sitofp %convert_element_type3A : vector<10000x16xi32> to vector<10000x16xf32>
    %broadcast_in_dim3A_56 = arith.constant 1.000000e+00 : f32
    %broadcast_in_dim3A_57 = vector.broadcast %broadcast_in_dim3A_56 : f32 to vector<10000x1xf32>
    %dot_general3A_58 = arith.constant dense<0.000000e+00> : vector<16x1xf32>
    %dot_general3A_59 = tpu.matmul %convert_element_type3A_55, %broadcast_in_dim3A_57, %dot_general3A_58 {dimension_numbers = #tpu.dot_dimension_numbers<[0], [0], [1], [1], [0, 1, 1, 1], [], []>, precision = #tpu.contract_precision<fp32>, transpose_lhs_hint = false} : vector<10000x16xf32>, vector<10000x1xf32>, vector<16x1xf32> -> vector<16x1xf32>
    %dot_general3A_60 = arith.constant dense<0.000000e+00> : vector<16x128xf32>
    %dot_general3A_61 = tpu.matmul %convert_element_type3A_55, %add3A_50, %dot_general3A_60 {dimension_numbers = #tpu.dot_dimension_numbers<[0], [0], [1], [1], [0, 1, 1, 1], [], []>, precision = #tpu.contract_precision<fp32>, transpose_lhs_hint = false} : vector<10000x16xf32>, vector<10000x128xf32>, vector<16x128xf32> -> vector<16x128xf32>
    %max3A_62 = arith.constant 1.000000e+00 : f32
    %max3A_63 = vector.broadcast %max3A_62 : f32 to vector<16x1xf32>
    %max3A_64 = arith.maximumf %dot_general3A_59, %max3A_63 : vector<16x1xf32>
    %div3A_65 = vector.broadcast %max3A_64 : vector<16x1xf32> to vector<16x128xf32>
    %div3A_66 = arith.divf %dot_general3A_61, %div3A_65 : vector<16x128xf32>
    %get3A_67 = arith.constant 0 : index
    %get3A_68 = arith.constant 0 : index
    %get3A_69 = vector.load %arg9[%get3A_67, %get3A_68] : memref<128x819xf32, #tpu.memory_space<vmem>>, vector<128x819xf32>
    %dot_general3A_70 = arith.constant dense<0.000000e+00> : vector<16x819xf32>
    %dot_general3A_71 = tpu.matmul %div3A_66, %get3A_69, %dot_general3A_70 {dimension_numbers = #tpu.dot_dimension_numbers<[1], [0], [0], [1], [0, 0, 1, 1], [], []>, transpose_lhs_hint = false} : vector<16x128xf32>, vector<128x819xf32>, vector<16x819xf32> -> vector<16x819xf32>
    %get3A_72 = arith.constant 0 : index
    %get3A_73 = arith.constant 0 : index
    %get3A_74 = vector.load %arg10[%get3A_72, %get3A_73] : memref<1x819xf32, #tpu.memory_space<vmem>>, vector<1x819xf32>
    %add3A_75 = vector.broadcast %get3A_74 : vector<1x819xf32> to vector<16x819xf32>
    %add3A_76 = arith.addf %dot_general3A_71, %add3A_75 : vector<16x819xf32>
    %swap3A = arith.constant 0 : index
    %swap3A_77 = arith.constant 0 : index
    %swap3A_78 = vector.load %arg11[%swap3A, %swap3A_77] : memref<16x819xf32, #tpu.memory_space<vmem>>, vector<16x819xf32>
    tpu.vector_store %arg11[%swap3A, %swap3A_77], %add3A_76 {strides = array<i32>} : memref<16x819xf32, #tpu.memory_space<vmem>>, vector<16x819xf32>,
    return
  }
}

</mosaic_0001>

<sc_bundles>
// kernel: kernel.11.cloned.1.call-start
scs
__scs_entry_jumppad:
0x0: {  	(pc) =	sbr.rel $0x88, $3  }
0x1: {  	(tag) =	ssettag $0x0;
	lr =	simm.s32 $0x1  }
0x2: {  	[smem:$0x3F8A] =	sst lr;
	_ =	strace $0xD0000000  }
0x3: {  	_ = 	snop  }
0x4: {  	_ = 	snop  }
0x5: {  	_ = 	snop  }
0x6: {  	_ = 	snop  }
0x7: {  	_ = 	snop  }
__scs_overlays_trampoline_lowered:
0x8: {  	[smem:$0x3F99] =	sst s0  }
0x9: {  	[smem:$0x3F9A] =	sst s1  }
0xa: {  	[smem:$0x3F9B] =	sst s2  }
0xb: {  	[smem:$0x3F9C] =	sst s3  }
0xc: {  	[smem:$0x3F9D] =	sst s4  }
0xd: {  	[smem:$0x3F9E] =	sst s5  }
0xe: {  	[smem:$0x3F9F] =	sst s6  }
0xf: {  	[smem:$0x3FA0] =	sst s7  }
0x10: {  	[smem:$0x3FA1] =	sst s8  }
0x11: {  	[smem:$0x3FA2] =	sst s9;
	s0 =	simm.s32 @!p0 $0x0  }
0x12: {  	s1 =	sld [smem:$0x3F88];
	s0 =	simm.s32 @p0 $0x1  }
0x13: {  	[smem:$0x3FA3] =	sst s0;
	s0 =	simm.s32 @!p1 $0x0  }
0x14: {  	s2 =	sld [smem:$0x3F87];
	s0 =	simm.s32 @p1 $0x1  }
0x15: {  	[smem:$0x3FA4] =	sst s0;
	s0 =	simm.s32 @!p2 $0x0  }
0x16: {  	s3 =	sld [smem:$0x3FDB];
	s0 =	simm.s32 @p2 $0x1  }
0x17: {  	s4 =	simm.s32 $0x1BF5;
	[smem:$0x3FA6] =	sst s0  }
0x18: {  	s0 =	sld [smem:$0x3F89];
	_ =	swait.ge [sflag:s4], $0x0  }
0x19: {  	s7 =	sld [smem:$0x3F8A]  }
0x1a: {  	s8 =	sadd.s32 $0xFFFFE003, lr  }
0x1b: {  	s9 =	sadd.s32 $0xFFFFFEF7, lr;
	s5 =	simm.s32 $0xFFFFFFFF;
	p2 =	slt.u32 s8, $0xFFFFF086  }
0x1c: {  	p1 =	slt.u32 s9, $0xF7A;
	s5 =	simm.s32 @!p2 $0x0  }
0x1d: {  	s5 =	simm.s32 @p1 $0x1;
	p0 =	seq.s32 s7, s2  }
0x1e: {  	s7 =	smul.u32 @!p0 $0xF7A, s2;
	p2 =	seq.s32 @!p0 s5, $0x0  }
0x1f: {  	s9 =	smul.u32 $0xF7A, s1;
	s8 =	simm.s32 @!p0 $0x1BF5;
	p2 =	por !p2, p0  }
0x20: {  	[sflag:s8] =	ssyncset.s32 @!p0 $0xFFFFF086;
	s6 =	sadd.s32 @!p0 s3, s7;
	s7 =	simm.s32 @!p0 $0x108  }
0x21: {  	s3 =	sadd.s32 s3, s9;
	s6 =	sadd.s32 @!p0 $0x88, s6;
	s7 =	simm.s32 @p2 $0x1082  }
0x22: {  	[simem:s7], [sflag:s8] =	dma.local @!p0 [hbm:s6], $0xF7A  }
0x23: {  	s9 =	sor.u32 $0xD0000000, s2;
	s6 =	simm.s32 $0x108;
	_ =	swait.ge @!p0 [sflag:s8], $0x0  }
0x24: {  	s3 =	sadd.s32 $0x88, s3;
	s6 =	simm.s32 @!p1 $0x1082;
	[sflag:s4] =	ssyncset.s32 $0xFFFFF086  }
0x25: {  	[simem:s6], [sflag:s4] =	dma.local [hbm:s3], $0xF7A  }
0x26: {  	[smem:$0x3F8A] =	sst s1;
	(tag) =	ssettag s2;
	_ =	strace s9  }
0x27: {  	s1 =	sld [smem:$0x3F9A]  }
0x28: {  	s2 =	sld [smem:$0x3F9B]  }
0x29: {  	s4 =	sld [smem:$0x3F9D]  }
0x2a: {  	p0 =	seq.s32 s5, $0x0;
	s5 =	sld [smem:$0x3F9E]  }
0x2b: {  	s6 =	sld [smem:$0x3F9F]  }
0x2c: {  	s7 =	sld [smem:$0x3FA0]  }
0x2d: {  	s3 =	simm.s32 $0x108;
	s8 =	sld [smem:$0x3FA1]  }
0x2e: {  	s3 =	simm.s32 @!p0 $0x1082;
	s9 =	sld [smem:$0x3FA2]  }
0x2f: {  	lr =	sadd.s32 s0, s3;
	s0 =	sld [smem:$0x3F99]  }
0x30: {  	s3 =	sld [smem:$0x3F9C]  }
0x31: {  	[smem:$0x3FA5] =	sst s10  }
0x32: {  	s10 =	sld [smem:$0x3FA3];
	_ =	sdelay $0x3  }
0x33: {  	p0 =	seq.s32 s10, $0x1;
	s10 =	sld [smem:$0x3FA5];
	_ =	sdelay $0x3  }
0x34: {  	[smem:$0x3FA5] =	sst s10  }
0x35: {  	s10 =	sld [smem:$0x3FA4];
	_ =	sdelay $0x3  }
0x36: {  	p1 =	seq.s32 s10, $0x1;
	s10 =	sld [smem:$0x3FA5];
	_ =	sdelay $0x3  }
0x37: {  	[smem:$0x3FA5] =	sst s10  }
0x38: {  	s10 =	sld [smem:$0x3FA6]  }
0x39: {  	_ = 	snop;
	(pc) =	sbr.ind lr, $3  }
0x3a: {  	_ = 	snop  }
0x3b: {  	_ = 	snop  }
0x3c: {  	p2 =	seq.s32 s10, $0x1;
	s10 =	sld [smem:$0x3FA5]  }
0x3d: {  	_ =	shalt  }
0x3e: {  	_ =	shalt  }
0x3f: {  	_ =	shalt  }
0x40: {  	_ =	shalt  }
0x41: {  	_ =	shalt  }
0x42: {  	_ =	shalt  }
0x43: {  	_ =	shalt  }
0x44: {  	_ =	shalt  }
0x45: {  	_ =	shalt  }
0x46: {  	_ =	shalt  }
0x47: {  	_ =	shalt  }
0x48: {  	_ =	shalt  }
0x49: {  	_ =	shalt  }
0x4a: {  	_ =	shalt  }
0x4b: {  	_ =	shalt  }
0x4c: {  	_ =	shalt  }
0x4d: {  	_ =	shalt  }
0x4e: {  	_ =	shalt  }
0x4f: {  	_ =	shalt  }
0x50: {  	_ =	shalt  }
0x51: {  	_ =	shalt  }
0x52: {  	_ =	shalt  }
0x53: {  	_ =	shalt  }
0x54: {  	_ =	shalt  }
0x55: {  	_ =	shalt  }
0x56: {  	_ =	shalt  }
0x57: {  	_ =	shalt  }
0x58: {  	_ =	shalt  }
0x59: {  	_ =	shalt  }
0x5a: {  	_ =	shalt  }
0x5b: {  	_ =	shalt  }
0x5c: {  	_ =	shalt  }
0x5d: {  	_ =	shalt  }
0x5e: {  	_ =	shalt  }
0x5f: {  	_ =	shalt  }
0x60: {  	_ =	shalt  }
0x61: {  	_ =	shalt  }
0x62: {  	_ =	shalt  }
0x63: {  	_ =	shalt  }
0x64: {  	_ =	shalt  }
0x65: {  	_ =	shalt  }
0x66: {  	_ =	shalt  }
0x67: {  	_ =	shalt  }
0x68: {  	_ =	shalt  }
0x69: {  	_ =	shalt  }
0x6a: {  	_ =	shalt  }
0x6b: {  	_ =	shalt  }
0x6c: {  	_ =	shalt  }
0x6d: {  	_ =	shalt  }
0x6e: {  	_ =	shalt  }
0x6f: {  	_ =	shalt  }
0x70: {  	_ =	shalt  }
0x71: {  	_ =	shalt  }
0x72: {  	_ =	shalt  }
0x73: {  	_ =	shalt  }
0x74: {  	_ =	shalt  }
0x75: {  	_ =	shalt  }
0x76: {  	_ =	shalt  }
0x77: {  	_ =	shalt  }
0x78: {  	_ =	shalt  }
0x79: {  	_ =	shalt  }
0x7a: {  	_ =	shalt  }
0x7b: {  	_ =	shalt  }
0x7c: {  	_ =	shalt  }
0x7d: {  	_ =	shalt  }
0x7e: {  	_ =	shalt  }
0x7f: {  	_ =	shalt  }
0x80: {  	_ =	shalt  }
0x81: {  	_ =	shalt  }
0x82: {  	_ =	shalt  }
0x83: {  	_ =	shalt  }
0x84: {  	_ =	shalt  }
0x85: {  	_ =	shalt  }
0x86: {  	_ =	shalt  }
0x87: {  	_ =	shalt  }
.Lfunc_end0:
.L_simem_size_0:
called_computation.1_lowered:
.L_overlay_start_0:
0x88: {  	s2 =	sld [smem:$0x3FD9]  }
0x89: {  	s3 =	sld [smem:$0x3FFE];
	_ =	sdelay $0x1  }
0x8a: {  	s1 =	srdreg.scid  }
0x8b: {  	s0 =	sand.u32 $0x1, s1  }
0x8c: {  	s17 =	sshll.u32 s0, $0xA;
	s2 =	sadd.s32 s3, s2  }
0x8d: {  	s2 =	sadd.s32 s2, s17  }
0x8e: {  	[smem:$0x3FB1] =	sst s2  }
0x8f: {  	_ = 	snop  }
0x90: {  	s2 =	sld [smem:$0x3FD0];
	(tm) =	ssettm $0x1  }
0x91: {  	s18 =	sld [smem:$0x3FFB];
	_ =	sdelay $0x3  }
0x92: {  	_ =	strace s18  }
0x93: {  	s3 =	sld [smem:$0x3FFC];
	_ =	sdelay $0x3  }
0x94: {  	_ =	strace s3  }
0x95: {  	s3 =	sld [smem:$0x3FFD];
	_ =	sdelay $0x3  }
0x96: {  	_ =	strace s3  }
0x97: {  	_ =	strace $0x8FFFFFFF  }
0x98: {  	s19 =	sld [smem:$0x3FDB];
	_ =	sdelay $0x1  }
0x99: {  	s4 =	simm.s32 $_scs_section_size  }
0x9a: {  	s5 =	simm.s32 $_size__tile_overlayer_lowered;
	s6 =	simm.s32 $_tile_overlayer_lowered  }
0x9b: {  	s22 =	simm.s32 $0x1BFF;
	s21 =	sshll.u32 s6, $0x1;
	s3 =	sadd.s32 s4, s19  }
0x9c: {  	s7 =	simm.s32 $0x0;
	s20 =	sshll.u32 s5, $0x1;
	s5 =	sadd.s32 s21, s3  }
0x9d: {  	[timem:s7], [sflag:s22] =	dma.local [hbm:s5], s20  }
0x9e: {  	_ =	swait.ge [sflag:s22], s20  }
0x9f: {  	s4 =	ssub.s32 $0x0, s20;
	[sflag:s22] =	ssyncset.done $0x0  }
0xa0: {  	[sflag:s22] =	ssyncadd.s32 s4;
	_ =	sdelay $0x1  }
0xa1: {  	s23 =	simm.s32 $0x1B8B  }
0xa2: {  	_ =	swait.ge [sflag:s23], $0x1  }
0xa3: {  	[sflag:s23] =	ssyncset.done $0x0  }
0xa4: {  	s25 =	simm.s32 $0x1B8E;
	s24 =	sld [smem:$0x3FFE];
	[sflag:s23] =	ssyncadd.s32 $0xFFFFFFFF  }
0xa5: {  	s26 =	simm.s32 $execute0_lowered;
	[smem:$0x3FD2] =	sst s25  }
0xa6: {  	s5 =	sshll.u32 s26, $0x1;
	_ =	strace $0x80000049;
	[dreg:$0x1] =	wrdreg $0xFFFFFFFF  }
0xa7: {  	s28 =	simm.s32 $_size_execute0_lowered;
	s3 =	sadd.s32 s3, s5;
	[dreg:$0x0] =	wrdreg $0x0  }
0xa8: {  	s5 =	sshll.u32 s28, $0x1;
	[dreg:$0x2] =	wrdreg s3  }
0xa9: {  	[dreg:$0x3] =	wrdreg s5  }
0xaa: {  	[dreg:$0x4] =	wrdreg $0xC0  }
0xab: {  	_ =	task [dreg:s7], $0x5FFFF  }
0xac: {  	[dreg:$0x1] =	wrdreg $0xFFFFFFFF  }
0xad: {  	[dreg:$0x0] =	wrdreg $0x60  }
0xae: {  	[dreg:$0x2] =	wrdreg s24  }
0xaf: {  	[dreg:$0x3] =	wrdreg s2  }
0xb0: {  	[dreg:$0x4] =	wrdreg $0x160000  }
0xb1: {  	[dreg:$0x5] =	wrdreg $0x9  }
0xb2: {  	_ =	task.clear_ibuf [dreg:s7], $0x6FFFF;
	_ =	strace $0x90000049  }
0xb3: {  	s29 =	simm.s32 $0x9;
	_ =	strace $0x8000004B  }
0xb4: {  	_ =	swait.ge [sflag:s29], $0x1  }
0xb5: {  	[sflag:s29] =	ssyncadd.s32 $0xFFFFFFFF  }
0xb6: {  	_ =	strace $0x9000004B  }
0xb7: {  	_ =	sfence  }
0xb8: {  	s30 =	sld [smem:$0x0];
	_ =	sdelay $0x2  }
0xb9: {  	s31 =	sshll.u32 s1, $0xD;
	s1 =	sshrl.u32 s1, $0x2  }
0xba: {  	s3 =	sand.u32 $0x4000, s31;
	s1 =	sadd.s32 s1, s30  }
0xbb: {  	s0 =	sor.u32 s3, s0;
	s1 =	sshll.u32 s1, $0x11  }
0xbc: {  	s0 =	sor.u32 s1, s0  }
0xbd: {  	s0 =	sadd.s32 $0x8F2B, s0  }
0xbe: {  	[sflag:s0] =	ssyncadd.remote.s32 $0x1  }
0xbf: {  	_ =	sfence.sel $0xFFFF  }
0xc0: {  	[dreg:$0x0] =	wrdreg $0xFFFFFFFF;
	(pc) =	sbr.abs _section_cstart, $3  }
0xc1: {  	[dreg:$0x1] =	wrdreg $0xFFFFFFFF  }
0xc2: {  	_ =	task.clear_ibuf [dreg:s7], $0x2FFFF;
	_ =	strace $0x9FFFFFFF  }
0xc3: {  	(tm) =	ssettm $0x7FFFFFFF  }
tec
execute0_lowered:
.L_overlay_start_1:
0x0: {  	(tag) =	ssettag $0x1  }
0x1: {  	s0 =	rddreg [dreg:$0x0]  }
0x2: {  	s6 =	rddreg [dreg:$0x1]  }
0x3: {  	s1 =	rddreg [dreg:$0x2];
	s2 =	simm.s32 $0x0;
	s12 =	stileid.u32  }
0x4: {  	s7 =	srdreg.scid;
	s9 =	simm.s32 $0x0;
	s19 =	simm.s32 $0xE000  }
0x5: {  	s21 =	simm.s32 $0x12000;
	s22 =	simm.s32 $0x1;
	s23 =	simm.s32 $0x2  }
0x6: {  	s28 =	simm.s32 $0x9D80;
	s29 =	simm.s32 $0x20;
	s30 =	simm.s32 $0x0  }
0x7: {  	[smem:$0x7FF] =	sst s2;
	s10 =	smul.u32 $0xA00, s12;
	s3 =	sadd.s32 $0x24400, s0  }
0x8: {  	s11 =	sadd.s32 $0xEC00, s0;
	s13 =	sadd.s32 $0x4C00, s0;
	s14 =	sadd.s32 $0x18E00, s0  }
0x9: {  	s15 =	sadd.s32 $0x18C00, s0;
	s8 =	smul.u32 $0x138, s12;
	p0 =	seq.s32 s12, $0x0  }
0xa: {  	s4 =	sadd.s32 $0x23000, s0;
	s7 =	sand.u32 $0x1, s7;
	s25 =	sshll.u32 s12, $0x2  }
0xb: {  	_ =	strace $0x8000004A;
	s9 =	simm.s32 @!p0 $0x8;
	s17 =	smul.u32 $0x1388, s7  }
0xc: {  	s16 =	ssub.s32 $0x2, s7;
	s26 =	smul.u32 $0x13880, s7;
	p0 =	seq.s32 s7, $0x0  }
0xd: {  	s6 =	sadd.s32 s6, s25;
	s5 =	sadd.s32 s10, s0;
	s0 =	sadd.s32 $0x4B600, s0  }
0xe: {  	s8 =	sadd.s32 s8, s9;
	s24 =	sshrl.u32 s16, $0x1;
	s13 =	smov.u32 @p0 s11  }
0xf: {  	s15 =	smov.u32 @p0 s14;
	p0 =	sne.s32 s12, $0x0;
	s18 =	sshll.u32 s8, $0x7  }
0x10: {  	s9 =	ssub.s32 s16, s24;
	s5 =	sadd.s32 $0x19000, s5;
	s8 =	sadd.s32 s17, s8  }
0x11: {  	s10 =	sadd.s32 s13, s10;
	s11 =	sadd.s32 s15, s25;
	s14 =	sshrl.u32 @!p0 s1, $0x3  }
0x12: {  	s15 =	simm.s32 $0x4;
	s17 =	simm.s32 $0x80;
	s24 =	simm.s32 $0x3  }
0x13: {  	s25 =	simm.s32 $0x9C80;
	s16 =	sadd.s32 s18, s1;
	s31 =	sshll.u32 s8, $0x4  }
0x14: {  	s8 =	sadd.s32 s0, s26;
	s9 =	smax.u32 s9, $0x1;
	s18 =	simm.s32 $0xA000  }
0x15: {  	s26 =	simm.s32 $0x9D00;
	s7 =	sadd.s32 s0, s31;
	s0 =	sshll.u32 @p0 s12, $0x6  }
0x16: {  	s13 =	sshrl.u32 @p0 s16, $0x3;
	s16 =	simm.s32 $0x5000;
	s12 =	sor.u32 @p0 $0x1C04, s0  }
.LBB2_1:
0x17: {  	[spmem:s13], [sflag:s12] =	dma.local @p0 [hbm:s4], $0x1380  }
0x18: {  	s0 =	simm.s32 @p0 $0x4  }
0x19: {  	_ =	swait.ge @p0 [sflag:s0], $0x1380  }
0x1a: {  	[sflag:s0] =	ssyncset.done @p0 $0x0  }
0x1b: {  	[sflag:s0] =	ssyncadd.s32 @p0 $0xFFFFEC80;
	s0 =	simm.s32 @!p0 $0x1C04  }
0x1c: {  	[spmem:s14], [sflag:s0] =	dma.local @!p0 [hbm:s4], $0x1400  }
0x1d: {  	s0 =	simm.s32 @!p0 $0x4  }
0x1e: {  	_ =	swait.ge @!p0 [sflag:s0], $0x1400  }
0x1f: {  	[sflag:s0] =	ssyncset.done @!p0 $0x0  }
0x20: {  	[sflag:s0] =	ssyncadd.s32 @!p0 $0xFFFFEC00  }
0x21: {  	[tilespmem:s2], [sflag:$0x4] =	stream.linear.gather [hbm4b:s5+s2], $0x4E00, $0x38;
	[tilespmem:$0x1FCC0] =	vst v63  }
0x22: {  	_ =	swait.ge [sflag:s15], $0x4E00  }
0x23: {  	[sflag:s15] =	ssyncset.done $0x0  }
0x24: {  	[sflag:s15] =	ssyncadd.s32 $0xFFFFB200  }
0x25: {  	[tilespmem:s16], [sflag:$0x4] =	stream.linear.gather [hbm4b:s10+s2], $0x4E00, $0x38;
	[tilespmem:$0x1FCC0] =	vst v63  }
0x26: {  	_ =	swait.ge [sflag:s15], $0x4E00  }
0x27: {  	[sflag:s15] =	ssyncset.done $0x0  }
0x28: {  	[sflag:s15] =	ssyncadd.s32 $0xFFFFB200  }
0x29: {  	[bflag:$0x0] =	sbarrier.arrive $0xFFFF  }
0x2a: {  	[tilespmem:s18], [sflag:$0x1] =	stream.indirect.gather [hbm4b:s3+s17], $0x80, s2, s17, $0xb8;
	[tilespmem:$0x1FCC0] =	vst v63  }
0x2b: {  	_ = 	snop  }
0x2c: {  	[tilespmem:s19], [sflag:$0x2] =	stream.indirect.gather [hbm4b:s3+s17], $0x80, s17, s17, $0xb8;
	[tilespmem:$0x1FCC0] =	vst v63  }
0x2d: {  	s20 =	simm.s32 $0x100  }
0x2e: {  	[tilespmem:s21], [sflag:$0x3] =	stream.indirect.gather [hbm4b:s3+s17], $0x80, s20, s17, $0xb8;
	[tilespmem:$0x1FCC0] =	vst v63  }
0x2f: {  	_ =	swait.ge [sflag:s22], $0x4000  }
0x30: {  	[sflag:s22] =	ssyncset.done $0x0  }
0x31: {  	s20 =	simm.s32 $0x5000;
	[sflag:s22] =	ssyncadd.s32 $0xFFFFC000  }
0x32: {  	[spmem:s1] =	stream.indirect.scatter.add.f32 [tilespmem:s18], [sflag:$0x4], $0x80, s20, s17, $0xb8;
	[tilespmem:$0x1FCC0] =	vst v63  }
0x33: {  	_ =	swait.ge [sflag:s15], $0x4000  }
0x34: {  	[sflag:s15] =	ssyncset.done $0x0  }
0x35: {  	[sflag:s15] =	ssyncadd.s32 $0xFFFFC000  }
0x36: {  	s20 =	simm.s32 $0x180;
	[bflag:$0x0] =	sbarrier.arrive $0xFFFF  }
0x37: {  	[tilespmem:s18], [sflag:$0x1] =	stream.indirect.gather [hbm4b:s3+s17], $0x80, s20, s17, $0xb8;
	[tilespmem:$0x1FCC0] =	vst v63  }
0x38: {  	_ =	swait.ge [sflag:s23], $0x4000  }
0x39: {  	[sflag:s23] =	ssyncset.done $0x0  }
0x3a: {  	s20 =	simm.s32 $0x5080;
	[sflag:s23] =	ssyncadd.s32 $0xFFFFC000  }
0x3b: {  	[spmem:s1] =	stream.indirect.scatter.add.f32 [tilespmem:s19], [sflag:$0x4], $0x80, s20, s17, $0xb8;
	[tilespmem:$0x1FCC0] =	vst v63  }
0x3c: {  	_ =	swait.ge [sflag:s15], $0x4000  }
0x3d: {  	[sflag:s15] =	ssyncset.done $0x0  }
0x3e: {  	[sflag:s15] =	ssyncadd.s32 $0xFFFFC000  }
0x3f: {  	s20 =	simm.s32 $0x200;
	[bflag:$0x0] =	sbarrier.arrive $0xFFFF  }
0x40: {  	[tilespmem:s19], [sflag:$0x2] =	stream.indirect.gather [hbm4b:s3+s17], $0x80, s20, s17, $0xb8;
	[tilespmem:$0x1FCC0] =	vst v63  }
0x41: {  	_ =	swait.ge [sflag:s24], $0x4000  }
0x42: {  	[sflag:s24] =	ssyncset.done $0x0  }
0x43: {  	s20 =	simm.s32 $0x5100;
	[sflag:s24] =	ssyncadd.s32 $0xFFFFC000  }
0x44: {  	[spmem:s1] =	stream.indirect.scatter.add.f32 [tilespmem:s21], [sflag:$0x4], $0x80, s20, s17, $0xb8;
	[tilespmem:$0x1FCC0] =	vst v63  }
0x45: {  	_ =	swait.ge [sflag:s15], $0x4000  }
0x46: {  	[sflag:s15] =	ssyncset.done $0x0  }
0x47: {  	[sflag:s15] =	ssyncadd.s32 $0xFFFFC000  }
0x48: {  	s31 =	simm.s32 $0x600;
	s0 =	simm.s32 $0x280;
	[bflag:$0x0] =	sbarrier.arrive $0xFFFF  }
.LBB2_2:
0x49: {  	[tilespmem:s21], [sflag:$0x3] =	stream.indirect.gather [hbm4b:s3+s17], $0x80, s0, s17, $0xb8;
	[tilespmem:$0x1FCC0] =	vst v63  }
0x4a: {  	p1 =	sne.s32 s31, $0x12C00;
	s0 =	smov.u32 s31;
	s31 =	sadd.s32 $0x600, s31  }
0x4b: {  	_ =	swait.ge [sflag:s22], $0x4000  }
0x4c: {  	s0 =	sshra.s32 s0, $0x2;
	[sflag:s22] =	ssyncset.done $0x0  }
0x4d: {  	s20 =	sadd.s32 $0x5000, s0;
	[sflag:s22] =	ssyncadd.s32 $0xFFFFC000  }
0x4e: {  	[spmem:s1] =	stream.indirect.scatter.add.f32 [tilespmem:s18], [sflag:$0x4], $0x80, s20, s17, $0xb8;
	[tilespmem:$0x1FCC0] =	vst v63  }
0x4f: {  	_ =	swait.ge [sflag:s15], $0x4000  }
0x50: {  	[sflag:s15] =	ssyncset.done $0x0  }
0x51: {  	[sflag:s15] =	ssyncadd.s32 $0xFFFFC000  }
0x52: {  	s20 =	sadd.s32 $0x180, s0;
	[bflag:$0x0] =	sbarrier.arrive $0xFFFF  }
0x53: {  	[tilespmem:s18], [sflag:$0x1] =	stream.indirect.gather [hbm4b:s3+s17], $0x80, s20, s17, $0xb8;
	[tilespmem:$0x1FCC0] =	vst v63  }
0x54: {  	_ =	swait.ge [sflag:s23], $0x4000  }
0x55: {  	[sflag:s23] =	ssyncset.done $0x0  }
0x56: {  	s20 =	sadd.s32 $0x5080, s0;
	[sflag:s23] =	ssyncadd.s32 $0xFFFFC000  }
0x57: {  	[spmem:s1] =	stream.indirect.scatter.add.f32 [tilespmem:s19], [sflag:$0x4], $0x80, s20, s17, $0xb8;
	[tilespmem:$0x1FCC0] =	vst v63  }
0x58: {  	_ =	swait.ge [sflag:s15], $0x4000  }
0x59: {  	[sflag:s15] =	ssyncset.done $0x0  }
0x5a: {  	[sflag:s15] =	ssyncadd.s32 $0xFFFFC000  }
0x5b: {  	s20 =	sadd.s32 $0x200, s0;
	[bflag:$0x0] =	sbarrier.arrive $0xFFFF  }
0x5c: {  	[tilespmem:s19], [sflag:$0x2] =	stream.indirect.gather [hbm4b:s3+s17], $0x80, s20, s17, $0xb8;
	[tilespmem:$0x1FCC0] =	vst v63  }
0x5d: {  	_ =	swait.ge [sflag:s24], $0x4000  }
0x5e: {  	[sflag:s24] =	ssyncset.done $0x0  }
0x5f: {  	s20 =	sadd.s32 $0x5100, s0;
	[sflag:s24] =	ssyncadd.s32 $0xFFFFC000  }
0x60: {  	[spmem:s1] =	stream.indirect.scatter.add.f32 [tilespmem:s21], [sflag:$0x4], $0x80, s20, s17, $0xb8;
	[tilespmem:$0x1FCC0] =	vst v63  }
.Ltmp0:
0x61: {  	_ =	swait.ge [sflag:s15], $0x4000;
	(pc) =	sbr.rel @p1 .LBB2_2-.Ltmp0, $4  }
0x62: {  	[sflag:s15] =	ssyncset.done $0x0  }
0x63: {  	[sflag:s15] =	ssyncadd.s32 $0xFFFFC000  }
0x64: {  	[bflag:$0x0] =	sbarrier.arrive $0xFFFF  }
0x65: {  	s0 =	sadd.s32 $0x280, s0  }
0x66: {  	[tilespmem:s21], [sflag:$0x3] =	stream.indirect.gather [hbm4b:s3+s17], $0x80, s0, s17, $0xb8;
	[tilespmem:$0x1FCC0] =	vst v63  }
0x67: {  	_ =	swait.ge [sflag:s22], $0x4000  }
0x68: {  	[sflag:s22] =	ssyncset.done $0x0  }
0x69: {  	[sflag:s22] =	ssyncadd.s32 $0xFFFFC000  }
0x6a: {  	[spmem:s1] =	stream.indirect.scatter.add.f32 [tilespmem:s18], [sflag:$0x4], $0x80, s25, s17, $0xb8;
	[tilespmem:$0x1FCC0] =	vst v63  }
0x6b: {  	_ =	swait.ge [sflag:s15], $0x4000  }
0x6c: {  	[sflag:s15] =	ssyncset.done $0x0  }
0x6d: {  	[sflag:s15] =	ssyncadd.s32 $0xFFFFC000  }
0x6e: {  	[bflag:$0x0] =	sbarrier.arrive $0xFFFF  }
0x6f: {  	_ =	swait.ge [sflag:s23], $0x4000  }
0x70: {  	[sflag:s23] =	ssyncset.done $0x0  }
0x71: {  	[sflag:s23] =	ssyncadd.s32 $0xFFFFC000  }
0x72: {  	[spmem:s1] =	stream.indirect.scatter.add.f32 [tilespmem:s19], [sflag:$0x4], $0x80, s26, s17, $0xb8;
	[tilespmem:$0x1FCC0] =	vst v63  }
0x73: {  	_ =	swait.ge [sflag:s15], $0x4000  }
0x74: {  	[sflag:s15] =	ssyncset.done $0x0  }
0x75: {  	[sflag:s15] =	ssyncadd.s32 $0xFFFFC000  }
0x76: {  	[bflag:$0x0] =	sbarrier.arrive $0xFFFF  }
0x77: {  	_ =	swait.ge [sflag:s24], $0x4000  }
0x78: {  	[sflag:s24] =	ssyncset.done $0x0  }
0x79: {  	[sflag:s24] =	ssyncadd.s32 $0xFFFFC000  }
0x7a: {  	[spmem:s1] =	stream.indirect.scatter.add.f32 [tilespmem:s21], [sflag:$0x4], $0x80, s28, s17, $0xb8;
	[tilespmem:$0x1FCC0] =	vst v63  }
0x7b: {  	_ =	swait.ge [sflag:s15], $0x4000  }
0x7c: {  	[sflag:s15] =	ssyncset.done $0x0  }
0x7d: {  	[sflag:s15] =	ssyncadd.s32 $0xFFFFC000  }
0x7e: {  	[bflag:$0x0] =	sbarrier.arrive $0xFFFF  }
0x7f: {  	[tilespmem:s2], [sflag:$0x4] =	stream.linear.gather [hbm4b:s6+s2], $0x20, $0x38;
	[tilespmem:$0x1FCC0] =	vst v63  }
0x80: {  	_ =	swait.ge [sflag:s15], $0x20  }
0x81: {  	[sflag:s15] =	ssyncset.done $0x0  }
0x82: {  	[sflag:s15] =	ssyncadd.s32 $0xFFFFFFE0  }
0x83: {  	[tilespmem:s16], [sflag:$0x4] =	stream.linear.gather [hbm4b:s11+s2], $0x20, $0x38;
	[tilespmem:$0x1FCC0] =	vst v63  }
0x84: {  	_ =	swait.ge [sflag:s15], $0x20  }
0x85: {  	[sflag:s15] =	ssyncset.done $0x0  }
0x86: {  	[sflag:s15] =	ssyncadd.s32 $0xFFFFFFE0  }
0x87: {  	[tilespmem:s18], [sflag:$0x1] =	stream.indirect.gather [hbm4b:s3+s29], $0x80, s2, s29, $0xb8;
	[tilespmem:$0x1FCC0] =	vst v63  }
0x88: {  	_ =	swait.ge [sflag:s22], $0x1000  }
0x89: {  	[sflag:s22] =	ssyncset.done $0x0  }
0x8a: {  	[sflag:s22] =	ssyncadd.s32 $0xFFFFF000  }
0x8b: {  	[spmem:s1] =	stream.indirect.scatter.add.f32 [tilespmem:s18], [sflag:$0x4], $0x80, s16, s29, $0xb8;
	[tilespmem:$0x1FCC0] =	vst v63  }
0x8c: {  	_ =	swait.ge [sflag:s15], $0x1000  }
0x8d: {  	[sflag:s15] =	ssyncset.done $0x0  }
0x8e: {  	[sflag:s15] =	ssyncadd.s32 $0xFFFFF000  }
0x8f: {  	s0 =	simm.s32 @p0 $0x4;
	[bflag:$0x0] =	sbarrier.arrive $0xFFFF  }
0x90: {  	[hbm:s7], [sflag:s12] =	dma.local @p0 [spmem:s13], $0x1380  }
0x91: {  	_ =	swait.ge @p0 [sflag:s0], $0x1380  }
0x92: {  	s30 =	sadd.s32 $0x1, s30;
	[sflag:s0] =	ssyncset.done @p0 $0x0  }
0x93: {  	p1 =	sne.s32 s30, s9;
	[sflag:s0] =	ssyncadd.s32 @p0 $0xFFFFEC80;
	s0 =	simm.s32 @!p0 $0x1C04  }
0x94: {  	[hbm:s8], [sflag:s0] =	dma.local @!p0 [spmem:s14], $0x1400  }
.Ltmp1:
0x95: {  	_ = 	snop;
	(pc) =	sbr.rel @p1 .LBB2_1-.Ltmp1, $4  }
0x96: {  	s0 =	simm.s32 @!p0 $0x4  }
0x97: {  	_ =	swait.ge @!p0 [sflag:s0], $0x1400  }
0x98: {  	[sflag:s0] =	ssyncset.done @!p0 $0x0  }
0x99: {  	[sflag:s0] =	ssyncadd.s32 @!p0 $0xFFFFEC00  }
0x9a: {  	_ =	sfence.sel $0x180000  }
0x9b: {  	[bflag:$0x0] =	sbarrier.arrive $0xFFFF  }
0x9c: {  	_ =	strace $0x9000004A  }
0x9d: {  	[bflag:$0x2] =	sbarrier.arrive $0xFFFF  }
0x9e: {  	s0 =	rddreg [dreg:$0x3]  }
0x9f: {  	s0 =	sadd.s32 @!p0 $0x100000, s0  }
0xa0: {  	[sflag:s0] =	ssyncadd.tile.s32 @!p0 $0x1;
	_ =	shalt  }
.Lfunc_end2:
_tile_overlayer_lowered:
.L_overlay_start_2:
0xa1: {  	(tag) =	ssettag $0x2  }
0xa2: {  	s0 =	rddreg [dreg:$0x0];
	s2 =	stileid.u32  }
0xa3: {  	s1 =	rddreg [dreg:$0x1];
	p0 =	sne.s32 s2, $0x0  }
0xa4: {  	s3 =	rddreg [dreg:$0x2];
	[bflag:$0x3] =	sbarrier.arrive $0xFFFF;
	s2 =	simm.s32 @!p0 $0x1C04  }
0xa5: {  	[timem:s3], [sflag:s2] =	dma.local @!p0 [hbm:s0], s1  }
0xa6: {  	s0 =	simm.s32 @!p0 $0x4  }
0xa7: {  	_ =	swait.ge @!p0 [sflag:s0], s1  }
0xa8: {  	s1 =	ssub.s32 @!p0 $0x0, s1;
	[sflag:s0] =	ssyncset.done @!p0 $0x0  }
0xa9: {  	[sflag:s0] =	ssyncadd.s32 @!p0 s1  }
0xaa: {  	[bflag:$0x3] =	sbarrier.arrive $0xFFFF  }
0xab: {  	_ =	shalt  }

// kernel: kernel.14.cloned.1.call-start
scs
__scs_entry_jumppad:
0x0: {  	(pc) =	sbr.rel $0x88, $3  }
0x1: {  	(tag) =	ssettag $0x0;
	lr =	simm.s32 $0x1  }
0x2: {  	[smem:$0x3F8A] =	sst lr;
	_ =	strace $0xD0000000  }
0x3: {  	_ = 	snop  }
0x4: {  	_ = 	snop  }
0x5: {  	_ = 	snop  }
0x6: {  	_ = 	snop  }
0x7: {  	_ = 	snop  }
__scs_overlays_trampoline_lowered:
0x8: {  	[smem:$0x3F99] =	sst s0  }
0x9: {  	[smem:$0x3F9A] =	sst s1  }
0xa: {  	[smem:$0x3F9B] =	sst s2  }
0xb: {  	[smem:$0x3F9C] =	sst s3  }
0xc: {  	[smem:$0x3F9D] =	sst s4  }
0xd: {  	[smem:$0x3F9E] =	sst s5  }
0xe: {  	[smem:$0x3F9F] =	sst s6  }
0xf: {  	[smem:$0x3FA0] =	sst s7  }
0x10: {  	[smem:$0x3FA1] =	sst s8  }
0x11: {  	[smem:$0x3FA2] =	sst s9;
	s0 =	simm.s32 @!p0 $0x0  }
0x12: {  	s1 =	sld [smem:$0x3F88];
	s0 =	simm.s32 @p0 $0x1  }
0x13: {  	[smem:$0x3FA3] =	sst s0;
	s0 =	simm.s32 @!p1 $0x0  }
0x14: {  	s2 =	sld [smem:$0x3F87];
	s0 =	simm.s32 @p1 $0x1  }
0x15: {  	[smem:$0x3FA4] =	sst s0;
	s0 =	simm.s32 @!p2 $0x0  }
0x16: {  	s3 =	sld [smem:$0x3FDB];
	s0 =	simm.s32 @p2 $0x1  }
0x17: {  	s4 =	simm.s32 $0x1BF5;
	[smem:$0x3FA6] =	sst s0  }
0x18: {  	s0 =	sld [smem:$0x3F89];
	_ =	swait.ge [sflag:s4], $0x0  }
0x19: {  	s7 =	sld [smem:$0x3F8A]  }
0x1a: {  	s8 =	sadd.s32 $0xFFFFE003, lr  }
0x1b: {  	s9 =	sadd.s32 $0xFFFFFEF7, lr;
	s5 =	simm.s32 $0xFFFFFFFF;
	p2 =	slt.u32 s8, $0xFFFFF086  }
0x1c: {  	p1 =	slt.u32 s9, $0xF7A;
	s5 =	simm.s32 @!p2 $0x0  }
0x1d: {  	s5 =	simm.s32 @p1 $0x1;
	p0 =	seq.s32 s7, s2  }
0x1e: {  	s7 =	smul.u32 @!p0 $0xF7A, s2;
	p2 =	seq.s32 @!p0 s5, $0x0  }
0x1f: {  	s9 =	smul.u32 $0xF7A, s1;
	s8 =	simm.s32 @!p0 $0x1BF5;
	p2 =	por !p2, p0  }
0x20: {  	[sflag:s8] =	ssyncset.s32 @!p0 $0xFFFFF086;
	s6 =	sadd.s32 @!p0 s3, s7;
	s7 =	simm.s32 @!p0 $0x108  }
0x21: {  	s3 =	sadd.s32 s3, s9;
	s6 =	sadd.s32 @!p0 $0x88, s6;
	s7 =	simm.s32 @p2 $0x1082  }
0x22: {  	[simem:s7], [sflag:s8] =	dma.local @!p0 [hbm:s6], $0xF7A  }
0x23: {  	s9 =	sor.u32 $0xD0000000, s2;
	s6 =	simm.s32 $0x108;
	_ =	swait.ge @!p0 [sflag:s8], $0x0  }
0x24: {  	s3 =	sadd.s32 $0x88, s3;
	s6 =	simm.s32 @!p1 $0x1082;
	[sflag:s4] =	ssyncset.s32 $0xFFFFF086  }
0x25: {  	[simem:s6], [sflag:s4] =	dma.local [hbm:s3], $0xF7A  }
0x26: {  	[smem:$0x3F8A] =	sst s1;
	(tag) =	ssettag s2;
	_ =	strace s9  }
0x27: {  	s1 =	sld [smem:$0x3F9A]  }
0x28: {  	s2 =	sld [smem:$0x3F9B]  }
0x29: {  	s4 =	sld [smem:$0x3F9D]  }
0x2a: {  	p0 =	seq.s32 s5, $0x0;
	s5 =	sld [smem:$0x3F9E]  }
0x2b: {  	s6 =	sld [smem:$0x3F9F]  }
0x2c: {  	s7 =	sld [smem:$0x3FA0]  }
0x2d: {  	s3 =	simm.s32 $0x108;
	s8 =	sld [smem:$0x3FA1]  }
0x2e: {  	s3 =	simm.s32 @!p0 $0x1082;
	s9 =	sld [smem:$0x3FA2]  }
0x2f: {  	lr =	sadd.s32 s0, s3;
	s0 =	sld [smem:$0x3F99]  }
0x30: {  	s3 =	sld [smem:$0x3F9C]  }
0x31: {  	[smem:$0x3FA5] =	sst s10  }
0x32: {  	s10 =	sld [smem:$0x3FA3];
	_ =	sdelay $0x3  }
0x33: {  	p0 =	seq.s32 s10, $0x1;
	s10 =	sld [smem:$0x3FA5];
	_ =	sdelay $0x3  }
0x34: {  	[smem:$0x3FA5] =	sst s10  }
0x35: {  	s10 =	sld [smem:$0x3FA4];
	_ =	sdelay $0x3  }
0x36: {  	p1 =	seq.s32 s10, $0x1;
	s10 =	sld [smem:$0x3FA5];
	_ =	sdelay $0x3  }
0x37: {  	[smem:$0x3FA5] =	sst s10  }
0x38: {  	s10 =	sld [smem:$0x3FA6]  }
0x39: {  	_ = 	snop;
	(pc) =	sbr.ind lr, $3  }
0x3a: {  	_ = 	snop  }
0x3b: {  	_ = 	snop  }
0x3c: {  	p2 =	seq.s32 s10, $0x1;
	s10 =	sld [smem:$0x3FA5]  }
0x3d: {  	_ =	shalt  }
0x3e: {  	_ =	shalt  }
0x3f: {  	_ =	shalt  }
0x40: {  	_ =	shalt  }
0x41: {  	_ =	shalt  }
0x42: {  	_ =	shalt  }
0x43: {  	_ =	shalt  }
0x44: {  	_ =	shalt  }
0x45: {  	_ =	shalt  }
0x46: {  	_ =	shalt  }
0x47: {  	_ =	shalt  }
0x48: {  	_ =	shalt  }
0x49: {  	_ =	shalt  }
0x4a: {  	_ =	shalt  }
0x4b: {  	_ =	shalt  }
0x4c: {  	_ =	shalt  }
0x4d: {  	_ =	shalt  }
0x4e: {  	_ =	shalt  }
0x4f: {  	_ =	shalt  }
0x50: {  	_ =	shalt  }
0x51: {  	_ =	shalt  }
0x52: {  	_ =	shalt  }
0x53: {  	_ =	shalt  }
0x54: {  	_ =	shalt  }
0x55: {  	_ =	shalt  }
0x56: {  	_ =	shalt  }
0x57: {  	_ =	shalt  }
0x58: {  	_ =	shalt  }
0x59: {  	_ =	shalt  }
0x5a: {  	_ =	shalt  }
0x5b: {  	_ =	shalt  }
0x5c: {  	_ =	shalt  }
0x5d: {  	_ =	shalt  }
0x5e: {  	_ =	shalt  }
0x5f: {  	_ =	shalt  }
0x60: {  	_ =	shalt  }
0x61: {  	_ =	shalt  }
0x62: {  	_ =	shalt  }
0x63: {  	_ =	shalt  }
0x64: {  	_ =	shalt  }
0x65: {  	_ =	shalt  }
0x66: {  	_ =	shalt  }
0x67: {  	_ =	shalt  }
0x68: {  	_ =	shalt  }
0x69: {  	_ =	shalt  }
0x6a: {  	_ =	shalt  }
0x6b: {  	_ =	shalt  }
0x6c: {  	_ =	shalt  }
0x6d: {  	_ =	shalt  }
0x6e: {  	_ =	shalt  }
0x6f: {  	_ =	shalt  }
0x70: {  	_ =	shalt  }
0x71: {  	_ =	shalt  }
0x72: {  	_ =	shalt  }
0x73: {  	_ =	shalt  }
0x74: {  	_ =	shalt  }
0x75: {  	_ =	shalt  }
0x76: {  	_ =	shalt  }
0x77: {  	_ =	shalt  }
0x78: {  	_ =	shalt  }
0x79: {  	_ =	shalt  }
0x7a: {  	_ =	shalt  }
0x7b: {  	_ =	shalt  }
0x7c: {  	_ =	shalt  }
0x7d: {  	_ =	shalt  }
0x7e: {  	_ =	shalt  }
0x7f: {  	_ =	shalt  }
0x80: {  	_ =	shalt  }
0x81: {  	_ =	shalt  }
0x82: {  	_ =	shalt  }
0x83: {  	_ =	shalt  }
0x84: {  	_ =	shalt  }
0x85: {  	_ =	shalt  }
0x86: {  	_ =	shalt  }
0x87: {  	_ =	shalt  }
.Lfunc_end0:
.L_simem_size_0:
called_computation.2_lowered:
.L_overlay_start_0:
0x88: {  	s2 =	sld [smem:$0x3FD9]  }
0x89: {  	s3 =	sld [smem:$0x3FFE];
	_ =	sdelay $0x1  }
0x8a: {  	s1 =	srdreg.scid  }
0x8b: {  	s0 =	sand.u32 $0x1, s1  }
0x8c: {  	s17 =	sshll.u32 s0, $0xA;
	s2 =	sadd.s32 s3, s2  }
0x8d: {  	s2 =	sadd.s32 s2, s17  }
0x8e: {  	[smem:$0x3FB1] =	sst s2  }
0x8f: {  	_ = 	snop  }
0x90: {  	s2 =	sld [smem:$0x3FD0];
	(tm) =	ssettm $0x1  }
0x91: {  	s18 =	sld [smem:$0x3FFB];
	_ =	sdelay $0x3  }
0x92: {  	_ =	strace s18  }
0x93: {  	s3 =	sld [smem:$0x3FFC];
	_ =	sdelay $0x3  }
0x94: {  	_ =	strace s3  }
0x95: {  	s3 =	sld [smem:$0x3FFD];
	_ =	sdelay $0x3  }
0x96: {  	_ =	strace s3  }
0x97: {  	_ =	strace $0x8FFFFFFF  }
0x98: {  	s19 =	sld [smem:$0x3FDB];
	_ =	sdelay $0x1  }
0x99: {  	s4 =	simm.s32 $_scs_section_size  }
0x9a: {  	s5 =	simm.s32 $_size__tile_overlayer_lowered;
	s6 =	simm.s32 $_tile_overlayer_lowered  }
0x9b: {  	s22 =	simm.s32 $0x1BFF;
	s21 =	sshll.u32 s6, $0x1;
	s3 =	sadd.s32 s4, s19  }
0x9c: {  	s7 =	simm.s32 $0x0;
	s20 =	sshll.u32 s5, $0x1;
	s5 =	sadd.s32 s21, s3  }
0x9d: {  	[timem:s7], [sflag:s22] =	dma.local [hbm:s5], s20  }
0x9e: {  	_ =	swait.ge [sflag:s22], s20  }
0x9f: {  	s4 =	ssub.s32 $0x0, s20;
	[sflag:s22] =	ssyncset.done $0x0  }
0xa0: {  	[sflag:s22] =	ssyncadd.s32 s4;
	_ =	sdelay $0x1  }
0xa1: {  	s23 =	simm.s32 $0x1B8B  }
0xa2: {  	_ =	swait.ge [sflag:s23], $0x1  }
0xa3: {  	[sflag:s23] =	ssyncset.done $0x0  }
0xa4: {  	s25 =	simm.s32 $0x1B8E;
	s24 =	sld [smem:$0x3FFE];
	[sflag:s23] =	ssyncadd.s32 $0xFFFFFFFF  }
0xa5: {  	s26 =	simm.s32 $execute0_lowered;
	[smem:$0x3FD2] =	sst s25  }
0xa6: {  	s5 =	sshll.u32 s26, $0x1;
	_ =	strace $0x8000004C;
	[dreg:$0x1] =	wrdreg $0xFFFFFFFF  }
0xa7: {  	s28 =	simm.s32 $_size_execute0_lowered;
	s3 =	sadd.s32 s3, s5;
	[dreg:$0x0] =	wrdreg $0x0  }
0xa8: {  	s5 =	sshll.u32 s28, $0x1;
	[dreg:$0x2] =	wrdreg s3  }
0xa9: {  	[dreg:$0x3] =	wrdreg s5  }
0xaa: {  	[dreg:$0x4] =	wrdreg $0xC0  }
0xab: {  	_ =	task [dreg:s7], $0x5FFFF  }
0xac: {  	[dreg:$0x1] =	wrdreg $0xFFFFFFFF  }
0xad: {  	[dreg:$0x0] =	wrdreg $0x60  }
0xae: {  	[dreg:$0x2] =	wrdreg s24  }
0xaf: {  	[dreg:$0x3] =	wrdreg s2  }
0xb0: {  	[dreg:$0x4] =	wrdreg $0x160000  }
0xb1: {  	[dreg:$0x5] =	wrdreg $0x9  }
0xb2: {  	_ =	task.clear_ibuf [dreg:s7], $0x6FFFF;
	_ =	strace $0x9000004C  }
0xb3: {  	s29 =	simm.s32 $0x9;
	_ =	strace $0x8000004E  }
0xb4: {  	_ =	swait.ge [sflag:s29], $0x1  }
0xb5: {  	[sflag:s29] =	ssyncadd.s32 $0xFFFFFFFF  }
0xb6: {  	_ =	strace $0x9000004E  }
0xb7: {  	_ =	sfence  }
0xb8: {  	s30 =	sld [smem:$0x0];
	_ =	sdelay $0x2  }
0xb9: {  	s31 =	sshll.u32 s1, $0xD;
	s1 =	sshrl.u32 s1, $0x2  }
0xba: {  	s3 =	sand.u32 $0x4000, s31;
	s1 =	sadd.s32 s1, s30  }
0xbb: {  	s0 =	sor.u32 s3, s0;
	s1 =	sshll.u32 s1, $0x11  }
0xbc: {  	s0 =	sor.u32 s1, s0  }
0xbd: {  	s0 =	sadd.s32 $0x8F2B, s0  }
0xbe: {  	[sflag:s0] =	ssyncadd.remote.s32 $0x1  }
0xbf: {  	_ =	sfence.sel $0xFFFF  }
0xc0: {  	[dreg:$0x0] =	wrdreg $0xFFFFFFFF;
	(pc) =	sbr.abs _section_cstart, $3  }
0xc1: {  	[dreg:$0x1] =	wrdreg $0xFFFFFFFF  }
0xc2: {  	_ =	task.clear_ibuf [dreg:s7], $0x2FFFF;
	_ =	strace $0x9FFFFFFF  }
0xc3: {  	(tm) =	ssettm $0x7FFFFFFF  }
tec
execute0_lowered:
.L_overlay_start_1:
0x0: {  	(tag) =	ssettag $0x1  }
0x1: {  	s0 =	rddreg [dreg:$0x0]  }
0x2: {  	s6 =	rddreg [dreg:$0x1]  }
0x3: {  	s1 =	rddreg [dreg:$0x2];
	s2 =	simm.s32 $0x0;
	s12 =	stileid.u32  }
0x4: {  	s7 =	srdreg.scid;
	s9 =	simm.s32 $0x0;
	s19 =	simm.s32 $0xE000  }
0x5: {  	s21 =	simm.s32 $0x12000;
	s22 =	simm.s32 $0x1;
	s23 =	simm.s32 $0x2  }
0x6: {  	s28 =	simm.s32 $0x9D80;
	s29 =	simm.s32 $0x20;
	s30 =	simm.s32 $0x0  }
0x7: {  	[smem:$0x7FF] =	sst s2;
	s10 =	smul.u32 $0xA00, s12;
	s3 =	sadd.s32 $0x24400, s0  }
0x8: {  	s11 =	sadd.s32 $0xEC00, s0;
	s13 =	sadd.s32 $0x4C00, s0;
	s14 =	sadd.s32 $0x18E00, s0  }
0x9: {  	s15 =	sadd.s32 $0x18C00, s0;
	s8 =	smul.u32 $0x138, s12;
	p0 =	seq.s32 s12, $0x0  }
0xa: {  	s4 =	sadd.s32 $0x23000, s0;
	s7 =	sand.u32 $0x1, s7;
	s25 =	sshll.u32 s12, $0x2  }
0xb: {  	_ =	strace $0x8000004D;
	s9 =	simm.s32 @!p0 $0x8;
	s17 =	smul.u32 $0x1388, s7  }
0xc: {  	s16 =	ssub.s32 $0x2, s7;
	s26 =	smul.u32 $0x13880, s7;
	p0 =	seq.s32 s7, $0x0  }
0xd: {  	s6 =	sadd.s32 s6, s25;
	s5 =	sadd.s32 s10, s0;
	s0 =	sadd.s32 $0x4B600, s0  }
0xe: {  	s8 =	sadd.s32 s8, s9;
	s24 =	sshrl.u32 s16, $0x1;
	s13 =	smov.u32 @p0 s11  }
0xf: {  	s15 =	smov.u32 @p0 s14;
	p0 =	sne.s32 s12, $0x0;
	s18 =	sshll.u32 s8, $0x7  }
0x10: {  	s9 =	ssub.s32 s16, s24;
	s5 =	sadd.s32 $0x19000, s5;
	s8 =	sadd.s32 s17, s8  }
0x11: {  	s10 =	sadd.s32 s13, s10;
	s11 =	sadd.s32 s15, s25;
	s14 =	sshrl.u32 @!p0 s1, $0x3  }
0x12: {  	s15 =	simm.s32 $0x4;
	s17 =	simm.s32 $0x80;
	s24 =	simm.s32 $0x3  }
0x13: {  	s25 =	simm.s32 $0x9C80;
	s16 =	sadd.s32 s18, s1;
	s31 =	sshll.u32 s8, $0x4  }
0x14: {  	s8 =	sadd.s32 s0, s26;
	s9 =	smax.u32 s9, $0x1;
	s18 =	simm.s32 $0xA000  }
0x15: {  	s26 =	simm.s32 $0x9D00;
	s7 =	sadd.s32 s0, s31;
	s0 =	sshll.u32 @p0 s12, $0x6  }
0x16: {  	s13 =	sshrl.u32 @p0 s16, $0x3;
	s16 =	simm.s32 $0x5000;
	s12 =	sor.u32 @p0 $0x1C04, s0  }
.LBB2_1:
0x17: {  	[spmem:s13], [sflag:s12] =	dma.local @p0 [hbm:s4], $0x1380  }
0x18: {  	s0 =	simm.s32 @p0 $0x4  }
0x19: {  	_ =	swait.ge @p0 [sflag:s0], $0x1380  }
0x1a: {  	[sflag:s0] =	ssyncset.done @p0 $0x0  }
0x1b: {  	[sflag:s0] =	ssyncadd.s32 @p0 $0xFFFFEC80;
	s0 =	simm.s32 @!p0 $0x1C04  }
0x1c: {  	[spmem:s14], [sflag:s0] =	dma.local @!p0 [hbm:s4], $0x1400  }
0x1d: {  	s0 =	simm.s32 @!p0 $0x4  }
0x1e: {  	_ =	swait.ge @!p0 [sflag:s0], $0x1400  }
0x1f: {  	[sflag:s0] =	ssyncset.done @!p0 $0x0  }
0x20: {  	[sflag:s0] =	ssyncadd.s32 @!p0 $0xFFFFEC00  }
0x21: {  	[tilespmem:s2], [sflag:$0x4] =	stream.linear.gather [hbm4b:s5+s2], $0x4E00, $0x38;
	[tilespmem:$0x1FCC0] =	vst v63  }
0x22: {  	_ =	swait.ge [sflag:s15], $0x4E00  }
0x23: {  	[sflag:s15] =	ssyncset.done $0x0  }
0x24: {  	[sflag:s15] =	ssyncadd.s32 $0xFFFFB200  }
0x25: {  	[tilespmem:s16], [sflag:$0x4] =	stream.linear.gather [hbm4b:s10+s2], $0x4E00, $0x38;
	[tilespmem:$0x1FCC0] =	vst v63  }
0x26: {  	_ =	swait.ge [sflag:s15], $0x4E00  }
0x27: {  	[sflag:s15] =	ssyncset.done $0x0  }
0x28: {  	[sflag:s15] =	ssyncadd.s32 $0xFFFFB200  }
0x29: {  	[bflag:$0x0] =	sbarrier.arrive $0xFFFF  }
0x2a: {  	[tilespmem:s18], [sflag:$0x1] =	stream.indirect.gather [hbm4b:s3+s17], $0x80, s2, s17, $0xb8;
	[tilespmem:$0x1FCC0] =	vst v63  }
0x2b: {  	_ = 	snop  }
0x2c: {  	[tilespmem:s19], [sflag:$0x2] =	stream.indirect.gather [hbm4b:s3+s17], $0x80, s17, s17, $0xb8;
	[tilespmem:$0x1FCC0] =	vst v63  }
0x2d: {  	s20 =	simm.s32 $0x100  }
0x2e: {  	[tilespmem:s21], [sflag:$0x3] =	stream.indirect.gather [hbm4b:s3+s17], $0x80, s20, s17, $0xb8;
	[tilespmem:$0x1FCC0] =	vst v63  }
0x2f: {  	_ =	swait.ge [sflag:s22], $0x4000  }
0x30: {  	[sflag:s22] =	ssyncset.done $0x0  }
0x31: {  	s20 =	simm.s32 $0x5000;
	[sflag:s22] =	ssyncadd.s32 $0xFFFFC000  }
0x32: {  	[spmem:s1] =	stream.indirect.scatter.add.f32 [tilespmem:s18], [sflag:$0x4], $0x80, s20, s17, $0xb8;
	[tilespmem:$0x1FCC0] =	vst v63  }
0x33: {  	_ =	swait.ge [sflag:s15], $0x4000  }
0x34: {  	[sflag:s15] =	ssyncset.done $0x0  }
0x35: {  	[sflag:s15] =	ssyncadd.s32 $0xFFFFC000  }
0x36: {  	s20 =	simm.s32 $0x180;
	[bflag:$0x0] =	sbarrier.arrive $0xFFFF  }
0x37: {  	[tilespmem:s18], [sflag:$0x1] =	stream.indirect.gather [hbm4b:s3+s17], $0x80, s20, s17, $0xb8;
	[tilespmem:$0x1FCC0] =	vst v63  }
0x38: {  	_ =	swait.ge [sflag:s23], $0x4000  }
0x39: {  	[sflag:s23] =	ssyncset.done $0x0  }
0x3a: {  	s20 =	simm.s32 $0x5080;
	[sflag:s23] =	ssyncadd.s32 $0xFFFFC000  }
0x3b: {  	[spmem:s1] =	stream.indirect.scatter.add.f32 [tilespmem:s19], [sflag:$0x4], $0x80, s20, s17, $0xb8;
	[tilespmem:$0x1FCC0] =	vst v63  }
0x3c: {  	_ =	swait.ge [sflag:s15], $0x4000  }
0x3d: {  	[sflag:s15] =	ssyncset.done $0x0  }
0x3e: {  	[sflag:s15] =	ssyncadd.s32 $0xFFFFC000  }
0x3f: {  	s20 =	simm.s32 $0x200;
	[bflag:$0x0] =	sbarrier.arrive $0xFFFF  }
0x40: {  	[tilespmem:s19], [sflag:$0x2] =	stream.indirect.gather [hbm4b:s3+s17], $0x80, s20, s17, $0xb8;
	[tilespmem:$0x1FCC0] =	vst v63  }
0x41: {  	_ =	swait.ge [sflag:s24], $0x4000  }
0x42: {  	[sflag:s24] =	ssyncset.done $0x0  }
0x43: {  	s20 =	simm.s32 $0x5100;
	[sflag:s24] =	ssyncadd.s32 $0xFFFFC000  }
0x44: {  	[spmem:s1] =	stream.indirect.scatter.add.f32 [tilespmem:s21], [sflag:$0x4], $0x80, s20, s17, $0xb8;
	[tilespmem:$0x1FCC0] =	vst v63  }
0x45: {  	_ =	swait.ge [sflag:s15], $0x4000  }
0x46: {  	[sflag:s15] =	ssyncset.done $0x0  }
0x47: {  	[sflag:s15] =	ssyncadd.s32 $0xFFFFC000  }
0x48: {  	s31 =	simm.s32 $0x600;
	s0 =	simm.s32 $0x280;
	[bflag:$0x0] =	sbarrier.arrive $0xFFFF  }
.LBB2_2:
0x49: {  	[tilespmem:s21], [sflag:$0x3] =	stream.indirect.gather [hbm4b:s3+s17], $0x80, s0, s17, $0xb8;
	[tilespmem:$0x1FCC0] =	vst v63  }
0x4a: {  	p1 =	sne.s32 s31, $0x12C00;
	s0 =	smov.u32 s31;
	s31 =	sadd.s32 $0x600, s31  }
0x4b: {  	_ =	swait.ge [sflag:s22], $0x4000  }
0x4c: {  	s0 =	sshra.s32 s0, $0x2;
	[sflag:s22] =	ssyncset.done $0x0  }
0x4d: {  	s20 =	sadd.s32 $0x5000, s0;
	[sflag:s22] =	ssyncadd.s32 $0xFFFFC000  }
0x4e: {  	[spmem:s1] =	stream.indirect.scatter.add.f32 [tilespmem:s18], [sflag:$0x4], $0x80, s20, s17, $0xb8;
	[tilespmem:$0x1FCC0] =	vst v63  }
0x4f: {  	_ =	swait.ge [sflag:s15], $0x4000  }
0x50: {  	[sflag:s15] =	ssyncset.done $0x0  }
0x51: {  	[sflag:s15] =	ssyncadd.s32 $0xFFFFC000  }
0x52: {  	s20 =	sadd.s32 $0x180, s0;
	[bflag:$0x0] =	sbarrier.arrive $0xFFFF  }
0x53: {  	[tilespmem:s18], [sflag:$0x1] =	stream.indirect.gather [hbm4b:s3+s17], $0x80, s20, s17, $0xb8;
	[tilespmem:$0x1FCC0] =	vst v63  }
0x54: {  	_ =	swait.ge [sflag:s23], $0x4000  }
0x55: {  	[sflag:s23] =	ssyncset.done $0x0  }
0x56: {  	s20 =	sadd.s32 $0x5080, s0;
	[sflag:s23] =	ssyncadd.s32 $0xFFFFC000  }
0x57: {  	[spmem:s1] =	stream.indirect.scatter.add.f32 [tilespmem:s19], [sflag:$0x4], $0x80, s20, s17, $0xb8;
	[tilespmem:$0x1FCC0] =	vst v63  }
0x58: {  	_ =	swait.ge [sflag:s15], $0x4000  }
0x59: {  	[sflag:s15] =	ssyncset.done $0x0  }
0x5a: {  	[sflag:s15] =	ssyncadd.s32 $0xFFFFC000  }
0x5b: {  	s20 =	sadd.s32 $0x200, s0;
	[bflag:$0x0] =	sbarrier.arrive $0xFFFF  }
0x5c: {  	[tilespmem:s19], [sflag:$0x2] =	stream.indirect.gather [hbm4b:s3+s17], $0x80, s20, s17, $0xb8;
	[tilespmem:$0x1FCC0] =	vst v63  }
0x5d: {  	_ =	swait.ge [sflag:s24], $0x4000  }
0x5e: {  	[sflag:s24] =	ssyncset.done $0x0  }
0x5f: {  	s20 =	sadd.s32 $0x5100, s0;
	[sflag:s24] =	ssyncadd.s32 $0xFFFFC000  }
0x60: {  	[spmem:s1] =	stream.indirect.scatter.add.f32 [tilespmem:s21], [sflag:$0x4], $0x80, s20, s17, $0xb8;
	[tilespmem:$0x1FCC0] =	vst v63  }
.Ltmp0:
0x61: {  	_ =	swait.ge [sflag:s15], $0x4000;
	(pc) =	sbr.rel @p1 .LBB2_2-.Ltmp0, $4  }
0x62: {  	[sflag:s15] =	ssyncset.done $0x0  }
0x63: {  	[sflag:s15] =	ssyncadd.s32 $0xFFFFC000  }
0x64: {  	[bflag:$0x0] =	sbarrier.arrive $0xFFFF  }
0x65: {  	s0 =	sadd.s32 $0x280, s0  }
0x66: {  	[tilespmem:s21], [sflag:$0x3] =	stream.indirect.gather [hbm4b:s3+s17], $0x80, s0, s17, $0xb8;
	[tilespmem:$0x1FCC0] =	vst v63  }
0x67: {  	_ =	swait.ge [sflag:s22], $0x4000  }
0x68: {  	[sflag:s22] =	ssyncset.done $0x0  }
0x69: {  	[sflag:s22] =	ssyncadd.s32 $0xFFFFC000  }
0x6a: {  	[spmem:s1] =	stream.indirect.scatter.add.f32 [tilespmem:s18], [sflag:$0x4], $0x80, s25, s17, $0xb8;
	[tilespmem:$0x1FCC0] =	vst v63  }
0x6b: {  	_ =	swait.ge [sflag:s15], $0x4000  }
0x6c: {  	[sflag:s15] =	ssyncset.done $0x0  }
0x6d: {  	[sflag:s15] =	ssyncadd.s32 $0xFFFFC000  }
0x6e: {  	[bflag:$0x0] =	sbarrier.arrive $0xFFFF  }
0x6f: {  	_ =	swait.ge [sflag:s23], $0x4000  }
0x70: {  	[sflag:s23] =	ssyncset.done $0x0  }
0x71: {  	[sflag:s23] =	ssyncadd.s32 $0xFFFFC000  }
0x72: {  	[spmem:s1] =	stream.indirect.scatter.add.f32 [tilespmem:s19], [sflag:$0x4], $0x80, s26, s17, $0xb8;
	[tilespmem:$0x1FCC0] =	vst v63  }
0x73: {  	_ =	swait.ge [sflag:s15], $0x4000  }
0x74: {  	[sflag:s15] =	ssyncset.done $0x0  }
0x75: {  	[sflag:s15] =	ssyncadd.s32 $0xFFFFC000  }
0x76: {  	[bflag:$0x0] =	sbarrier.arrive $0xFFFF  }
0x77: {  	_ =	swait.ge [sflag:s24], $0x4000  }
0x78: {  	[sflag:s24] =	ssyncset.done $0x0  }
0x79: {  	[sflag:s24] =	ssyncadd.s32 $0xFFFFC000  }
0x7a: {  	[spmem:s1] =	stream.indirect.scatter.add.f32 [tilespmem:s21], [sflag:$0x4], $0x80, s28, s17, $0xb8;
	[tilespmem:$0x1FCC0] =	vst v63  }
0x7b: {  	_ =	swait.ge [sflag:s15], $0x4000  }
0x7c: {  	[sflag:s15] =	ssyncset.done $0x0  }
0x7d: {  	[sflag:s15] =	ssyncadd.s32 $0xFFFFC000  }
0x7e: {  	[bflag:$0x0] =	sbarrier.arrive $0xFFFF  }
0x7f: {  	[tilespmem:s2], [sflag:$0x4] =	stream.linear.gather [hbm4b:s6+s2], $0x20, $0x38;
	[tilespmem:$0x1FCC0] =	vst v63  }
0x80: {  	_ =	swait.ge [sflag:s15], $0x20  }
0x81: {  	[sflag:s15] =	ssyncset.done $0x0  }
0x82: {  	[sflag:s15] =	ssyncadd.s32 $0xFFFFFFE0  }
0x83: {  	[tilespmem:s16], [sflag:$0x4] =	stream.linear.gather [hbm4b:s11+s2], $0x20, $0x38;
	[tilespmem:$0x1FCC0] =	vst v63  }
0x84: {  	_ =	swait.ge [sflag:s15], $0x20  }
0x85: {  	[sflag:s15] =	ssyncset.done $0x0  }
0x86: {  	[sflag:s15] =	ssyncadd.s32 $0xFFFFFFE0  }
0x87: {  	[tilespmem:s18], [sflag:$0x1] =	stream.indirect.gather [hbm4b:s3+s29], $0x80, s2, s29, $0xb8;
	[tilespmem:$0x1FCC0] =	vst v63  }
0x88: {  	_ =	swait.ge [sflag:s22], $0x1000  }
0x89: {  	[sflag:s22] =	ssyncset.done $0x0  }
0x8a: {  	[sflag:s22] =	ssyncadd.s32 $0xFFFFF000  }
0x8b: {  	[spmem:s1] =	stream.indirect.scatter.add.f32 [tilespmem:s18], [sflag:$0x4], $0x80, s16, s29, $0xb8;
	[tilespmem:$0x1FCC0] =	vst v63  }
0x8c: {  	_ =	swait.ge [sflag:s15], $0x1000  }
0x8d: {  	[sflag:s15] =	ssyncset.done $0x0  }
0x8e: {  	[sflag:s15] =	ssyncadd.s32 $0xFFFFF000  }
0x8f: {  	s0 =	simm.s32 @p0 $0x4;
	[bflag:$0x0] =	sbarrier.arrive $0xFFFF  }
0x90: {  	[hbm:s7], [sflag:s12] =	dma.local @p0 [spmem:s13], $0x1380  }
0x91: {  	_ =	swait.ge @p0 [sflag:s0], $0x1380  }
0x92: {  	s30 =	sadd.s32 $0x1, s30;
	[sflag:s0] =	ssyncset.done @p0 $0x0  }
0x93: {  	p1 =	sne.s32 s30, s9;
	[sflag:s0] =	ssyncadd.s32 @p0 $0xFFFFEC80;
	s0 =	simm.s32 @!p0 $0x1C04  }
0x94: {  	[hbm:s8], [sflag:s0] =	dma.local @!p0 [spmem:s14], $0x1400  }
.Ltmp1:
0x95: {  	_ = 	snop;
	(pc) =	sbr.rel @p1 .LBB2_1-.Ltmp1, $4  }
0x96: {  	s0 =	simm.s32 @!p0 $0x4  }
0x97: {  	_ =	swait.ge @!p0 [sflag:s0], $0x1400  }
0x98: {  	[sflag:s0] =	ssyncset.done @!p0 $0x0  }
0x99: {  	[sflag:s0] =	ssyncadd.s32 @!p0 $0xFFFFEC00  }
0x9a: {  	_ =	sfence.sel $0x180000  }
0x9b: {  	[bflag:$0x0] =	sbarrier.arrive $0xFFFF  }
0x9c: {  	_ =	strace $0x9000004D  }
0x9d: {  	[bflag:$0x2] =	sbarrier.arrive $0xFFFF  }
0x9e: {  	s0 =	rddreg [dreg:$0x3]  }
0x9f: {  	s0 =	sadd.s32 @!p0 $0x100000, s0  }
0xa0: {  	[sflag:s0] =	ssyncadd.tile.s32 @!p0 $0x1;
	_ =	shalt  }
.Lfunc_end2:
_tile_overlayer_lowered:
.L_overlay_start_2:
0xa1: {  	(tag) =	ssettag $0x2  }
0xa2: {  	s0 =	rddreg [dreg:$0x0];
	s2 =	stileid.u32  }
0xa3: {  	s1 =	rddreg [dreg:$0x1];
	p0 =	sne.s32 s2, $0x0  }
0xa4: {  	s3 =	rddreg [dreg:$0x2];
	[bflag:$0x3] =	sbarrier.arrive $0xFFFF;
	s2 =	simm.s32 @!p0 $0x1C04  }
0xa5: {  	[timem:s3], [sflag:s2] =	dma.local @!p0 [hbm:s0], s1  }
0xa6: {  	s0 =	simm.s32 @!p0 $0x4  }
0xa7: {  	_ =	swait.ge @!p0 [sflag:s0], s1  }
0xa8: {  	s1 =	ssub.s32 @!p0 $0x0, s1;
	[sflag:s0] =	ssyncset.done @!p0 $0x0  }
0xa9: {  	[sflag:s0] =	ssyncadd.s32 @!p0 s1  }
0xaa: {  	[bflag:$0x3] =	sbarrier.arrive $0xFFFF  }
0xab: {  	_ =	shalt  }

// kernel: kernel.8.cloned.1.call-start
scs
__scs_entry_jumppad:
0x0: {  	(pc) =	sbr.rel $0x88, $3  }
0x1: {  	(tag) =	ssettag $0x0;
	lr =	simm.s32 $0x1  }
0x2: {  	[smem:$0x3F8A] =	sst lr;
	_ =	strace $0xD0000000  }
0x3: {  	_ = 	snop  }
0x4: {  	_ = 	snop  }
0x5: {  	_ = 	snop  }
0x6: {  	_ = 	snop  }
0x7: {  	_ = 	snop  }
__scs_overlays_trampoline_lowered:
0x8: {  	[smem:$0x3F99] =	sst s0  }
0x9: {  	[smem:$0x3F9A] =	sst s1  }
0xa: {  	[smem:$0x3F9B] =	sst s2  }
0xb: {  	[smem:$0x3F9C] =	sst s3  }
0xc: {  	[smem:$0x3F9D] =	sst s4  }
0xd: {  	[smem:$0x3F9E] =	sst s5  }
0xe: {  	[smem:$0x3F9F] =	sst s6  }
0xf: {  	[smem:$0x3FA0] =	sst s7  }
0x10: {  	[smem:$0x3FA1] =	sst s8  }
0x11: {  	[smem:$0x3FA2] =	sst s9;
	s0 =	simm.s32 @!p0 $0x0  }
0x12: {  	s1 =	sld [smem:$0x3F88];
	s0 =	simm.s32 @p0 $0x1  }
0x13: {  	[smem:$0x3FA3] =	sst s0;
	s0 =	simm.s32 @!p1 $0x0  }
0x14: {  	s2 =	sld [smem:$0x3F87];
	s0 =	simm.s32 @p1 $0x1  }
0x15: {  	[smem:$0x3FA4] =	sst s0;
	s0 =	simm.s32 @!p2 $0x0  }
0x16: {  	s3 =	sld [smem:$0x3FDB];
	s0 =	simm.s32 @p2 $0x1  }
0x17: {  	s4 =	simm.s32 $0x1BF5;
	[smem:$0x3FA6] =	sst s0  }
0x18: {  	s0 =	sld [smem:$0x3F89];
	_ =	swait.ge [sflag:s4], $0x0  }
0x19: {  	s7 =	sld [smem:$0x3F8A]  }
0x1a: {  	s8 =	sadd.s32 $0xFFFFE003, lr  }
0x1b: {  	s9 =	sadd.s32 $0xFFFFFEF7, lr;
	s5 =	simm.s32 $0xFFFFFFFF;
	p2 =	slt.u32 s8, $0xFFFFF086  }
0x1c: {  	p1 =	slt.u32 s9, $0xF7A;
	s5 =	simm.s32 @!p2 $0x0  }
0x1d: {  	s5 =	simm.s32 @p1 $0x1;
	p0 =	seq.s32 s7, s2  }
0x1e: {  	s7 =	smul.u32 @!p0 $0xF7A, s2;
	p2 =	seq.s32 @!p0 s5, $0x0  }
0x1f: {  	s9 =	smul.u32 $0xF7A, s1;
	s8 =	simm.s32 @!p0 $0x1BF5;
	p2 =	por !p2, p0  }
0x20: {  	[sflag:s8] =	ssyncset.s32 @!p0 $0xFFFFF086;
	s6 =	sadd.s32 @!p0 s3, s7;
	s7 =	simm.s32 @!p0 $0x108  }
0x21: {  	s3 =	sadd.s32 s3, s9;
	s6 =	sadd.s32 @!p0 $0x88, s6;
	s7 =	simm.s32 @p2 $0x1082  }
0x22: {  	[simem:s7], [sflag:s8] =	dma.local @!p0 [hbm:s6], $0xF7A  }
0x23: {  	s9 =	sor.u32 $0xD0000000, s2;
	s6 =	simm.s32 $0x108;
	_ =	swait.ge @!p0 [sflag:s8], $0x0  }
0x24: {  	s3 =	sadd.s32 $0x88, s3;
	s6 =	simm.s32 @!p1 $0x1082;
	[sflag:s4] =	ssyncset.s32 $0xFFFFF086  }
0x25: {  	[simem:s6], [sflag:s4] =	dma.local [hbm:s3], $0xF7A  }
0x26: {  	[smem:$0x3F8A] =	sst s1;
	(tag) =	ssettag s2;
	_ =	strace s9  }
0x27: {  	s1 =	sld [smem:$0x3F9A]  }
0x28: {  	s2 =	sld [smem:$0x3F9B]  }
0x29: {  	s4 =	sld [smem:$0x3F9D]  }
0x2a: {  	p0 =	seq.s32 s5, $0x0;
	s5 =	sld [smem:$0x3F9E]  }
0x2b: {  	s6 =	sld [smem:$0x3F9F]  }
0x2c: {  	s7 =	sld [smem:$0x3FA0]  }
0x2d: {  	s3 =	simm.s32 $0x108;
	s8 =	sld [smem:$0x3FA1]  }
0x2e: {  	s3 =	simm.s32 @!p0 $0x1082;
	s9 =	sld [smem:$0x3FA2]  }
0x2f: {  	lr =	sadd.s32 s0, s3;
	s0 =	sld [smem:$0x3F99]  }
0x30: {  	s3 =	sld [smem:$0x3F9C]  }
0x31: {  	[smem:$0x3FA5] =	sst s10  }
0x32: {  	s10 =	sld [smem:$0x3FA3];
	_ =	sdelay $0x3  }
0x33: {  	p0 =	seq.s32 s10, $0x1;
	s10 =	sld [smem:$0x3FA5];
	_ =	sdelay $0x3  }
0x34: {  	[smem:$0x3FA5] =	sst s10  }
0x35: {  	s10 =	sld [smem:$0x3FA4];
	_ =	sdelay $0x3  }
0x36: {  	p1 =	seq.s32 s10, $0x1;
	s10 =	sld [smem:$0x3FA5];
	_ =	sdelay $0x3  }
0x37: {  	[smem:$0x3FA5] =	sst s10  }
0x38: {  	s10 =	sld [smem:$0x3FA6]  }
0x39: {  	_ = 	snop;
	(pc) =	sbr.ind lr, $3  }
0x3a: {  	_ = 	snop  }
0x3b: {  	_ = 	snop  }
0x3c: {  	p2 =	seq.s32 s10, $0x1;
	s10 =	sld [smem:$0x3FA5]  }
0x3d: {  	_ =	shalt  }
0x3e: {  	_ =	shalt  }
0x3f: {  	_ =	shalt  }
0x40: {  	_ =	shalt  }
0x41: {  	_ =	shalt  }
0x42: {  	_ =	shalt  }
0x43: {  	_ =	shalt  }
0x44: {  	_ =	shalt  }
0x45: {  	_ =	shalt  }
0x46: {  	_ =	shalt  }
0x47: {  	_ =	shalt  }
0x48: {  	_ =	shalt  }
0x49: {  	_ =	shalt  }
0x4a: {  	_ =	shalt  }
0x4b: {  	_ =	shalt  }
0x4c: {  	_ =	shalt  }
0x4d: {  	_ =	shalt  }
0x4e: {  	_ =	shalt  }
0x4f: {  	_ =	shalt  }
0x50: {  	_ =	shalt  }
0x51: {  	_ =	shalt  }
0x52: {  	_ =	shalt  }
0x53: {  	_ =	shalt  }
0x54: {  	_ =	shalt  }
0x55: {  	_ =	shalt  }
0x56: {  	_ =	shalt  }
0x57: {  	_ =	shalt  }
0x58: {  	_ =	shalt  }
0x59: {  	_ =	shalt  }
0x5a: {  	_ =	shalt  }
0x5b: {  	_ =	shalt  }
0x5c: {  	_ =	shalt  }
0x5d: {  	_ =	shalt  }
0x5e: {  	_ =	shalt  }
0x5f: {  	_ =	shalt  }
0x60: {  	_ =	shalt  }
0x61: {  	_ =	shalt  }
0x62: {  	_ =	shalt  }
0x63: {  	_ =	shalt  }
0x64: {  	_ =	shalt  }
0x65: {  	_ =	shalt  }
0x66: {  	_ =	shalt  }
0x67: {  	_ =	shalt  }
0x68: {  	_ =	shalt  }
0x69: {  	_ =	shalt  }
0x6a: {  	_ =	shalt  }
0x6b: {  	_ =	shalt  }
0x6c: {  	_ =	shalt  }
0x6d: {  	_ =	shalt  }
0x6e: {  	_ =	shalt  }
0x6f: {  	_ =	shalt  }
0x70: {  	_ =	shalt  }
0x71: {  	_ =	shalt  }
0x72: {  	_ =	shalt  }
0x73: {  	_ =	shalt  }
0x74: {  	_ =	shalt  }
0x75: {  	_ =	shalt  }
0x76: {  	_ =	shalt  }
0x77: {  	_ =	shalt  }
0x78: {  	_ =	shalt  }
0x79: {  	_ =	shalt  }
0x7a: {  	_ =	shalt  }
0x7b: {  	_ =	shalt  }
0x7c: {  	_ =	shalt  }
0x7d: {  	_ =	shalt  }
0x7e: {  	_ =	shalt  }
0x7f: {  	_ =	shalt  }
0x80: {  	_ =	shalt  }
0x81: {  	_ =	shalt  }
0x82: {  	_ =	shalt  }
0x83: {  	_ =	shalt  }
0x84: {  	_ =	shalt  }
0x85: {  	_ =	shalt  }
0x86: {  	_ =	shalt  }
0x87: {  	_ =	shalt  }
.Lfunc_end0:
.L_simem_size_0:
called_computation_lowered:
.L_overlay_start_0:
0x88: {  	s2 =	sld [smem:$0x3FD9]  }
0x89: {  	s3 =	sld [smem:$0x3FFE];
	_ =	sdelay $0x1  }
0x8a: {  	s1 =	srdreg.scid  }
0x8b: {  	s0 =	sand.u32 $0x1, s1  }
0x8c: {  	s17 =	sshll.u32 s0, $0xA;
	s2 =	sadd.s32 s3, s2  }
0x8d: {  	s2 =	sadd.s32 s2, s17  }
0x8e: {  	[smem:$0x3FB1] =	sst s2  }
0x8f: {  	_ = 	snop  }
0x90: {  	s2 =	sld [smem:$0x3FC9]  }
0x91: {  	s18 =	sld [smem:$0x3FD0];
	(tm) =	ssettm $0x1  }
0x92: {  	s4 =	sld [smem:$0x3FFB];
	_ =	sdelay $0x3  }
0x93: {  	_ =	strace s4  }
0x94: {  	s4 =	sld [smem:$0x3FFC];
	_ =	sdelay $0x3  }
0x95: {  	_ =	strace s4  }
0x96: {  	s4 =	sld [smem:$0x3FFD];
	_ =	sdelay $0x3  }
0x97: {  	_ =	strace s4  }
0x98: {  	_ =	strace $0x8FFFFFFF  }
0x99: {  	s19 =	sld [smem:$0x3FDB];
	_ =	sdelay $0x1  }
0x9a: {  	s5 =	simm.s32 $_scs_section_size  }
0x9b: {  	s6 =	simm.s32 $_size__tile_overlayer_lowered;
	s7 =	simm.s32 $_tile_overlayer_lowered  }
0x9c: {  	s22 =	simm.s32 $0x1BFF;
	s21 =	sshll.u32 s7, $0x1;
	s4 =	sadd.s32 s5, s19  }
0x9d: {  	s8 =	simm.s32 $0x0;
	s20 =	sshll.u32 s6, $0x1;
	s6 =	sadd.s32 s21, s4  }
0x9e: {  	[timem:s8], [sflag:s22] =	dma.local [hbm:s6], s20  }
0x9f: {  	_ =	swait.ge [sflag:s22], s20  }
0xa0: {  	s5 =	ssub.s32 $0x0, s20;
	[sflag:s22] =	ssyncset.done $0x0  }
0xa1: {  	[sflag:s22] =	ssyncadd.s32 s5;
	_ =	sdelay $0x1  }
0xa2: {  	s23 =	simm.s32 $0x1B8B  }
0xa3: {  	_ =	swait.ge [sflag:s23], $0x1  }
0xa4: {  	[sflag:s23] =	ssyncset.done $0x0  }
0xa5: {  	s25 =	simm.s32 $0x1B8E;
	s24 =	sld [smem:$0x3FFE];
	[sflag:s23] =	ssyncadd.s32 $0xFFFFFFFF  }
0xa6: {  	s26 =	simm.s32 $execute0_lowered;
	[smem:$0x3FD2] =	sst s25  }
0xa7: {  	s6 =	sshll.u32 s26, $0x1;
	_ =	strace $0x80000046;
	[dreg:$0x1] =	wrdreg $0xFFFFFFFF  }
0xa8: {  	s28 =	simm.s32 $_size_execute0_lowered;
	s4 =	sadd.s32 s4, s6;
	[dreg:$0x0] =	wrdreg $0x0  }
0xa9: {  	s6 =	sshll.u32 s28, $0x1;
	[dreg:$0x2] =	wrdreg s4  }
0xaa: {  	[dreg:$0x3] =	wrdreg s6  }
0xab: {  	[dreg:$0x4] =	wrdreg $0xC0  }
0xac: {  	_ =	task [dreg:s8], $0x5FFFF  }
0xad: {  	[dreg:$0x1] =	wrdreg $0xFFFFFFFF  }
0xae: {  	[dreg:$0x0] =	wrdreg $0x60  }
0xaf: {  	[dreg:$0x2] =	wrdreg s2  }
0xb0: {  	[dreg:$0x3] =	wrdreg s24  }
0xb1: {  	[dreg:$0x4] =	wrdreg s18  }
0xb2: {  	[dreg:$0x5] =	wrdreg $0x160000  }
0xb3: {  	[dreg:$0x6] =	wrdreg $0x9  }
0xb4: {  	_ =	task.clear_ibuf [dreg:s8], $0x7FFFF;
	_ =	strace $0x90000046  }
0xb5: {  	s29 =	simm.s32 $0x9;
	_ =	strace $0x80000048  }
0xb6: {  	_ =	swait.ge [sflag:s29], $0x1  }
0xb7: {  	[sflag:s29] =	ssyncadd.s32 $0xFFFFFFFF  }
0xb8: {  	_ =	strace $0x90000048  }
0xb9: {  	_ =	sfence  }
0xba: {  	s30 =	sld [smem:$0x0];
	_ =	sdelay $0x2  }
0xbb: {  	s31 =	sshll.u32 s1, $0xD;
	s1 =	sshrl.u32 s1, $0x2  }
0xbc: {  	s3 =	sand.u32 $0x4000, s31;
	s1 =	sadd.s32 s1, s30  }
0xbd: {  	s0 =	sor.u32 s3, s0;
	s1 =	sshll.u32 s1, $0x11  }
0xbe: {  	s0 =	sor.u32 s1, s0  }
0xbf: {  	s0 =	sadd.s32 $0x8F2B, s0  }
0xc0: {  	[sflag:s0] =	ssyncadd.remote.s32 $0x1  }
0xc1: {  	_ =	sfence.sel $0xFFFF  }
0xc2: {  	[dreg:$0x0] =	wrdreg $0xFFFFFFFF;
	(pc) =	sbr.abs _section_cstart, $3  }
0xc3: {  	[dreg:$0x1] =	wrdreg $0xFFFFFFFF  }
0xc4: {  	_ =	task.clear_ibuf [dreg:s8], $0x2FFFF;
	_ =	strace $0x9FFFFFFF  }
0xc5: {  	(tm) =	ssettm $0x7FFFFFFF  }
tec
execute0_lowered:
.L_overlay_start_1:
0x0: {  	(tag) =	ssettag $0x1  }
0x1: {  	s1 =	rddreg [dreg:$0x0]  }
0x2: {  	s0 =	rddreg [dreg:$0x1]  }
0x3: {  	s6 =	rddreg [dreg:$0x2]  }
0x4: {  	s2 =	rddreg [dreg:$0x3];
	s3 =	simm.s32 $0x0  }
0x5: {  	s12 =	stileid.u32;
	s7 =	srdreg.scid;
	s9 =	simm.s32 $0x0  }
0x6: {  	s19 =	simm.s32 $0xE000;
	s21 =	simm.s32 $0x12000;
	s22 =	simm.s32 $0x1  }
0x7: {  	s23 =	simm.s32 $0x2;
	s28 =	simm.s32 $0x9D80;
	s29 =	simm.s32 $0x20  }
0x8: {  	s30 =	simm.s32 $0x0;
	[smem:$0x7FF] =	sst s3;
	s10 =	smul.u32 $0xA00, s12  }
0x9: {  	s11 =	sadd.s32 $0xEC00, s0;
	s13 =	sadd.s32 $0x4C00, s0;
	s14 =	sadd.s32 $0x18E00, s0  }
0xa: {  	s15 =	sadd.s32 $0x18C00, s0;
	s8 =	smul.u32 $0x138, s12;
	p0 =	seq.s32 s12, $0x0  }
0xb: {  	s4 =	sadd.s32 $0x23000, s0;
	s7 =	sand.u32 $0x1, s7;
	s25 =	sshll.u32 s12, $0x2  }
0xc: {  	_ =	strace $0x80000047;
	s9 =	simm.s32 @!p0 $0x8;
	s17 =	smul.u32 $0x1388, s7  }
0xd: {  	s16 =	ssub.s32 $0x2, s7;
	s26 =	smul.u32 $0x13880, s7;
	p0 =	seq.s32 s7, $0x0  }
0xe: {  	s6 =	sadd.s32 s6, s25;
	s5 =	sadd.s32 s10, s0;
	s0 =	sadd.s32 $0x24400, s0  }
0xf: {  	s8 =	sadd.s32 s8, s9;
	s24 =	sshrl.u32 s16, $0x1;
	s13 =	smov.u32 @p0 s11  }
0x10: {  	s15 =	smov.u32 @p0 s14;
	p0 =	sne.s32 s12, $0x0;
	s18 =	sshll.u32 s8, $0x7  }
0x11: {  	s9 =	ssub.s32 s16, s24;
	s5 =	sadd.s32 $0x19000, s5;
	s8 =	sadd.s32 s17, s8  }
0x12: {  	s10 =	sadd.s32 s13, s10;
	s11 =	sadd.s32 s15, s25;
	s14 =	sshrl.u32 @!p0 s2, $0x3  }
0x13: {  	s15 =	simm.s32 $0x4;
	s17 =	simm.s32 $0x80;
	s24 =	simm.s32 $0x3  }
0x14: {  	s25 =	simm.s32 $0x9C80;
	s16 =	sadd.s32 s18, s2;
	s31 =	sshll.u32 s8, $0x4  }
0x15: {  	s8 =	sadd.s32 s0, s26;
	s9 =	smax.u32 s9, $0x1;
	s18 =	simm.s32 $0xA000  }
0x16: {  	s26 =	simm.s32 $0x9D00;
	s7 =	sadd.s32 s0, s31;
	s0 =	sshll.u32 @p0 s12, $0x6  }
0x17: {  	s13 =	sshrl.u32 @p0 s16, $0x3;
	s16 =	simm.s32 $0x5000;
	s12 =	sor.u32 @p0 $0x1C04, s0  }
.LBB2_1:
0x18: {  	[spmem:s13], [sflag:s12] =	dma.local @p0 [hbm:s4], $0x1380  }
0x19: {  	s0 =	simm.s32 @p0 $0x4  }
0x1a: {  	_ =	swait.ge @p0 [sflag:s0], $0x1380  }
0x1b: {  	[sflag:s0] =	ssyncset.done @p0 $0x0  }
0x1c: {  	[sflag:s0] =	ssyncadd.s32 @p0 $0xFFFFEC80;
	s0 =	simm.s32 @!p0 $0x1C04  }
0x1d: {  	[spmem:s14], [sflag:s0] =	dma.local @!p0 [hbm:s4], $0x1400  }
0x1e: {  	s0 =	simm.s32 @!p0 $0x4  }
0x1f: {  	_ =	swait.ge @!p0 [sflag:s0], $0x1400  }
0x20: {  	[sflag:s0] =	ssyncset.done @!p0 $0x0  }
0x21: {  	[sflag:s0] =	ssyncadd.s32 @!p0 $0xFFFFEC00  }
0x22: {  	[tilespmem:s3], [sflag:$0x4] =	stream.linear.gather [hbm4b:s5+s3], $0x4E00, $0x38;
	[tilespmem:$0x1FCC0] =	vst v63  }
0x23: {  	_ =	swait.ge [sflag:s15], $0x4E00  }
0x24: {  	[sflag:s15] =	ssyncset.done $0x0  }
0x25: {  	[sflag:s15] =	ssyncadd.s32 $0xFFFFB200  }
0x26: {  	[tilespmem:s16], [sflag:$0x4] =	stream.linear.gather [hbm4b:s10+s3], $0x4E00, $0x38;
	[tilespmem:$0x1FCC0] =	vst v63  }
0x27: {  	_ =	swait.ge [sflag:s15], $0x4E00  }
0x28: {  	[sflag:s15] =	ssyncset.done $0x0  }
0x29: {  	[sflag:s15] =	ssyncadd.s32 $0xFFFFB200  }
0x2a: {  	[bflag:$0x0] =	sbarrier.arrive $0xFFFF  }
0x2b: {  	[tilespmem:s18], [sflag:$0x1] =	stream.indirect.gather [hbm4b:s1+s17], $0x80, s3, s17, $0xb8;
	[tilespmem:$0x1FCC0] =	vst v63  }
0x2c: {  	_ = 	snop  }
0x2d: {  	[tilespmem:s19], [sflag:$0x2] =	stream.indirect.gather [hbm4b:s1+s17], $0x80, s17, s17, $0xb8;
	[tilespmem:$0x1FCC0] =	vst v63  }
0x2e: {  	s20 =	simm.s32 $0x100  }
0x2f: {  	[tilespmem:s21], [sflag:$0x3] =	stream.indirect.gather [hbm4b:s1+s17], $0x80, s20, s17, $0xb8;
	[tilespmem:$0x1FCC0] =	vst v63  }
0x30: {  	_ =	swait.ge [sflag:s22], $0x4000  }
0x31: {  	[sflag:s22] =	ssyncset.done $0x0  }
0x32: {  	s20 =	simm.s32 $0x5000;
	[sflag:s22] =	ssyncadd.s32 $0xFFFFC000  }
0x33: {  	[spmem:s2] =	stream.indirect.scatter.add.f32 [tilespmem:s18], [sflag:$0x4], $0x80, s20, s17, $0xb8;
	[tilespmem:$0x1FCC0] =	vst v63  }
0x34: {  	_ =	swait.ge [sflag:s15], $0x4000  }
0x35: {  	[sflag:s15] =	ssyncset.done $0x0  }
0x36: {  	[sflag:s15] =	ssyncadd.s32 $0xFFFFC000  }
0x37: {  	s20 =	simm.s32 $0x180;
	[bflag:$0x0] =	sbarrier.arrive $0xFFFF  }
0x38: {  	[tilespmem:s18], [sflag:$0x1] =	stream.indirect.gather [hbm4b:s1+s17], $0x80, s20, s17, $0xb8;
	[tilespmem:$0x1FCC0] =	vst v63  }
0x39: {  	_ =	swait.ge [sflag:s23], $0x4000  }
0x3a: {  	[sflag:s23] =	ssyncset.done $0x0  }
0x3b: {  	s20 =	simm.s32 $0x5080;
	[sflag:s23] =	ssyncadd.s32 $0xFFFFC000  }
0x3c: {  	[spmem:s2] =	stream.indirect.scatter.add.f32 [tilespmem:s19], [sflag:$0x4], $0x80, s20, s17, $0xb8;
	[tilespmem:$0x1FCC0] =	vst v63  }
0x3d: {  	_ =	swait.ge [sflag:s15], $0x4000  }
0x3e: {  	[sflag:s15] =	ssyncset.done $0x0  }
0x3f: {  	[sflag:s15] =	ssyncadd.s32 $0xFFFFC000  }
0x40: {  	s20 =	simm.s32 $0x200;
	[bflag:$0x0] =	sbarrier.arrive $0xFFFF  }
0x41: {  	[tilespmem:s19], [sflag:$0x2] =	stream.indirect.gather [hbm4b:s1+s17], $0x80, s20, s17, $0xb8;
	[tilespmem:$0x1FCC0] =	vst v63  }
0x42: {  	_ =	swait.ge [sflag:s24], $0x4000  }
0x43: {  	[sflag:s24] =	ssyncset.done $0x0  }
0x44: {  	s20 =	simm.s32 $0x5100;
	[sflag:s24] =	ssyncadd.s32 $0xFFFFC000  }
0x45: {  	[spmem:s2] =	stream.indirect.scatter.add.f32 [tilespmem:s21], [sflag:$0x4], $0x80, s20, s17, $0xb8;
	[tilespmem:$0x1FCC0] =	vst v63  }
0x46: {  	_ =	swait.ge [sflag:s15], $0x4000  }
0x47: {  	[sflag:s15] =	ssyncset.done $0x0  }
0x48: {  	[sflag:s15] =	ssyncadd.s32 $0xFFFFC000  }
0x49: {  	s31 =	simm.s32 $0x600;
	s0 =	simm.s32 $0x280;
	[bflag:$0x0] =	sbarrier.arrive $0xFFFF  }
.LBB2_2:
0x4a: {  	[tilespmem:s21], [sflag:$0x3] =	stream.indirect.gather [hbm4b:s1+s17], $0x80, s0, s17, $0xb8;
	[tilespmem:$0x1FCC0] =	vst v63  }
0x4b: {  	p1 =	sne.s32 s31, $0x12C00;
	s0 =	smov.u32 s31;
	s31 =	sadd.s32 $0x600, s31  }
0x4c: {  	_ =	swait.ge [sflag:s22], $0x4000  }
0x4d: {  	s0 =	sshra.s32 s0, $0x2;
	[sflag:s22] =	ssyncset.done $0x0  }
0x4e: {  	s20 =	sadd.s32 $0x5000, s0;
	[sflag:s22] =	ssyncadd.s32 $0xFFFFC000  }
0x4f: {  	[spmem:s2] =	stream.indirect.scatter.add.f32 [tilespmem:s18], [sflag:$0x4], $0x80, s20, s17, $0xb8;
	[tilespmem:$0x1FCC0] =	vst v63  }
0x50: {  	_ =	swait.ge [sflag:s15], $0x4000  }
0x51: {  	[sflag:s15] =	ssyncset.done $0x0  }
0x52: {  	[sflag:s15] =	ssyncadd.s32 $0xFFFFC000  }
0x53: {  	s20 =	sadd.s32 $0x180, s0;
	[bflag:$0x0] =	sbarrier.arrive $0xFFFF  }
0x54: {  	[tilespmem:s18], [sflag:$0x1] =	stream.indirect.gather [hbm4b:s1+s17], $0x80, s20, s17, $0xb8;
	[tilespmem:$0x1FCC0] =	vst v63  }
0x55: {  	_ =	swait.ge [sflag:s23], $0x4000  }
0x56: {  	[sflag:s23] =	ssyncset.done $0x0  }
0x57: {  	s20 =	sadd.s32 $0x5080, s0;
	[sflag:s23] =	ssyncadd.s32 $0xFFFFC000  }
0x58: {  	[spmem:s2] =	stream.indirect.scatter.add.f32 [tilespmem:s19], [sflag:$0x4], $0x80, s20, s17, $0xb8;
	[tilespmem:$0x1FCC0] =	vst v63  }
0x59: {  	_ =	swait.ge [sflag:s15], $0x4000  }
0x5a: {  	[sflag:s15] =	ssyncset.done $0x0  }
0x5b: {  	[sflag:s15] =	ssyncadd.s32 $0xFFFFC000  }
0x5c: {  	s20 =	sadd.s32 $0x200, s0;
	[bflag:$0x0] =	sbarrier.arrive $0xFFFF  }
0x5d: {  	[tilespmem:s19], [sflag:$0x2] =	stream.indirect.gather [hbm4b:s1+s17], $0x80, s20, s17, $0xb8;
	[tilespmem:$0x1FCC0] =	vst v63  }
0x5e: {  	_ =	swait.ge [sflag:s24], $0x4000  }
0x5f: {  	[sflag:s24] =	ssyncset.done $0x0  }
0x60: {  	s20 =	sadd.s32 $0x5100, s0;
	[sflag:s24] =	ssyncadd.s32 $0xFFFFC000  }
0x61: {  	[spmem:s2] =	stream.indirect.scatter.add.f32 [tilespmem:s21], [sflag:$0x4], $0x80, s20, s17, $0xb8;
	[tilespmem:$0x1FCC0] =	vst v63  }
.Ltmp0:
0x62: {  	_ =	swait.ge [sflag:s15], $0x4000;
	(pc) =	sbr.rel @p1 .LBB2_2-.Ltmp0, $4  }
0x63: {  	[sflag:s15] =	ssyncset.done $0x0  }
0x64: {  	[sflag:s15] =	ssyncadd.s32 $0xFFFFC000  }
0x65: {  	[bflag:$0x0] =	sbarrier.arrive $0xFFFF  }
0x66: {  	s0 =	sadd.s32 $0x280, s0  }
0x67: {  	[tilespmem:s21], [sflag:$0x3] =	stream.indirect.gather [hbm4b:s1+s17], $0x80, s0, s17, $0xb8;
	[tilespmem:$0x1FCC0] =	vst v63  }
0x68: {  	_ =	swait.ge [sflag:s22], $0x4000  }
0x69: {  	[sflag:s22] =	ssyncset.done $0x0  }
0x6a: {  	[sflag:s22] =	ssyncadd.s32 $0xFFFFC000  }
0x6b: {  	[spmem:s2] =	stream.indirect.scatter.add.f32 [tilespmem:s18], [sflag:$0x4], $0x80, s25, s17, $0xb8;
	[tilespmem:$0x1FCC0] =	vst v63  }
0x6c: {  	_ =	swait.ge [sflag:s15], $0x4000  }
0x6d: {  	[sflag:s15] =	ssyncset.done $0x0  }
0x6e: {  	[sflag:s15] =	ssyncadd.s32 $0xFFFFC000  }
0x6f: {  	[bflag:$0x0] =	sbarrier.arrive $0xFFFF  }
0x70: {  	_ =	swait.ge [sflag:s23], $0x4000  }
0x71: {  	[sflag:s23] =	ssyncset.done $0x0  }
0x72: {  	[sflag:s23] =	ssyncadd.s32 $0xFFFFC000  }
0x73: {  	[spmem:s2] =	stream.indirect.scatter.add.f32 [tilespmem:s19], [sflag:$0x4], $0x80, s26, s17, $0xb8;
	[tilespmem:$0x1FCC0] =	vst v63  }
0x74: {  	_ =	swait.ge [sflag:s15], $0x4000  }
0x75: {  	[sflag:s15] =	ssyncset.done $0x0  }
0x76: {  	[sflag:s15] =	ssyncadd.s32 $0xFFFFC000  }
0x77: {  	[bflag:$0x0] =	sbarrier.arrive $0xFFFF  }
0x78: {  	_ =	swait.ge [sflag:s24], $0x4000  }
0x79: {  	[sflag:s24] =	ssyncset.done $0x0  }
0x7a: {  	[sflag:s24] =	ssyncadd.s32 $0xFFFFC000  }
0x7b: {  	[spmem:s2] =	stream.indirect.scatter.add.f32 [tilespmem:s21], [sflag:$0x4], $0x80, s28, s17, $0xb8;
	[tilespmem:$0x1FCC0] =	vst v63  }
0x7c: {  	_ =	swait.ge [sflag:s15], $0x4000  }
0x7d: {  	[sflag:s15] =	ssyncset.done $0x0  }
0x7e: {  	[sflag:s15] =	ssyncadd.s32 $0xFFFFC000  }
0x7f: {  	[bflag:$0x0] =	sbarrier.arrive $0xFFFF  }
0x80: {  	[tilespmem:s3], [sflag:$0x4] =	stream.linear.gather [hbm4b:s6+s3], $0x20, $0x38;
	[tilespmem:$0x1FCC0] =	vst v63  }
0x81: {  	_ =	swait.ge [sflag:s15], $0x20  }
0x82: {  	[sflag:s15] =	ssyncset.done $0x0  }
0x83: {  	[sflag:s15] =	ssyncadd.s32 $0xFFFFFFE0  }
0x84: {  	[tilespmem:s16], [sflag:$0x4] =	stream.linear.gather [hbm4b:s11+s3], $0x20, $0x38;
	[tilespmem:$0x1FCC0] =	vst v63  }
0x85: {  	_ =	swait.ge [sflag:s15], $0x20  }
0x86: {  	[sflag:s15] =	ssyncset.done $0x0  }
0x87: {  	[sflag:s15] =	ssyncadd.s32 $0xFFFFFFE0  }
0x88: {  	[tilespmem:s18], [sflag:$0x1] =	stream.indirect.gather [hbm4b:s1+s29], $0x80, s3, s29, $0xb8;
	[tilespmem:$0x1FCC0] =	vst v63  }
0x89: {  	_ =	swait.ge [sflag:s22], $0x1000  }
0x8a: {  	[sflag:s22] =	ssyncset.done $0x0  }
0x8b: {  	[sflag:s22] =	ssyncadd.s32 $0xFFFFF000  }
0x8c: {  	[spmem:s2] =	stream.indirect.scatter.add.f32 [tilespmem:s18], [sflag:$0x4], $0x80, s16, s29, $0xb8;
	[tilespmem:$0x1FCC0] =	vst v63  }
0x8d: {  	_ =	swait.ge [sflag:s15], $0x1000  }
0x8e: {  	[sflag:s15] =	ssyncset.done $0x0  }
0x8f: {  	[sflag:s15] =	ssyncadd.s32 $0xFFFFF000  }
0x90: {  	s0 =	simm.s32 @p0 $0x4;
	[bflag:$0x0] =	sbarrier.arrive $0xFFFF  }
0x91: {  	[hbm:s7], [sflag:s12] =	dma.local @p0 [spmem:s13], $0x1380  }
0x92: {  	_ =	swait.ge @p0 [sflag:s0], $0x1380  }
0x93: {  	s30 =	sadd.s32 $0x1, s30;
	[sflag:s0] =	ssyncset.done @p0 $0x0  }
0x94: {  	p1 =	sne.s32 s30, s9;
	[sflag:s0] =	ssyncadd.s32 @p0 $0xFFFFEC80;
	s0 =	simm.s32 @!p0 $0x1C04  }
0x95: {  	[hbm:s8], [sflag:s0] =	dma.local @!p0 [spmem:s14], $0x1400  }
.Ltmp1:
0x96: {  	_ = 	snop;
	(pc) =	sbr.rel @p1 .LBB2_1-.Ltmp1, $4  }
0x97: {  	s0 =	simm.s32 @!p0 $0x4  }
0x98: {  	_ =	swait.ge @!p0 [sflag:s0], $0x1400  }
0x99: {  	[sflag:s0] =	ssyncset.done @!p0 $0x0  }
0x9a: {  	[sflag:s0] =	ssyncadd.s32 @!p0 $0xFFFFEC00  }
0x9b: {  	_ =	sfence.sel $0x180000  }
0x9c: {  	[bflag:$0x0] =	sbarrier.arrive $0xFFFF  }
0x9d: {  	_ =	strace $0x90000047  }
0x9e: {  	[bflag:$0x2] =	sbarrier.arrive $0xFFFF  }
0x9f: {  	s0 =	rddreg [dreg:$0x4]  }
0xa0: {  	s0 =	sadd.s32 @!p0 $0x100000, s0  }
0xa1: {  	[sflag:s0] =	ssyncadd.tile.s32 @!p0 $0x1;
	_ =	shalt  }
.Lfunc_end2:
_tile_overlayer_lowered:
.L_overlay_start_2:
0xa2: {  	(tag) =	ssettag $0x2  }
0xa3: {  	s0 =	rddreg [dreg:$0x0];
	s2 =	stileid.u32  }
0xa4: {  	s1 =	rddreg [dreg:$0x1];
	p0 =	sne.s32 s2, $0x0  }
0xa5: {  	s3 =	rddreg [dreg:$0x2];
	[bflag:$0x3] =	sbarrier.arrive $0xFFFF;
	s2 =	simm.s32 @!p0 $0x1C04  }
0xa6: {  	[timem:s3], [sflag:s2] =	dma.local @!p0 [hbm:s0], s1  }
0xa7: {  	s0 =	simm.s32 @!p0 $0x4  }
0xa8: {  	_ =	swait.ge @!p0 [sflag:s0], s1  }
0xa9: {  	s1 =	ssub.s32 @!p0 $0x0, s1;
	[sflag:s0] =	ssyncset.done @!p0 $0x0  }
0xaa: {  	[sflag:s0] =	ssyncadd.s32 @!p0 s1  }
0xab: {  	[bflag:$0x3] =	sbarrier.arrive $0xFFFF  }
0xac: {  	_ =	shalt  }

</sc_bundles>
